<compile_context>
chip_gen: v7x
topology: tpu7x:2x2x1
jax: 0.10.2.dev20260603
libtpu: 0.0.44.dev20260713+nightly
codegen_flags: <defaults>
</compile_context>

<pallas_src>
import functools

import jax
import jax.numpy as jnp
from jax import lax
from jax.experimental import pallas as pl
from jax.experimental.pallas import tpu as pltpu
from jax.experimental.pallas import tpu_sc as plsc

_K = 1024
_D = 64
_N = 32768
_RBLK = 2048

_NC = 2
_NS = 16
_NW = _NC * _NS
_RPW = _N // _NW
_CH = 128
_L = 16


_KCH = 256


def _bins_body(a_ref, c2_ref, cn_ref, if_ref, bins_ref):
    a = a_ref[...]
    s = a * a
    for w in (32, 16, 8, 4, 2, 1):
        s = s[:, :w] + s[:, w:]
    anorm = s
    m_run = jnp.full((_RBLK, 1), jnp.inf, jnp.float32)
    i_run = jnp.full((_RBLK, 1), float(_K), jnp.float32)
    for k0 in range(0, _K, _KCH):
        c2 = c2_ref[pl.ds(k0, _KCH), :]
        cn = cn_ref[:, pl.ds(k0, _KCH)]
        io = if_ref[:, pl.ds(k0, _KCH)]
        prod2 = lax.dot_general(
            a, c2, dimension_numbers=(((1,), (1,)), ((), ())),
            preferred_element_type=jnp.float32,
        )
        sq = anorm - prod2 + cn
        m_k = jnp.min(sq, axis=1, keepdims=True)
        i_k = jnp.min(jnp.where(sq <= m_k, io, float(_K)), axis=1, keepdims=True)
        better = m_k < m_run
        m_run = jnp.where(better, m_k, m_run)
        i_run = jnp.where(better, i_k, i_run)
    bins_ref[...] = i_run[:, 0].astype(jnp.int32)


def _compute_bins(a, centroids):
    grid = _N // _RBLK
    cnorm = jnp.sum(centroids * centroids, axis=1)[None, :]
    iota_f = jnp.arange(_K, dtype=jnp.float32)[None, :]
    return pl.pallas_call(
        _bins_body,
        grid=(grid,),
        in_specs=[
            pl.BlockSpec((_RBLK, _D), lambda i: (i, 0)),
            pl.BlockSpec((_K, _D), lambda i: (0, 0)),
            pl.BlockSpec((1, _K), lambda i: (0, 0)),
            pl.BlockSpec((1, _K), lambda i: (0, 0)),
        ],
        out_specs=pl.BlockSpec((_RBLK,), lambda i: (i,)),
        out_shape=jax.ShapeDtypeStruct((_N,), jnp.int32),
    )(a, centroids * 2.0, cnorm, iota_f)


def _sc_residual_body(bins_hbm, act_hbm, ctr_hbm, out_hbm,
                      idx_v, a0, a1, g0, g1,
                      sa0, sa1, sg0, sg1, so0, so1):
    wid = lax.axis_index("s") * _NC + lax.axis_index("c")
    base = wid * _RPW
    pltpu.sync_copy(bins_hbm.at[pl.ds(base, _RPW)], idx_v)

    abufs, gbufs = (a0, a1), (g0, g1)
    sas, sgs, sos = (sa0, sa1), (sg0, sg1), (so0, so1)
    nch = _RPW // _CH
    in_h, out_h = {}, {}

    def start(t):
        b = t % 2
        rb = base + t * _CH
        ha = pltpu.async_copy(act_hbm.at[pl.ds(rb, _CH)], abufs[b], sas[b])
        hg = pltpu.async_copy(
            ctr_hbm.at[idx_v.at[pl.ds(t * _CH, _CH)]], gbufs[b], sgs[b])
        in_h[t] = (ha, hg)

    start(0)
    for t in range(nch):
        b = t % 2
        if t + 1 < nch:
            if t >= 1:
                out_h[t - 1].wait()
            start(t + 1)
        ha, hg = in_h.pop(t)
        ha.wait()
        hg.wait()
        ab, gb = abufs[b], gbufs[b]

        @plsc.parallel_loop(0, _CH, step=1, unroll=8)
        def _rows(r):
            for j in range(_D // _L):
                sl = pl.ds(j * _L, _L)
                ab[r, sl] = ab[r, sl] - gb[r, sl]
        out_h[t] = pltpu.async_copy(ab, out_hbm.at[pl.ds(base + t * _CH, _CH)], sos[b])

    out_h[nch - 2].wait()
    out_h[nch - 1].wait()


@functools.lru_cache(maxsize=1)
def _sc_residual():
    return pl.kernel(
        _sc_residual_body,
        mesh=plsc.VectorSubcoreMesh(core_axis_name="c", subcore_axis_name="s"),
        out_type=jax.ShapeDtypeStruct((_N, _D), jnp.float32),
        scratch_types=[
            pltpu.VMEM((_RPW,), jnp.int32),
            pltpu.VMEM((_CH, _D), jnp.float32),
            pltpu.VMEM((_CH, _D), jnp.float32),
            pltpu.VMEM((_CH, 128), jnp.float32),
            pltpu.VMEM((_CH, 128), jnp.float32),
            pltpu.SemaphoreType.DMA,
            pltpu.SemaphoreType.DMA,
            pltpu.SemaphoreType.DMA,
            pltpu.SemaphoreType.DMA,
            pltpu.SemaphoreType.DMA,
            pltpu.SemaphoreType.DMA,
        ],
    )


def kernel(action, centroids):
    B, T, D = action.shape
    a = action.reshape(B * T, D)
    bins = _compute_bins(a, centroids)
    cpad = jnp.pad(centroids, ((0, 0), (0, 128 - _D)))
    resid = _sc_residual()(bins, a, cpad)
    return bins.reshape(B, T, 1).astype(jnp.int64), resid.reshape(B, T, D)

# --- scband reference (transcript-rebuilt; emitter-appended) ---
"""Pipeline reference for scband-encoder-decoder-30657476559097 (READ-ONLY COPY).

The authoritative reference and input builder live on the scoring server;
editing this copy changes nothing except your own understanding.
"""

import jax, jax.numpy as jnp
import numpy as np


def setup_inputs(seed: int = 0) -> dict:
    key = jax.random.key(seed)
    k1, k2 = jax.random.split(key)
    action = jax.random.normal(k1, (16, 2048, 64), dtype=jnp.float32)
    # constructor path with actions=None: centroids = torch.rand(num_bins, action_dim)
    centroids = jax.random.uniform(k2, (1024, 64), dtype=jnp.float32)
    return {"action": action, "centroids": centroids}


def reference(action, centroids):
    # Faithful jax translation of EncoderDecoder.encode
    B, T, D = action.shape
    action_flat = action.reshape(B * T, D)
    # torch.cdist: pairwise euclidean distance [B*T, K]
    sq = (
        jnp.sum(action_flat * action_flat, axis=1, keepdims=True)
        - 2.0 * (action_flat @ centroids.T)
        + jnp.sum(centroids * centroids, axis=1)[None, :]
    )
    dists = jnp.sqrt(jnp.maximum(sq, 0.0))
    action_bin = jnp.argmin(dists, axis=1)
    action_center = jnp.take(centroids, action_bin, axis=0)
    action_residual = (action_flat - action_center).reshape(B, T, D)
    action_bin_out = action_bin.reshape(B, T, 1).astype(jnp.int64)
    return action_bin_out, action_residual

if __name__ == "__main__":
    import jax
    _d = setup_inputs()
    print(jax.jit(kernel)(*tuple(_d.values())))

</pallas_src>

<mosaic_0001>
#map = affine_map<(d0, d1) -> (0)>
#map1 = affine_map<(d0, d1) -> (0, 0)>
module attributes {stable_mosaic.version = 14 : i64} {
  func.func @_sc_residual_body(%arg0: i32, %arg1: i32, %arg2: memref<32768xi32, #tpu.memory_space<hbm>>, %arg3: memref<32768x64xf32, #tpu.memory_space<hbm>>, %arg4: memref<1024x128xf32, #tpu.memory_space<hbm>>, %arg5: memref<32768x64xf32, #tpu.memory_space<hbm>>, %arg6: memref<1024xi32, #tpu.memory_space<vmem>>, %arg7: memref<128x64xf32, #tpu.memory_space<vmem>>, %arg8: memref<128x64xf32, #tpu.memory_space<vmem>>, %arg9: memref<128x128xf32, #tpu.memory_space<vmem>>, %arg10: memref<128x128xf32, #tpu.memory_space<vmem>>, %arg11: memref<!tpu.dma_semaphore, #tpu.memory_space<semaphore_mem>>, %arg12: memref<!tpu.dma_semaphore, #tpu.memory_space<semaphore_mem>>, %arg13: memref<!tpu.dma_semaphore, #tpu.memory_space<semaphore_mem>>, %arg14: memref<!tpu.dma_semaphore, #tpu.memory_space<semaphore_mem>>, %arg15: memref<!tpu.dma_semaphore, #tpu.memory_space<semaphore_mem>>, %arg16: memref<!tpu.dma_semaphore, #tpu.memory_space<semaphore_mem>>) attributes {dimension_semantics = [#tpu.dimension_semantics<core_parallel>, #tpu.dimension_semantics<subcore_parallel>], iteration_bounds = array<i64: 2, 16>, scalar_prefetch = 0 : i64, scratch_operands = 11 : i64, tpu.core_type = #tpu.core_type<sc_vector_subcore>, window_params = [{transform_indices = #map}, {transform_indices = #map1}, {transform_indices = #map1}, {transform_indices = #map1}]} {
    %mul3A = arith.constant 2 : i32
    %mul3A_0 = arith.muli %arg1, %mul3A : i32
    %add3A = arith.addi %mul3A_0, %arg0 : i32
    %mul3A_1 = arith.constant 1024 : i32
    %mul3A_2 = arith.muli %add3A, %mul3A_1 : i32
    "tpu.region"() ({
      %run_scoped3A = tpu.sem_alloc : memref<!tpu.dma_semaphore, #tpu.memory_space<semaphore_mem>>
      %dma_start3A_264 = tpu.memref_slice %arg2[%mul3A_2] : memref<32768xi32, #tpu.memory_space<hbm>> -> memref<1024xi32, #tpu.memory_space<hbm>>
      %dma_start3A_265 = tpu.memref_slice %arg2[%mul3A_2] : memref<32768xi32, #tpu.memory_space<hbm>> -> memref<1024xi32, #tpu.memory_space<hbm>>
      tpu.enqueue_dma source(%dma_start3A_265 : memref<1024xi32, #tpu.memory_space<hbm>>) target(%arg6 : memref<1024xi32, #tpu.memory_space<vmem>>) target_semaphore(%run_scoped3A : memref<!tpu.dma_semaphore, #tpu.memory_space<semaphore_mem>>)
      %dma_wait3A_266 = tpu.memref_slice %arg2[%mul3A_2] : memref<32768xi32, #tpu.memory_space<hbm>> -> memref<1024xi32, #tpu.memory_space<hbm>>
      %dma_wait3A_267 = tpu.memref_slice %arg2[%mul3A_2] : memref<32768xi32, #tpu.memory_space<hbm>> -> memref<1024xi32, #tpu.memory_space<hbm>>
      tpu.wait_dma2 semaphore(%run_scoped3A : memref<!tpu.dma_semaphore, #tpu.memory_space<semaphore_mem>>) src(%dma_wait3A_267 : memref<1024xi32, #tpu.memory_space<hbm>>) dst(%arg6 : memref<1024xi32, #tpu.memory_space<vmem>>)
      tpu.yield
    }) : () -> ()
    %add3A_3 = arith.constant 0 : i32
    %add3A_4 = arith.addi %mul3A_2, %add3A_3 : i32
    %dma_start3A = arith.constant 0 : i32
    %dma_start3A_5 = tpu.memref_slice %arg3[%add3A_4, %dma_start3A] : memref<32768x64xf32, #tpu.memory_space<hbm>> -> memref<128x64xf32, #tpu.memory_space<hbm>>
    %dma_start3A_6 = arith.constant 0 : i32
    %dma_start3A_7 = tpu.memref_slice %arg3[%add3A_4, %dma_start3A_6] : memref<32768x64xf32, #tpu.memory_space<hbm>> -> memref<128x64xf32, #tpu.memory_space<hbm>>
    tpu.enqueue_dma source(%dma_start3A_7 : memref<128x64xf32, #tpu.memory_space<hbm>>) target(%arg7 : memref<128x64xf32, #tpu.memory_space<vmem>>) target_semaphore(%arg11 : memref<!tpu.dma_semaphore, #tpu.memory_space<semaphore_mem>>)
    %dma_start3A_8 = arith.constant 0 : i32
    %dma_start3A_9 = tpu.memref_slice %arg6[%dma_start3A_8] : memref<1024xi32, #tpu.memory_space<vmem>> -> memref<128xi32, #tpu.memory_space<vmem>>
    %dma_start3A_10 = arith.constant 0 : i32
    %dma_start3A_11 = arith.constant 0 : i32
    %dma_start3A_12 = tpu.memref_slice %arg4[%dma_start3A_10, %dma_start3A_11] : memref<1024x128xf32, #tpu.memory_space<hbm>> -> memref<1024x128xf32, #tpu.memory_space<hbm>>
    tpu.enqueue_indirect_dma source(%dma_start3A_12 : memref<1024x128xf32, #tpu.memory_space<hbm>>) target(%arg9 : memref<128x128xf32, #tpu.memory_space<vmem>>) offsets(%dma_start3A_9 : memref<128xi32, #tpu.memory_space<vmem>>) semaphore(%arg13 : memref<!tpu.dma_semaphore, #tpu.memory_space<semaphore_mem>>)
    %add3A_13 = arith.constant 128 : i32
    %add3A_14 = arith.addi %mul3A_2, %add3A_13 : i32
    %dma_start3A_15 = arith.constant 0 : i32
    %dma_start3A_16 = tpu.memref_slice %arg3[%add3A_14, %dma_start3A_15] : memref<32768x64xf32, #tpu.memory_space<hbm>> -> memref<128x64xf32, #tpu.memory_space<hbm>>
    %dma_start3A_17 = arith.constant 0 : i32
    %dma_start3A_18 = tpu.memref_slice %arg3[%add3A_14, %dma_start3A_17] : memref<32768x64xf32, #tpu.memory_space<hbm>> -> memref<128x64xf32, #tpu.memory_space<hbm>>
    tpu.enqueue_dma source(%dma_start3A_18 : memref<128x64xf32, #tpu.memory_space<hbm>>) target(%arg8 : memref<128x64xf32, #tpu.memory_space<vmem>>) target_semaphore(%arg12 : memref<!tpu.dma_semaphore, #tpu.memory_space<semaphore_mem>>)
    %dma_start3A_19 = arith.constant 128 : i32
    %dma_start3A_20 = tpu.memref_slice %arg6[%dma_start3A_19] : memref<1024xi32, #tpu.memory_space<vmem>> -> memref<128xi32, #tpu.memory_space<vmem>>
    %dma_start3A_21 = arith.constant 0 : i32
    %dma_start3A_22 = arith.constant 0 : i32
    %dma_start3A_23 = tpu.memref_slice %arg4[%dma_start3A_21, %dma_start3A_22] : memref<1024x128xf32, #tpu.memory_space<hbm>> -> memref<1024x128xf32, #tpu.memory_space<hbm>>
    tpu.enqueue_indirect_dma source(%dma_start3A_23 : memref<1024x128xf32, #tpu.memory_space<hbm>>) target(%arg10 : memref<128x128xf32, #tpu.memory_space<vmem>>) offsets(%dma_start3A_20 : memref<128xi32, #tpu.memory_space<vmem>>) semaphore(%arg14 : memref<!tpu.dma_semaphore, #tpu.memory_space<semaphore_mem>>)
    %dma_wait3A = arith.constant 0 : i32
    %dma_wait3A_24 = tpu.memref_slice %arg3[%add3A_4, %dma_wait3A] : memref<32768x64xf32, #tpu.memory_space<hbm>> -> memref<128x64xf32, #tpu.memory_space<hbm>>
    %dma_wait3A_25 = arith.constant 0 : i32
    %dma_wait3A_26 = tpu.memref_slice %arg3[%add3A_4, %dma_wait3A_25] : memref<32768x64xf32, #tpu.memory_space<hbm>> -> memref<128x64xf32, #tpu.memory_space<hbm>>
    tpu.wait_dma2 semaphore(%arg11 : memref<!tpu.dma_semaphore, #tpu.memory_space<semaphore_mem>>) src(%dma_wait3A_26 : memref<128x64xf32, #tpu.memory_space<hbm>>) dst(%arg7 : memref<128x64xf32, #tpu.memory_space<vmem>>)
    %dma_wait3A_27 = arith.constant 0 : i32
    %dma_wait3A_28 = tpu.memref_slice %arg6[%dma_wait3A_27] : memref<1024xi32, #tpu.memory_space<vmem>> -> memref<128xi32, #tpu.memory_space<vmem>>
    %dma_wait3A_29 = arith.constant 0 : i32
    %dma_wait3A_30 = arith.constant 0 : i32
    %dma_wait3A_31 = tpu.memref_slice %arg4[%dma_wait3A_29, %dma_wait3A_30] : memref<1024x128xf32, #tpu.memory_space<hbm>> -> memref<1024x128xf32, #tpu.memory_space<hbm>>
    tpu.wait_indirect_dma semaphore(%arg13 : memref<!tpu.dma_semaphore, #tpu.memory_space<semaphore_mem>>) src(%dma_wait3A_31 : memref<1024x128xf32, #tpu.memory_space<hbm>>) dst(%arg9 : memref<128x128xf32, #tpu.memory_space<vmem>>)
    %parallel_loop3A = arith.constant 0 : i32
    %parallel_loop3A_32 = arith.constant 128 : i32
    %parallel_loop3A_33 = arith.constant 1 : i32
    scf.for %parallel_loop3A_264 = %parallel_loop3A to %parallel_loop3A_32 step %parallel_loop3A_33  : i32 {
      %parallel_loop3A_265 = arith.index_cast %parallel_loop3A_264 : i32 to index
      %parallel_loop3A_266 = arith.constant 0 : index
      %parallel_loop3A_267 = tpu.vector_load %arg7[%parallel_loop3A_265, %parallel_loop3A_266] {strides = array<i32>} : memref<128x64xf32, #tpu.memory_space<vmem>>, vector<1x16xf32>,
      %parallel_loop3A_268 = vector.shape_cast %parallel_loop3A_267 : vector<1x16xf32> to vector<16xf32>
      %parallel_loop3A_269 = arith.index_cast %parallel_loop3A_264 : i32 to index
      %parallel_loop3A_270 = arith.constant 0 : index
      %parallel_loop3A_271 = tpu.vector_load %arg9[%parallel_loop3A_269, %parallel_loop3A_270] {strides = array<i32>} : memref<128x128xf32, #tpu.memory_space<vmem>>, vector<1x16xf32>,
      %parallel_loop3A_272 = vector.shape_cast %parallel_loop3A_271 : vector<1x16xf32> to vector<16xf32>
      %parallel_loop3A_273 = arith.subf %parallel_loop3A_268, %parallel_loop3A_272 : vector<16xf32>
      %parallel_loop3A_274 = arith.index_cast %parallel_loop3A_264 : i32 to index
      %parallel_loop3A_275 = arith.constant 0 : index
      %parallel_loop3A_276 = tpu.vector_load %arg7[%parallel_loop3A_274, %parallel_loop3A_275] {strides = array<i32>} : memref<128x64xf32, #tpu.memory_space<vmem>>, vector<1x16xf32>,
      %parallel_loop3A_277 = vector.shape_cast %parallel_loop3A_276 : vector<1x16xf32> to vector<16xf32>
      %parallel_loop3A_278 = vector.shape_cast %parallel_loop3A_273 : vector<16xf32> to vector<1x16xf32>
      tpu.vector_store %arg7[%parallel_loop3A_274, %parallel_loop3A_275], %parallel_loop3A_278 {strides = array<i32>} : memref<128x64xf32, #tpu.memory_space<vmem>>, vector<1x16xf32>,
      %parallel_loop3A_279 = arith.index_cast %parallel_loop3A_264 : i32 to index
      %parallel_loop3A_280 = arith.constant 16 : index
      %parallel_loop3A_281 = tpu.vector_load %arg7[%parallel_loop3A_279, %parallel_loop3A_280] {strides = array<i32>} : memref<128x64xf32, #tpu.memory_space<vmem>>, vector<1x16xf32>,
      %parallel_loop3A_282 = vector.shape_cast %parallel_loop3A_281 : vector<1x16xf32> to vector<16xf32>
      %parallel_loop3A_283 = arith.index_cast %parallel_loop3A_264 : i32 to index
      %parallel_loop3A_284 = arith.constant 16 : index
      %parallel_loop3A_285 = tpu.vector_load %arg9[%parallel_loop3A_283, %parallel_loop3A_284] {strides = array<i32>} : memref<128x128xf32, #tpu.memory_space<vmem>>, vector<1x16xf32>,
      %parallel_loop3A_286 = vector.shape_cast %parallel_loop3A_285 : vector<1x16xf32> to vector<16xf32>
      %parallel_loop3A_287 = arith.subf %parallel_loop3A_282, %parallel_loop3A_286 : vector<16xf32>
      %parallel_loop3A_288 = arith.index_cast %parallel_loop3A_264 : i32 to index
      %parallel_loop3A_289 = arith.constant 16 : index
      %parallel_loop3A_290 = tpu.vector_load %arg7[%parallel_loop3A_288, %parallel_loop3A_289] {strides = array<i32>} : memref<128x64xf32, #tpu.memory_space<vmem>>, vector<1x16xf32>,
      %parallel_loop3A_291 = vector.shape_cast %parallel_loop3A_290 : vector<1x16xf32> to vector<16xf32>
      %parallel_loop3A_292 = vector.shape_cast %parallel_loop3A_287 : vector<16xf32> to vector<1x16xf32>
      tpu.vector_store %arg7[%parallel_loop3A_288, %parallel_loop3A_289], %parallel_loop3A_292 {strides = array<i32>} : memref<128x64xf32, #tpu.memory_space<vmem>>, vector<1x16xf32>,
      %parallel_loop3A_293 = arith.index_cast %parallel_loop3A_264 : i32 to index
      %parallel_loop3A_294 = arith.constant 32 : index
      %parallel_loop3A_295 = tpu.vector_load %arg7[%parallel_loop3A_293, %parallel_loop3A_294] {strides = array<i32>} : memref<128x64xf32, #tpu.memory_space<vmem>>, vector<1x16xf32>,
      %parallel_loop3A_296 = vector.shape_cast %parallel_loop3A_295 : vector<1x16xf32> to vector<16xf32>
      %parallel_loop3A_297 = arith.index_cast %parallel_loop3A_264 : i32 to index
      %parallel_loop3A_298 = arith.constant 32 : index
      %parallel_loop3A_299 = tpu.vector_load %arg9[%parallel_loop3A_297, %parallel_loop3A_298] {strides = array<i32>} : memref<128x128xf32, #tpu.memory_space<vmem>>, vector<1x16xf32>,
      %parallel_loop3A_300 = vector.shape_cast %parallel_loop3A_299 : vector<1x16xf32> to vector<16xf32>
      %parallel_loop3A_301 = arith.subf %parallel_loop3A_296, %parallel_loop3A_300 : vector<16xf32>
      %parallel_loop3A_302 = arith.index_cast %parallel_loop3A_264 : i32 to index
      %parallel_loop3A_303 = arith.constant 32 : index
      %parallel_loop3A_304 = tpu.vector_load %arg7[%parallel_loop3A_302, %parallel_loop3A_303] {strides = array<i32>} : memref<128x64xf32, #tpu.memory_space<vmem>>, vector<1x16xf32>,
      %parallel_loop3A_305 = vector.shape_cast %parallel_loop3A_304 : vector<1x16xf32> to vector<16xf32>
      %parallel_loop3A_306 = vector.shape_cast %parallel_loop3A_301 : vector<16xf32> to vector<1x16xf32>
      tpu.vector_store %arg7[%parallel_loop3A_302, %parallel_loop3A_303], %parallel_loop3A_306 {strides = array<i32>} : memref<128x64xf32, #tpu.memory_space<vmem>>, vector<1x16xf32>,
      %parallel_loop3A_307 = arith.index_cast %parallel_loop3A_264 : i32 to index
      %parallel_loop3A_308 = arith.constant 48 : index
      %parallel_loop3A_309 = tpu.vector_load %arg7[%parallel_loop3A_307, %parallel_loop3A_308] {strides = array<i32>} : memref<128x64xf32, #tpu.memory_space<vmem>>, vector<1x16xf32>,
      %parallel_loop3A_310 = vector.shape_cast %parallel_loop3A_309 : vector<1x16xf32> to vector<16xf32>
      %parallel_loop3A_311 = arith.index_cast %parallel_loop3A_264 : i32 to index
      %parallel_loop3A_312 = arith.constant 48 : index
      %parallel_loop3A_313 = tpu.vector_load %arg9[%parallel_loop3A_311, %parallel_loop3A_312] {strides = array<i32>} : memref<128x128xf32, #tpu.memory_space<vmem>>, vector<1x16xf32>,
      %parallel_loop3A_314 = vector.shape_cast %parallel_loop3A_313 : vector<1x16xf32> to vector<16xf32>
      %parallel_loop3A_315 = arith.subf %parallel_loop3A_310, %parallel_loop3A_314 : vector<16xf32>
      %parallel_loop3A_316 = arith.index_cast %parallel_loop3A_264 : i32 to index
      %parallel_loop3A_317 = arith.constant 48 : index
      %parallel_loop3A_318 = tpu.vector_load %arg7[%parallel_loop3A_316, %parallel_loop3A_317] {strides = array<i32>} : memref<128x64xf32, #tpu.memory_space<vmem>>, vector<1x16xf32>,
      %parallel_loop3A_319 = vector.shape_cast %parallel_loop3A_318 : vector<1x16xf32> to vector<16xf32>
      %parallel_loop3A_320 = vector.shape_cast %parallel_loop3A_315 : vector<16xf32> to vector<1x16xf32>
      tpu.vector_store %arg7[%parallel_loop3A_316, %parallel_loop3A_317], %parallel_loop3A_320 {strides = array<i32>} : memref<128x64xf32, #tpu.memory_space<vmem>>, vector<1x16xf32>,
    } {sc.loop_unroll_factor = 8 : i64, sc.parallel_access}
    %add3A_34 = arith.constant 0 : i32
    %add3A_35 = arith.addi %mul3A_2, %add3A_34 : i32
    %dma_start3A_36 = arith.constant 0 : i32
    %dma_start3A_37 = tpu.memref_slice %arg5[%add3A_35, %dma_start3A_36] : memref<32768x64xf32, #tpu.memory_space<hbm>> -> memref<128x64xf32, #tpu.memory_space<hbm>>
    %dma_start3A_38 = arith.constant 0 : i32
    %dma_start3A_39 = tpu.memref_slice %arg5[%add3A_35, %dma_start3A_38] : memref<32768x64xf32, #tpu.memory_space<hbm>> -> memref<128x64xf32, #tpu.memory_space<hbm>>
    tpu.enqueue_dma source(%arg7 : memref<128x64xf32, #tpu.memory_space<vmem>>) target(%dma_start3A_39 : memref<128x64xf32, #tpu.memory_space<hbm>>) target_semaphore(%arg15 : memref<!tpu.dma_semaphore, #tpu.memory_space<semaphore_mem>>)
    %dma_wait3A_40 = arith.constant 0 : i32
    %dma_wait3A_41 = tpu.memref_slice %arg5[%add3A_35, %dma_wait3A_40] : memref<32768x64xf32, #tpu.memory_space<hbm>> -> memref<128x64xf32, #tpu.memory_space<hbm>>
    %dma_wait3A_42 = arith.constant 0 : i32
    %dma_wait3A_43 = tpu.memref_slice %arg5[%add3A_35, %dma_wait3A_42] : memref<32768x64xf32, #tpu.memory_space<hbm>> -> memref<128x64xf32, #tpu.memory_space<hbm>>
    tpu.wait_dma2 semaphore(%arg15 : memref<!tpu.dma_semaphore, #tpu.memory_space<semaphore_mem>>) src(%arg7 : memref<128x64xf32, #tpu.memory_space<vmem>>) dst(%dma_wait3A_43 : memref<128x64xf32, #tpu.memory_space<hbm>>)
    %add3A_44 = arith.constant 256 : i32
    %add3A_45 = arith.addi %mul3A_2, %add3A_44 : i32
    %dma_start3A_46 = arith.constant 0 : i32
    %dma_start3A_47 = tpu.memref_slice %arg3[%add3A_45, %dma_start3A_46] : memref<32768x64xf32, #tpu.memory_space<hbm>> -> memref<128x64xf32, #tpu.memory_space<hbm>>
    %dma_start3A_48 = arith.constant 0 : i32
    %dma_start3A_49 = tpu.memref_slice %arg3[%add3A_45, %dma_start3A_48] : memref<32768x64xf32, #tpu.memory_space<hbm>> -> memref<128x64xf32, #tpu.memory_space<hbm>>
    tpu.enqueue_dma source(%dma_start3A_49 : memref<128x64xf32, #tpu.memory_space<hbm>>) target(%arg7 : memref<128x64xf32, #tpu.memory_space<vmem>>) target_semaphore(%arg11 : memref<!tpu.dma_semaphore, #tpu.memory_space<semaphore_mem>>)
    %dma_start3A_50 = arith.constant 256 : i32
    %dma_start3A_51 = tpu.memref_slice %arg6[%dma_start3A_50] : memref<1024xi32, #tpu.memory_space<vmem>> -> memref<128xi32, #tpu.memory_space<vmem>>
    %dma_start3A_52 = arith.constant 0 : i32
    %dma_start3A_53 = arith.constant 0 : i32
    %dma_start3A_54 = tpu.memref_slice %arg4[%dma_start3A_52, %dma_start3A_53] : memref<1024x128xf32, #tpu.memory_space<hbm>> -> memref<1024x128xf32, #tpu.memory_space<hbm>>
    tpu.enqueue_indirect_dma source(%dma_start3A_54 : memref<1024x128xf32, #tpu.memory_space<hbm>>) target(%arg9 : memref<128x128xf32, #tpu.memory_space<vmem>>) offsets(%dma_start3A_51 : memref<128xi32, #tpu.memory_space<vmem>>) semaphore(%arg13 : memref<!tpu.dma_semaphore, #tpu.memory_space<semaphore_mem>>)
    %dma_wait3A_55 = arith.constant 0 : i32
    %dma_wait3A_56 = tpu.memref_slice %arg3[%add3A_14, %dma_wait3A_55] : memref<32768x64xf32, #tpu.memory_space<hbm>> -> memref<128x64xf32, #tpu.memory_space<hbm>>
    %dma_wait3A_57 = arith.constant 0 : i32
    %dma_wait3A_58 = tpu.memref_slice %arg3[%add3A_14, %dma_wait3A_57] : memref<32768x64xf32, #tpu.memory_space<hbm>> -> memref<128x64xf32, #tpu.memory_space<hbm>>
    tpu.wait_dma2 semaphore(%arg12 : memref<!tpu.dma_semaphore, #tpu.memory_space<semaphore_mem>>) src(%dma_wait3A_58 : memref<128x64xf32, #tpu.memory_space<hbm>>) dst(%arg8 : memref<128x64xf32, #tpu.memory_space<vmem>>)
    %dma_wait3A_59 = arith.constant 128 : i32
    %dma_wait3A_60 = tpu.memref_slice %arg6[%dma_wait3A_59] : memref<1024xi32, #tpu.memory_space<vmem>> -> memref<128xi32, #tpu.memory_space<vmem>>
    %dma_wait3A_61 = arith.constant 0 : i32
    %dma_wait3A_62 = arith.constant 0 : i32
    %dma_wait3A_63 = tpu.memref_slice %arg4[%dma_wait3A_61, %dma_wait3A_62] : memref<1024x128xf32, #tpu.memory_space<hbm>> -> memref<1024x128xf32, #tpu.memory_space<hbm>>
    tpu.wait_indirect_dma semaphore(%arg14 : memref<!tpu.dma_semaphore, #tpu.memory_space<semaphore_mem>>) src(%dma_wait3A_63 : memref<1024x128xf32, #tpu.memory_space<hbm>>) dst(%arg10 : memref<128x128xf32, #tpu.memory_space<vmem>>)
    %parallel_loop3A_64 = arith.constant 0 : i32
    %parallel_loop3A_65 = arith.constant 128 : i32
    %parallel_loop3A_66 = arith.constant 1 : i32
    scf.for %parallel_loop3A_264 = %parallel_loop3A_64 to %parallel_loop3A_65 step %parallel_loop3A_66  : i32 {
      %parallel_loop3A_265 = arith.index_cast %parallel_loop3A_264 : i32 to index
      %parallel_loop3A_266 = arith.constant 0 : index
      %parallel_loop3A_267 = tpu.vector_load %arg8[%parallel_loop3A_265, %parallel_loop3A_266] {strides = array<i32>} : memref<128x64xf32, #tpu.memory_space<vmem>>, vector<1x16xf32>,
      %parallel_loop3A_268 = vector.shape_cast %parallel_loop3A_267 : vector<1x16xf32> to vector<16xf32>
      %parallel_loop3A_269 = arith.index_cast %parallel_loop3A_264 : i32 to index
      %parallel_loop3A_270 = arith.constant 0 : index
      %parallel_loop3A_271 = tpu.vector_load %arg10[%parallel_loop3A_269, %parallel_loop3A_270] {strides = array<i32>} : memref<128x128xf32, #tpu.memory_space<vmem>>, vector<1x16xf32>,
      %parallel_loop3A_272 = vector.shape_cast %parallel_loop3A_271 : vector<1x16xf32> to vector<16xf32>
      %parallel_loop3A_273 = arith.subf %parallel_loop3A_268, %parallel_loop3A_272 : vector<16xf32>
      %parallel_loop3A_274 = arith.index_cast %parallel_loop3A_264 : i32 to index
      %parallel_loop3A_275 = arith.constant 0 : index
      %parallel_loop3A_276 = tpu.vector_load %arg8[%parallel_loop3A_274, %parallel_loop3A_275] {strides = array<i32>} : memref<128x64xf32, #tpu.memory_space<vmem>>, vector<1x16xf32>,
      %parallel_loop3A_277 = vector.shape_cast %parallel_loop3A_276 : vector<1x16xf32> to vector<16xf32>
      %parallel_loop3A_278 = vector.shape_cast %parallel_loop3A_273 : vector<16xf32> to vector<1x16xf32>
      tpu.vector_store %arg8[%parallel_loop3A_274, %parallel_loop3A_275], %parallel_loop3A_278 {strides = array<i32>} : memref<128x64xf32, #tpu.memory_space<vmem>>, vector<1x16xf32>,
      %parallel_loop3A_279 = arith.index_cast %parallel_loop3A_264 : i32 to index
      %parallel_loop3A_280 = arith.constant 16 : index
      %parallel_loop3A_281 = tpu.vector_load %arg8[%parallel_loop3A_279, %parallel_loop3A_280] {strides = array<i32>} : memref<128x64xf32, #tpu.memory_space<vmem>>, vector<1x16xf32>,
      %parallel_loop3A_282 = vector.shape_cast %parallel_loop3A_281 : vector<1x16xf32> to vector<16xf32>
      %parallel_loop3A_283 = arith.index_cast %parallel_loop3A_264 : i32 to index
      %parallel_loop3A_284 = arith.constant 16 : index
      %parallel_loop3A_285 = tpu.vector_load %arg10[%parallel_loop3A_283, %parallel_loop3A_284] {strides = array<i32>} : memref<128x128xf32, #tpu.memory_space<vmem>>, vector<1x16xf32>,
      %parallel_loop3A_286 = vector.shape_cast %parallel_loop3A_285 : vector<1x16xf32> to vector<16xf32>
      %parallel_loop3A_287 = arith.subf %parallel_loop3A_282, %parallel_loop3A_286 : vector<16xf32>
      %parallel_loop3A_288 = arith.index_cast %parallel_loop3A_264 : i32 to index
      %parallel_loop3A_289 = arith.constant 16 : index
      %parallel_loop3A_290 = tpu.vector_load %arg8[%parallel_loop3A_288, %parallel_loop3A_289] {strides = array<i32>} : memref<128x64xf32, #tpu.memory_space<vmem>>, vector<1x16xf32>,
      %parallel_loop3A_291 = vector.shape_cast %parallel_loop3A_290 : vector<1x16xf32> to vector<16xf32>
      %parallel_loop3A_292 = vector.shape_cast %parallel_loop3A_287 : vector<16xf32> to vector<1x16xf32>
      tpu.vector_store %arg8[%parallel_loop3A_288, %parallel_loop3A_289], %parallel_loop3A_292 {strides = array<i32>} : memref<128x64xf32, #tpu.memory_space<vmem>>, vector<1x16xf32>,
      %parallel_loop3A_293 = arith.index_cast %parallel_loop3A_264 : i32 to index
      %parallel_loop3A_294 = arith.constant 32 : index
      %parallel_loop3A_295 = tpu.vector_load %arg8[%parallel_loop3A_293, %parallel_loop3A_294] {strides = array<i32>} : memref<128x64xf32, #tpu.memory_space<vmem>>, vector<1x16xf32>,
      %parallel_loop3A_296 = vector.shape_cast %parallel_loop3A_295 : vector<1x16xf32> to vector<16xf32>
      %parallel_loop3A_297 = arith.index_cast %parallel_loop3A_264 : i32 to index
      %parallel_loop3A_298 = arith.constant 32 : index
      %parallel_loop3A_299 = tpu.vector_load %arg10[%parallel_loop3A_297, %parallel_loop3A_298] {strides = array<i32>} : memref<128x128xf32, #tpu.memory_space<vmem>>, vector<1x16xf32>,
      %parallel_loop3A_300 = vector.shape_cast %parallel_loop3A_299 : vector<1x16xf32> to vector<16xf32>
      %parallel_loop3A_301 = arith.subf %parallel_loop3A_296, %parallel_loop3A_300 : vector<16xf32>
      %parallel_loop3A_302 = arith.index_cast %parallel_loop3A_264 : i32 to index
      %parallel_loop3A_303 = arith.constant 32 : index
      %parallel_loop3A_304 = tpu.vector_load %arg8[%parallel_loop3A_302, %parallel_loop3A_303] {strides = array<i32>} : memref<128x64xf32, #tpu.memory_space<vmem>>, vector<1x16xf32>,
      %parallel_loop3A_305 = vector.shape_cast %parallel_loop3A_304 : vector<1x16xf32> to vector<16xf32>
      %parallel_loop3A_306 = vector.shape_cast %parallel_loop3A_301 : vector<16xf32> to vector<1x16xf32>
      tpu.vector_store %arg8[%parallel_loop3A_302, %parallel_loop3A_303], %parallel_loop3A_306 {strides = array<i32>} : memref<128x64xf32, #tpu.memory_space<vmem>>, vector<1x16xf32>,
      %parallel_loop3A_307 = arith.index_cast %parallel_loop3A_264 : i32 to index
      %parallel_loop3A_308 = arith.constant 48 : index
      %parallel_loop3A_309 = tpu.vector_load %arg8[%parallel_loop3A_307, %parallel_loop3A_308] {strides = array<i32>} : memref<128x64xf32, #tpu.memory_space<vmem>>, vector<1x16xf32>,
      %parallel_loop3A_310 = vector.shape_cast %parallel_loop3A_309 : vector<1x16xf32> to vector<16xf32>
      %parallel_loop3A_311 = arith.index_cast %parallel_loop3A_264 : i32 to index
      %parallel_loop3A_312 = arith.constant 48 : index
      %parallel_loop3A_313 = tpu.vector_load %arg10[%parallel_loop3A_311, %parallel_loop3A_312] {strides = array<i32>} : memref<128x128xf32, #tpu.memory_space<vmem>>, vector<1x16xf32>,
      %parallel_loop3A_314 = vector.shape_cast %parallel_loop3A_313 : vector<1x16xf32> to vector<16xf32>
      %parallel_loop3A_315 = arith.subf %parallel_loop3A_310, %parallel_loop3A_314 : vector<16xf32>
      %parallel_loop3A_316 = arith.index_cast %parallel_loop3A_264 : i32 to index
      %parallel_loop3A_317 = arith.constant 48 : index
      %parallel_loop3A_318 = tpu.vector_load %arg8[%parallel_loop3A_316, %parallel_loop3A_317] {strides = array<i32>} : memref<128x64xf32, #tpu.memory_space<vmem>>, vector<1x16xf32>,
      %parallel_loop3A_319 = vector.shape_cast %parallel_loop3A_318 : vector<1x16xf32> to vector<16xf32>
      %parallel_loop3A_320 = vector.shape_cast %parallel_loop3A_315 : vector<16xf32> to vector<1x16xf32>
      tpu.vector_store %arg8[%parallel_loop3A_316, %parallel_loop3A_317], %parallel_loop3A_320 {strides = array<i32>} : memref<128x64xf32, #tpu.memory_space<vmem>>, vector<1x16xf32>,
    } {sc.loop_unroll_factor = 8 : i64, sc.parallel_access}
    %add3A_67 = arith.constant 128 : i32
    %add3A_68 = arith.addi %mul3A_2, %add3A_67 : i32
    %dma_start3A_69 = arith.constant 0 : i32
    %dma_start3A_70 = tpu.memref_slice %arg5[%add3A_68, %dma_start3A_69] : memref<32768x64xf32, #tpu.memory_space<hbm>> -> memref<128x64xf32, #tpu.memory_space<hbm>>
    %dma_start3A_71 = arith.constant 0 : i32
    %dma_start3A_72 = tpu.memref_slice %arg5[%add3A_68, %dma_start3A_71] : memref<32768x64xf32, #tpu.memory_space<hbm>> -> memref<128x64xf32, #tpu.memory_space<hbm>>
    tpu.enqueue_dma source(%arg8 : memref<128x64xf32, #tpu.memory_space<vmem>>) target(%dma_start3A_72 : memref<128x64xf32, #tpu.memory_space<hbm>>) target_semaphore(%arg16 : memref<!tpu.dma_semaphore, #tpu.memory_space<semaphore_mem>>)
    %dma_wait3A_73 = arith.constant 0 : i32
    %dma_wait3A_74 = tpu.memref_slice %arg5[%add3A_68, %dma_wait3A_73] : memref<32768x64xf32, #tpu.memory_space<hbm>> -> memref<128x64xf32, #tpu.memory_space<hbm>>
    %dma_wait3A_75 = arith.constant 0 : i32
    %dma_wait3A_76 = tpu.memref_slice %arg5[%add3A_68, %dma_wait3A_75] : memref<32768x64xf32, #tpu.memory_space<hbm>> -> memref<128x64xf32, #tpu.memory_space<hbm>>
    tpu.wait_dma2 semaphore(%arg16 : memref<!tpu.dma_semaphore, #tpu.memory_space<semaphore_mem>>) src(%arg8 : memref<128x64xf32, #tpu.memory_space<vmem>>) dst(%dma_wait3A_76 : memref<128x64xf32, #tpu.memory_space<hbm>>)
    %add3A_77 = arith.constant 384 : i32
    %add3A_78 = arith.addi %mul3A_2, %add3A_77 : i32
    %dma_start3A_79 = arith.constant 0 : i32
    %dma_start3A_80 = tpu.memref_slice %arg3[%add3A_78, %dma_start3A_79] : memref<32768x64xf32, #tpu.memory_space<hbm>> -> memref<128x64xf32, #tpu.memory_space<hbm>>
    %dma_start3A_81 = arith.constant 0 : i32
    %dma_start3A_82 = tpu.memref_slice %arg3[%add3A_78, %dma_start3A_81] : memref<32768x64xf32, #tpu.memory_space<hbm>> -> memref<128x64xf32, #tpu.memory_space<hbm>>
    tpu.enqueue_dma source(%dma_start3A_82 : memref<128x64xf32, #tpu.memory_space<hbm>>) target(%arg8 : memref<128x64xf32, #tpu.memory_space<vmem>>) target_semaphore(%arg12 : memref<!tpu.dma_semaphore, #tpu.memory_space<semaphore_mem>>)
    %dma_start3A_83 = arith.constant 384 : i32
    %dma_start3A_84 = tpu.memref_slice %arg6[%dma_start3A_83] : memref<1024xi32, #tpu.memory_space<vmem>> -> memref<128xi32, #tpu.memory_space<vmem>>
    %dma_start3A_85 = arith.constant 0 : i32
    %dma_start3A_86 = arith.constant 0 : i32
    %dma_start3A_87 = tpu.memref_slice %arg4[%dma_start3A_85, %dma_start3A_86] : memref<1024x128xf32, #tpu.memory_space<hbm>> -> memref<1024x128xf32, #tpu.memory_space<hbm>>
    tpu.enqueue_indirect_dma source(%dma_start3A_87 : memref<1024x128xf32, #tpu.memory_space<hbm>>) target(%arg10 : memref<128x128xf32, #tpu.memory_space<vmem>>) offsets(%dma_start3A_84 : memref<128xi32, #tpu.memory_space<vmem>>) semaphore(%arg14 : memref<!tpu.dma_semaphore, #tpu.memory_space<semaphore_mem>>)
    %dma_wait3A_88 = arith.constant 0 : i32
    %dma_wait3A_89 = tpu.memref_slice %arg3[%add3A_45, %dma_wait3A_88] : memref<32768x64xf32, #tpu.memory_space<hbm>> -> memref<128x64xf32, #tpu.memory_space<hbm>>
    %dma_wait3A_90 = arith.constant 0 : i32
    %dma_wait3A_91 = tpu.memref_slice %arg3[%add3A_45, %dma_wait3A_90] : memref<32768x64xf32, #tpu.memory_space<hbm>> -> memref<128x64xf32, #tpu.memory_space<hbm>>
    tpu.wait_dma2 semaphore(%arg11 : memref<!tpu.dma_semaphore, #tpu.memory_space<semaphore_mem>>) src(%dma_wait3A_91 : memref<128x64xf32, #tpu.memory_space<hbm>>) dst(%arg7 : memref<128x64xf32, #tpu.memory_space<vmem>>)
    %dma_wait3A_92 = arith.constant 256 : i32
    %dma_wait3A_93 = tpu.memref_slice %arg6[%dma_wait3A_92] : memref<1024xi32, #tpu.memory_space<vmem>> -> memref<128xi32, #tpu.memory_space<vmem>>
    %dma_wait3A_94 = arith.constant 0 : i32
    %dma_wait3A_95 = arith.constant 0 : i32
    %dma_wait3A_96 = tpu.memref_slice %arg4[%dma_wait3A_94, %dma_wait3A_95] : memref<1024x128xf32, #tpu.memory_space<hbm>> -> memref<1024x128xf32, #tpu.memory_space<hbm>>
    tpu.wait_indirect_dma semaphore(%arg13 : memref<!tpu.dma_semaphore, #tpu.memory_space<semaphore_mem>>) src(%dma_wait3A_96 : memref<1024x128xf32, #tpu.memory_space<hbm>>) dst(%arg9 : memref<128x128xf32, #tpu.memory_space<vmem>>)
    %parallel_loop3A_97 = arith.constant 0 : i32
    %parallel_loop3A_98 = arith.constant 128 : i32
    %parallel_loop3A_99 = arith.constant 1 : i32
    scf.for %parallel_loop3A_264 = %parallel_loop3A_97 to %parallel_loop3A_98 step %parallel_loop3A_99  : i32 {
      %parallel_loop3A_265 = arith.index_cast %parallel_loop3A_264 : i32 to index
      %parallel_loop3A_266 = arith.constant 0 : index
      %parallel_loop3A_267 = tpu.vector_load %arg7[%parallel_loop3A_265, %parallel_loop3A_266] {strides = array<i32>} : memref<128x64xf32, #tpu.memory_space<vmem>>, vector<1x16xf32>,
      %parallel_loop3A_268 = vector.shape_cast %parallel_loop3A_267 : vector<1x16xf32> to vector<16xf32>
      %parallel_loop3A_269 = arith.index_cast %parallel_loop3A_264 : i32 to index
      %parallel_loop3A_270 = arith.constant 0 : index
      %parallel_loop3A_271 = tpu.vector_load %arg9[%parallel_loop3A_269, %parallel_loop3A_270] {strides = array<i32>} : memref<128x128xf32, #tpu.memory_space<vmem>>, vector<1x16xf32>,
      %parallel_loop3A_272 = vector.shape_cast %parallel_loop3A_271 : vector<1x16xf32> to vector<16xf32>
      %parallel_loop3A_273 = arith.subf %parallel_loop3A_268, %parallel_loop3A_272 : vector<16xf32>
      %parallel_loop3A_274 = arith.index_cast %parallel_loop3A_264 : i32 to index
      %parallel_loop3A_275 = arith.constant 0 : index
      %parallel_loop3A_276 = tpu.vector_load %arg7[%parallel_loop3A_274, %parallel_loop3A_275] {strides = array<i32>} : memref<128x64xf32, #tpu.memory_space<vmem>>, vector<1x16xf32>,
      %parallel_loop3A_277 = vector.shape_cast %parallel_loop3A_276 : vector<1x16xf32> to vector<16xf32>
      %parallel_loop3A_278 = vector.shape_cast %parallel_loop3A_273 : vector<16xf32> to vector<1x16xf32>
      tpu.vector_store %arg7[%parallel_loop3A_274, %parallel_loop3A_275], %parallel_loop3A_278 {strides = array<i32>} : memref<128x64xf32, #tpu.memory_space<vmem>>, vector<1x16xf32>,
      %parallel_loop3A_279 = arith.index_cast %parallel_loop3A_264 : i32 to index
      %parallel_loop3A_280 = arith.constant 16 : index
      %parallel_loop3A_281 = tpu.vector_load %arg7[%parallel_loop3A_279, %parallel_loop3A_280] {strides = array<i32>} : memref<128x64xf32, #tpu.memory_space<vmem>>, vector<1x16xf32>,
      %parallel_loop3A_282 = vector.shape_cast %parallel_loop3A_281 : vector<1x16xf32> to vector<16xf32>
      %parallel_loop3A_283 = arith.index_cast %parallel_loop3A_264 : i32 to index
      %parallel_loop3A_284 = arith.constant 16 : index
      %parallel_loop3A_285 = tpu.vector_load %arg9[%parallel_loop3A_283, %parallel_loop3A_284] {strides = array<i32>} : memref<128x128xf32, #tpu.memory_space<vmem>>, vector<1x16xf32>,
      %parallel_loop3A_286 = vector.shape_cast %parallel_loop3A_285 : vector<1x16xf32> to vector<16xf32>
      %parallel_loop3A_287 = arith.subf %parallel_loop3A_282, %parallel_loop3A_286 : vector<16xf32>
      %parallel_loop3A_288 = arith.index_cast %parallel_loop3A_264 : i32 to index
      %parallel_loop3A_289 = arith.constant 16 : index
      %parallel_loop3A_290 = tpu.vector_load %arg7[%parallel_loop3A_288, %parallel_loop3A_289] {strides = array<i32>} : memref<128x64xf32, #tpu.memory_space<vmem>>, vector<1x16xf32>,
      %parallel_loop3A_291 = vector.shape_cast %parallel_loop3A_290 : vector<1x16xf32> to vector<16xf32>
      %parallel_loop3A_292 = vector.shape_cast %parallel_loop3A_287 : vector<16xf32> to vector<1x16xf32>
      tpu.vector_store %arg7[%parallel_loop3A_288, %parallel_loop3A_289], %parallel_loop3A_292 {strides = array<i32>} : memref<128x64xf32, #tpu.memory_space<vmem>>, vector<1x16xf32>,
      %parallel_loop3A_293 = arith.index_cast %parallel_loop3A_264 : i32 to index
      %parallel_loop3A_294 = arith.constant 32 : index
      %parallel_loop3A_295 = tpu.vector_load %arg7[%parallel_loop3A_293, %parallel_loop3A_294] {strides = array<i32>} : memref<128x64xf32, #tpu.memory_space<vmem>>, vector<1x16xf32>,
      %parallel_loop3A_296 = vector.shape_cast %parallel_loop3A_295 : vector<1x16xf32> to vector<16xf32>
      %parallel_loop3A_297 = arith.index_cast %parallel_loop3A_264 : i32 to index
      %parallel_loop3A_298 = arith.constant 32 : index
      %parallel_loop3A_299 = tpu.vector_load %arg9[%parallel_loop3A_297, %parallel_loop3A_298] {strides = array<i32>} : memref<128x128xf32, #tpu.memory_space<vmem>>, vector<1x16xf32>,
      %parallel_loop3A_300 = vector.shape_cast %parallel_loop3A_299 : vector<1x16xf32> to vector<16xf32>
      %parallel_loop3A_301 = arith.subf %parallel_loop3A_296, %parallel_loop3A_300 : vector<16xf32>
      %parallel_loop3A_302 = arith.index_cast %parallel_loop3A_264 : i32 to index
      %parallel_loop3A_303 = arith.constant 32 : index
      %parallel_loop3A_304 = tpu.vector_load %arg7[%parallel_loop3A_302, %parallel_loop3A_303] {strides = array<i32>} : memref<128x64xf32, #tpu.memory_space<vmem>>, vector<1x16xf32>,
      %parallel_loop3A_305 = vector.shape_cast %parallel_loop3A_304 : vector<1x16xf32> to vector<16xf32>
      %parallel_loop3A_306 = vector.shape_cast %parallel_loop3A_301 : vector<16xf32> to vector<1x16xf32>
      tpu.vector_store %arg7[%parallel_loop3A_302, %parallel_loop3A_303], %parallel_loop3A_306 {strides = array<i32>} : memref<128x64xf32, #tpu.memory_space<vmem>>, vector<1x16xf32>,
      %parallel_loop3A_307 = arith.index_cast %parallel_loop3A_264 : i32 to index
      %parallel_loop3A_308 = arith.constant 48 : index
      %parallel_loop3A_309 = tpu.vector_load %arg7[%parallel_loop3A_307, %parallel_loop3A_308] {strides = array<i32>} : memref<128x64xf32, #tpu.memory_space<vmem>>, vector<1x16xf32>,
      %parallel_loop3A_310 = vector.shape_cast %parallel_loop3A_309 : vector<1x16xf32> to vector<16xf32>
      %parallel_loop3A_311 = arith.index_cast %parallel_loop3A_264 : i32 to index
      %parallel_loop3A_312 = arith.constant 48 : index
      %parallel_loop3A_313 = tpu.vector_load %arg9[%parallel_loop3A_311, %parallel_loop3A_312] {strides = array<i32>} : memref<128x128xf32, #tpu.memory_space<vmem>>, vector<1x16xf32>,
      %parallel_loop3A_314 = vector.shape_cast %parallel_loop3A_313 : vector<1x16xf32> to vector<16xf32>
      %parallel_loop3A_315 = arith.subf %parallel_loop3A_310, %parallel_loop3A_314 : vector<16xf32>
      %parallel_loop3A_316 = arith.index_cast %parallel_loop3A_264 : i32 to index
      %parallel_loop3A_317 = arith.constant 48 : index
      %parallel_loop3A_318 = tpu.vector_load %arg7[%parallel_loop3A_316, %parallel_loop3A_317] {strides = array<i32>} : memref<128x64xf32, #tpu.memory_space<vmem>>, vector<1x16xf32>,
      %parallel_loop3A_319 = vector.shape_cast %parallel_loop3A_318 : vector<1x16xf32> to vector<16xf32>
      %parallel_loop3A_320 = vector.shape_cast %parallel_loop3A_315 : vector<16xf32> to vector<1x16xf32>
      tpu.vector_store %arg7[%parallel_loop3A_316, %parallel_loop3A_317], %parallel_loop3A_320 {strides = array<i32>} : memref<128x64xf32, #tpu.memory_space<vmem>>, vector<1x16xf32>,
    } {sc.loop_unroll_factor = 8 : i64, sc.parallel_access}
    %add3A_100 = arith.constant 256 : i32
    %add3A_101 = arith.addi %mul3A_2, %add3A_100 : i32
    %dma_start3A_102 = arith.constant 0 : i32
    %dma_start3A_103 = tpu.memref_slice %arg5[%add3A_101, %dma_start3A_102] : memref<32768x64xf32, #tpu.memory_space<hbm>> -> memref<128x64xf32, #tpu.memory_space<hbm>>
    %dma_start3A_104 = arith.constant 0 : i32
    %dma_start3A_105 = tpu.memref_slice %arg5[%add3A_101, %dma_start3A_104] : memref<32768x64xf32, #tpu.memory_space<hbm>> -> memref<128x64xf32, #tpu.memory_space<hbm>>
    tpu.enqueue_dma source(%arg7 : memref<128x64xf32, #tpu.memory_space<vmem>>) target(%dma_start3A_105 : memref<128x64xf32, #tpu.memory_space<hbm>>) target_semaphore(%arg15 : memref<!tpu.dma_semaphore, #tpu.memory_space<semaphore_mem>>)
    %dma_wait3A_106 = arith.constant 0 : i32
    %dma_wait3A_107 = tpu.memref_slice %arg5[%add3A_101, %dma_wait3A_106] : memref<32768x64xf32, #tpu.memory_space<hbm>> -> memref<128x64xf32, #tpu.memory_space<hbm>>
    %dma_wait3A_108 = arith.constant 0 : i32
    %dma_wait3A_109 = tpu.memref_slice %arg5[%add3A_101, %dma_wait3A_108] : memref<32768x64xf32, #tpu.memory_space<hbm>> -> memref<128x64xf32, #tpu.memory_space<hbm>>
    tpu.wait_dma2 semaphore(%arg15 : memref<!tpu.dma_semaphore, #tpu.memory_space<semaphore_mem>>) src(%arg7 : memref<128x64xf32, #tpu.memory_space<vmem>>) dst(%dma_wait3A_109 : memref<128x64xf32, #tpu.memory_space<hbm>>)
    %add3A_110 = arith.constant 512 : i32
    %add3A_111 = arith.addi %mul3A_2, %add3A_110 : i32
    %dma_start3A_112 = arith.constant 0 : i32
    %dma_start3A_113 = tpu.memref_slice %arg3[%add3A_111, %dma_start3A_112] : memref<32768x64xf32, #tpu.memory_space<hbm>> -> memref<128x64xf32, #tpu.memory_space<hbm>>
    %dma_start3A_114 = arith.constant 0 : i32
    %dma_start3A_115 = tpu.memref_slice %arg3[%add3A_111, %dma_start3A_114] : memref<32768x64xf32, #tpu.memory_space<hbm>> -> memref<128x64xf32, #tpu.memory_space<hbm>>
    tpu.enqueue_dma source(%dma_start3A_115 : memref<128x64xf32, #tpu.memory_space<hbm>>) target(%arg7 : memref<128x64xf32, #tpu.memory_space<vmem>>) target_semaphore(%arg11 : memref<!tpu.dma_semaphore, #tpu.memory_space<semaphore_mem>>)
    %dma_start3A_116 = arith.constant 512 : i32
    %dma_start3A_117 = tpu.memref_slice %arg6[%dma_start3A_116] : memref<1024xi32, #tpu.memory_space<vmem>> -> memref<128xi32, #tpu.memory_space<vmem>>
    %dma_start3A_118 = arith.constant 0 : i32
    %dma_start3A_119 = arith.constant 0 : i32
    %dma_start3A_120 = tpu.memref_slice %arg4[%dma_start3A_118, %dma_start3A_119] : memref<1024x128xf32, #tpu.memory_space<hbm>> -> memref<1024x128xf32, #tpu.memory_space<hbm>>
    tpu.enqueue_indirect_dma source(%dma_start3A_120 : memref<1024x128xf32, #tpu.memory_space<hbm>>) target(%arg9 : memref<128x128xf32, #tpu.memory_space<vmem>>) offsets(%dma_start3A_117 : memref<128xi32, #tpu.memory_space<vmem>>) semaphore(%arg13 : memref<!tpu.dma_semaphore, #tpu.memory_space<semaphore_mem>>)
    %dma_wait3A_121 = arith.constant 0 : i32
    %dma_wait3A_122 = tpu.memref_slice %arg3[%add3A_78, %dma_wait3A_121] : memref<32768x64xf32, #tpu.memory_space<hbm>> -> memref<128x64xf32, #tpu.memory_space<hbm>>
    %dma_wait3A_123 = arith.constant 0 : i32
    %dma_wait3A_124 = tpu.memref_slice %arg3[%add3A_78, %dma_wait3A_123] : memref<32768x64xf32, #tpu.memory_space<hbm>> -> memref<128x64xf32, #tpu.memory_space<hbm>>
    tpu.wait_dma2 semaphore(%arg12 : memref<!tpu.dma_semaphore, #tpu.memory_space<semaphore_mem>>) src(%dma_wait3A_124 : memref<128x64xf32, #tpu.memory_space<hbm>>) dst(%arg8 : memref<128x64xf32, #tpu.memory_space<vmem>>)
    %dma_wait3A_125 = arith.constant 384 : i32
    %dma_wait3A_126 = tpu.memref_slice %arg6[%dma_wait3A_125] : memref<1024xi32, #tpu.memory_space<vmem>> -> memref<128xi32, #tpu.memory_space<vmem>>
    %dma_wait3A_127 = arith.constant 0 : i32
    %dma_wait3A_128 = arith.constant 0 : i32
    %dma_wait3A_129 = tpu.memref_slice %arg4[%dma_wait3A_127, %dma_wait3A_128] : memref<1024x128xf32, #tpu.memory_space<hbm>> -> memref<1024x128xf32, #tpu.memory_space<hbm>>
    tpu.wait_indirect_dma semaphore(%arg14 : memref<!tpu.dma_semaphore, #tpu.memory_space<semaphore_mem>>) src(%dma_wait3A_129 : memref<1024x128xf32, #tpu.memory_space<hbm>>) dst(%arg10 : memref<128x128xf32, #tpu.memory_space<vmem>>)
    %parallel_loop3A_130 = arith.constant 0 : i32
    %parallel_loop3A_131 = arith.constant 128 : i32
    %parallel_loop3A_132 = arith.constant 1 : i32
    scf.for %parallel_loop3A_264 = %parallel_loop3A_130 to %parallel_loop3A_131 step %parallel_loop3A_132  : i32 {
      %parallel_loop3A_265 = arith.index_cast %parallel_loop3A_264 : i32 to index
      %parallel_loop3A_266 = arith.constant 0 : index
      %parallel_loop3A_267 = tpu.vector_load %arg8[%parallel_loop3A_265, %parallel_loop3A_266] {strides = array<i32>} : memref<128x64xf32, #tpu.memory_space<vmem>>, vector<1x16xf32>,
      %parallel_loop3A_268 = vector.shape_cast %parallel_loop3A_267 : vector<1x16xf32> to vector<16xf32>
      %parallel_loop3A_269 = arith.index_cast %parallel_loop3A_264 : i32 to index
      %parallel_loop3A_270 = arith.constant 0 : index
      %parallel_loop3A_271 = tpu.vector_load %arg10[%parallel_loop3A_269, %parallel_loop3A_270] {strides = array<i32>} : memref<128x128xf32, #tpu.memory_space<vmem>>, vector<1x16xf32>,
      %parallel_loop3A_272 = vector.shape_cast %parallel_loop3A_271 : vector<1x16xf32> to vector<16xf32>
      %parallel_loop3A_273 = arith.subf %parallel_loop3A_268, %parallel_loop3A_272 : vector<16xf32>
      %parallel_loop3A_274 = arith.index_cast %parallel_loop3A_264 : i32 to index
      %parallel_loop3A_275 = arith.constant 0 : index
      %parallel_loop3A_276 = tpu.vector_load %arg8[%parallel_loop3A_274, %parallel_loop3A_275] {strides = array<i32>} : memref<128x64xf32, #tpu.memory_space<vmem>>, vector<1x16xf32>,
      %parallel_loop3A_277 = vector.shape_cast %parallel_loop3A_276 : vector<1x16xf32> to vector<16xf32>
      %parallel_loop3A_278 = vector.shape_cast %parallel_loop3A_273 : vector<16xf32> to vector<1x16xf32>
      tpu.vector_store %arg8[%parallel_loop3A_274, %parallel_loop3A_275], %parallel_loop3A_278 {strides = array<i32>} : memref<128x64xf32, #tpu.memory_space<vmem>>, vector<1x16xf32>,
      %parallel_loop3A_279 = arith.index_cast %parallel_loop3A_264 : i32 to index
      %parallel_loop3A_280 = arith.constant 16 : index
      %parallel_loop3A_281 = tpu.vector_load %arg8[%parallel_loop3A_279, %parallel_loop3A_280] {strides = array<i32>} : memref<128x64xf32, #tpu.memory_space<vmem>>, vector<1x16xf32>,
      %parallel_loop3A_282 = vector.shape_cast %parallel_loop3A_281 : vector<1x16xf32> to vector<16xf32>
      %parallel_loop3A_283 = arith.index_cast %parallel_loop3A_264 : i32 to index
      %parallel_loop3A_284 = arith.constant 16 : index
      %parallel_loop3A_285 = tpu.vector_load %arg10[%parallel_loop3A_283, %parallel_loop3A_284] {strides = array<i32>} : memref<128x128xf32, #tpu.memory_space<vmem>>, vector<1x16xf32>,
      %parallel_loop3A_286 = vector.shape_cast %parallel_loop3A_285 : vector<1x16xf32> to vector<16xf32>
      %parallel_loop3A_287 = arith.subf %parallel_loop3A_282, %parallel_loop3A_286 : vector<16xf32>
      %parallel_loop3A_288 = arith.index_cast %parallel_loop3A_264 : i32 to index
      %parallel_loop3A_289 = arith.constant 16 : index
      %parallel_loop3A_290 = tpu.vector_load %arg8[%parallel_loop3A_288, %parallel_loop3A_289] {strides = array<i32>} : memref<128x64xf32, #tpu.memory_space<vmem>>, vector<1x16xf32>,
      %parallel_loop3A_291 = vector.shape_cast %parallel_loop3A_290 : vector<1x16xf32> to vector<16xf32>
      %parallel_loop3A_292 = vector.shape_cast %parallel_loop3A_287 : vector<16xf32> to vector<1x16xf32>
      tpu.vector_store %arg8[%parallel_loop3A_288, %parallel_loop3A_289], %parallel_loop3A_292 {strides = array<i32>} : memref<128x64xf32, #tpu.memory_space<vmem>>, vector<1x16xf32>,
      %parallel_loop3A_293 = arith.index_cast %parallel_loop3A_264 : i32 to index
      %parallel_loop3A_294 = arith.constant 32 : index
      %parallel_loop3A_295 = tpu.vector_load %arg8[%parallel_loop3A_293, %parallel_loop3A_294] {strides = array<i32>} : memref<128x64xf32, #tpu.memory_space<vmem>>, vector<1x16xf32>,
      %parallel_loop3A_296 = vector.shape_cast %parallel_loop3A_295 : vector<1x16xf32> to vector<16xf32>
      %parallel_loop3A_297 = arith.index_cast %parallel_loop3A_264 : i32 to index
      %parallel_loop3A_298 = arith.constant 32 : index
      %parallel_loop3A_299 = tpu.vector_load %arg10[%parallel_loop3A_297, %parallel_loop3A_298] {strides = array<i32>} : memref<128x128xf32, #tpu.memory_space<vmem>>, vector<1x16xf32>,
      %parallel_loop3A_300 = vector.shape_cast %parallel_loop3A_299 : vector<1x16xf32> to vector<16xf32>
      %parallel_loop3A_301 = arith.subf %parallel_loop3A_296, %parallel_loop3A_300 : vector<16xf32>
      %parallel_loop3A_302 = arith.index_cast %parallel_loop3A_264 : i32 to index
      %parallel_loop3A_303 = arith.constant 32 : index
      %parallel_loop3A_304 = tpu.vector_load %arg8[%parallel_loop3A_302, %parallel_loop3A_303] {strides = array<i32>} : memref<128x64xf32, #tpu.memory_space<vmem>>, vector<1x16xf32>,
      %parallel_loop3A_305 = vector.shape_cast %parallel_loop3A_304 : vector<1x16xf32> to vector<16xf32>
      %parallel_loop3A_306 = vector.shape_cast %parallel_loop3A_301 : vector<16xf32> to vector<1x16xf32>
      tpu.vector_store %arg8[%parallel_loop3A_302, %parallel_loop3A_303], %parallel_loop3A_306 {strides = array<i32>} : memref<128x64xf32, #tpu.memory_space<vmem>>, vector<1x16xf32>,
      %parallel_loop3A_307 = arith.index_cast %parallel_loop3A_264 : i32 to index
      %parallel_loop3A_308 = arith.constant 48 : index
      %parallel_loop3A_309 = tpu.vector_load %arg8[%parallel_loop3A_307, %parallel_loop3A_308] {strides = array<i32>} : memref<128x64xf32, #tpu.memory_space<vmem>>, vector<1x16xf32>,
      %parallel_loop3A_310 = vector.shape_cast %parallel_loop3A_309 : vector<1x16xf32> to vector<16xf32>
      %parallel_loop3A_311 = arith.index_cast %parallel_loop3A_264 : i32 to index
      %parallel_loop3A_312 = arith.constant 48 : index
      %parallel_loop3A_313 = tpu.vector_load %arg10[%parallel_loop3A_311, %parallel_loop3A_312] {strides = array<i32>} : memref<128x128xf32, #tpu.memory_space<vmem>>, vector<1x16xf32>,
      %parallel_loop3A_314 = vector.shape_cast %parallel_loop3A_313 : vector<1x16xf32> to vector<16xf32>
      %parallel_loop3A_315 = arith.subf %parallel_loop3A_310, %parallel_loop3A_314 : vector<16xf32>
      %parallel_loop3A_316 = arith.index_cast %parallel_loop3A_264 : i32 to index
      %parallel_loop3A_317 = arith.constant 48 : index
      %parallel_loop3A_318 = tpu.vector_load %arg8[%parallel_loop3A_316, %parallel_loop3A_317] {strides = array<i32>} : memref<128x64xf32, #tpu.memory_space<vmem>>, vector<1x16xf32>,
      %parallel_loop3A_319 = vector.shape_cast %parallel_loop3A_318 : vector<1x16xf32> to vector<16xf32>
      %parallel_loop3A_320 = vector.shape_cast %parallel_loop3A_315 : vector<16xf32> to vector<1x16xf32>
      tpu.vector_store %arg8[%parallel_loop3A_316, %parallel_loop3A_317], %parallel_loop3A_320 {strides = array<i32>} : memref<128x64xf32, #tpu.memory_space<vmem>>, vector<1x16xf32>,
    } {sc.loop_unroll_factor = 8 : i64, sc.parallel_access}
    %add3A_133 = arith.constant 384 : i32
    %add3A_134 = arith.addi %mul3A_2, %add3A_133 : i32
    %dma_start3A_135 = arith.constant 0 : i32
    %dma_start3A_136 = tpu.memref_slice %arg5[%add3A_134, %dma_start3A_135] : memref<32768x64xf32, #tpu.memory_space<hbm>> -> memref<128x64xf32, #tpu.memory_space<hbm>>
    %dma_start3A_137 = arith.constant 0 : i32
    %dma_start3A_138 = tpu.memref_slice %arg5[%add3A_134, %dma_start3A_137] : memref<32768x64xf32, #tpu.memory_space<hbm>> -> memref<128x64xf32, #tpu.memory_space<hbm>>
    tpu.enqueue_dma source(%arg8 : memref<128x64xf32, #tpu.memory_space<vmem>>) target(%dma_start3A_138 : memref<128x64xf32, #tpu.memory_space<hbm>>) target_semaphore(%arg16 : memref<!tpu.dma_semaphore, #tpu.memory_space<semaphore_mem>>)
    %dma_wait3A_139 = arith.constant 0 : i32
    %dma_wait3A_140 = tpu.memref_slice %arg5[%add3A_134, %dma_wait3A_139] : memref<32768x64xf32, #tpu.memory_space<hbm>> -> memref<128x64xf32, #tpu.memory_space<hbm>>
    %dma_wait3A_141 = arith.constant 0 : i32
    %dma_wait3A_142 = tpu.memref_slice %arg5[%add3A_134, %dma_wait3A_141] : memref<32768x64xf32, #tpu.memory_space<hbm>> -> memref<128x64xf32, #tpu.memory_space<hbm>>
    tpu.wait_dma2 semaphore(%arg16 : memref<!tpu.dma_semaphore, #tpu.memory_space<semaphore_mem>>) src(%arg8 : memref<128x64xf32, #tpu.memory_space<vmem>>) dst(%dma_wait3A_142 : memref<128x64xf32, #tpu.memory_space<hbm>>)
    %add3A_143 = arith.constant 640 : i32
    %add3A_144 = arith.addi %mul3A_2, %add3A_143 : i32
    %dma_start3A_145 = arith.constant 0 : i32
    %dma_start3A_146 = tpu.memref_slice %arg3[%add3A_144, %dma_start3A_145] : memref<32768x64xf32, #tpu.memory_space<hbm>> -> memref<128x64xf32, #tpu.memory_space<hbm>>
    %dma_start3A_147 = arith.constant 0 : i32
    %dma_start3A_148 = tpu.memref_slice %arg3[%add3A_144, %dma_start3A_147] : memref<32768x64xf32, #tpu.memory_space<hbm>> -> memref<128x64xf32, #tpu.memory_space<hbm>>
    tpu.enqueue_dma source(%dma_start3A_148 : memref<128x64xf32, #tpu.memory_space<hbm>>) target(%arg8 : memref<128x64xf32, #tpu.memory_space<vmem>>) target_semaphore(%arg12 : memref<!tpu.dma_semaphore, #tpu.memory_space<semaphore_mem>>)
    %dma_start3A_149 = arith.constant 640 : i32
    %dma_start3A_150 = tpu.memref_slice %arg6[%dma_start3A_149] : memref<1024xi32, #tpu.memory_space<vmem>> -> memref<128xi32, #tpu.memory_space<vmem>>
    %dma_start3A_151 = arith.constant 0 : i32
    %dma_start3A_152 = arith.constant 0 : i32
    %dma_start3A_153 = tpu.memref_slice %arg4[%dma_start3A_151, %dma_start3A_152] : memref<1024x128xf32, #tpu.memory_space<hbm>> -> memref<1024x128xf32, #tpu.memory_space<hbm>>
    tpu.enqueue_indirect_dma source(%dma_start3A_153 : memref<1024x128xf32, #tpu.memory_space<hbm>>) target(%arg10 : memref<128x128xf32, #tpu.memory_space<vmem>>) offsets(%dma_start3A_150 : memref<128xi32, #tpu.memory_space<vmem>>) semaphore(%arg14 : memref<!tpu.dma_semaphore, #tpu.memory_space<semaphore_mem>>)
    %dma_wait3A_154 = arith.constant 0 : i32
    %dma_wait3A_155 = tpu.memref_slice %arg3[%add3A_111, %dma_wait3A_154] : memref<32768x64xf32, #tpu.memory_space<hbm>> -> memref<128x64xf32, #tpu.memory_space<hbm>>
    %dma_wait3A_156 = arith.constant 0 : i32
    %dma_wait3A_157 = tpu.memref_slice %arg3[%add3A_111, %dma_wait3A_156] : memref<32768x64xf32, #tpu.memory_space<hbm>> -> memref<128x64xf32, #tpu.memory_space<hbm>>
    tpu.wait_dma2 semaphore(%arg11 : memref<!tpu.dma_semaphore, #tpu.memory_space<semaphore_mem>>) src(%dma_wait3A_157 : memref<128x64xf32, #tpu.memory_space<hbm>>) dst(%arg7 : memref<128x64xf32, #tpu.memory_space<vmem>>)
    %dma_wait3A_158 = arith.constant 512 : i32
    %dma_wait3A_159 = tpu.memref_slice %arg6[%dma_wait3A_158] : memref<1024xi32, #tpu.memory_space<vmem>> -> memref<128xi32, #tpu.memory_space<vmem>>
    %dma_wait3A_160 = arith.constant 0 : i32
    %dma_wait3A_161 = arith.constant 0 : i32
    %dma_wait3A_162 = tpu.memref_slice %arg4[%dma_wait3A_160, %dma_wait3A_161] : memref<1024x128xf32, #tpu.memory_space<hbm>> -> memref<1024x128xf32, #tpu.memory_space<hbm>>
    tpu.wait_indirect_dma semaphore(%arg13 : memref<!tpu.dma_semaphore, #tpu.memory_space<semaphore_mem>>) src(%dma_wait3A_162 : memref<1024x128xf32, #tpu.memory_space<hbm>>) dst(%arg9 : memref<128x128xf32, #tpu.memory_space<vmem>>)
    %parallel_loop3A_163 = arith.constant 0 : i32
    %parallel_loop3A_164 = arith.constant 128 : i32
    %parallel_loop3A_165 = arith.constant 1 : i32
    scf.for %parallel_loop3A_264 = %parallel_loop3A_163 to %parallel_loop3A_164 step %parallel_loop3A_165  : i32 {
      %parallel_loop3A_265 = arith.index_cast %parallel_loop3A_264 : i32 to index
      %parallel_loop3A_266 = arith.constant 0 : index
      %parallel_loop3A_267 = tpu.vector_load %arg7[%parallel_loop3A_265, %parallel_loop3A_266] {strides = array<i32>} : memref<128x64xf32, #tpu.memory_space<vmem>>, vector<1x16xf32>,
      %parallel_loop3A_268 = vector.shape_cast %parallel_loop3A_267 : vector<1x16xf32> to vector<16xf32>
      %parallel_loop3A_269 = arith.index_cast %parallel_loop3A_264 : i32 to index
      %parallel_loop3A_270 = arith.constant 0 : index
      %parallel_loop3A_271 = tpu.vector_load %arg9[%parallel_loop3A_269, %parallel_loop3A_270] {strides = array<i32>} : memref<128x128xf32, #tpu.memory_space<vmem>>, vector<1x16xf32>,
      %parallel_loop3A_272 = vector.shape_cast %parallel_loop3A_271 : vector<1x16xf32> to vector<16xf32>
      %parallel_loop3A_273 = arith.subf %parallel_loop3A_268, %parallel_loop3A_272 : vector<16xf32>
      %parallel_loop3A_274 = arith.index_cast %parallel_loop3A_264 : i32 to index
      %parallel_loop3A_275 = arith.constant 0 : index
      %parallel_loop3A_276 = tpu.vector_load %arg7[%parallel_loop3A_274, %parallel_loop3A_275] {strides = array<i32>} : memref<128x64xf32, #tpu.memory_space<vmem>>, vector<1x16xf32>,
      %parallel_loop3A_277 = vector.shape_cast %parallel_loop3A_276 : vector<1x16xf32> to vector<16xf32>
      %parallel_loop3A_278 = vector.shape_cast %parallel_loop3A_273 : vector<16xf32> to vector<1x16xf32>
      tpu.vector_store %arg7[%parallel_loop3A_274, %parallel_loop3A_275], %parallel_loop3A_278 {strides = array<i32>} : memref<128x64xf32, #tpu.memory_space<vmem>>, vector<1x16xf32>,
      %parallel_loop3A_279 = arith.index_cast %parallel_loop3A_264 : i32 to index
      %parallel_loop3A_280 = arith.constant 16 : index
      %parallel_loop3A_281 = tpu.vector_load %arg7[%parallel_loop3A_279, %parallel_loop3A_280] {strides = array<i32>} : memref<128x64xf32, #tpu.memory_space<vmem>>, vector<1x16xf32>,
      %parallel_loop3A_282 = vector.shape_cast %parallel_loop3A_281 : vector<1x16xf32> to vector<16xf32>
      %parallel_loop3A_283 = arith.index_cast %parallel_loop3A_264 : i32 to index
      %parallel_loop3A_284 = arith.constant 16 : index
      %parallel_loop3A_285 = tpu.vector_load %arg9[%parallel_loop3A_283, %parallel_loop3A_284] {strides = array<i32>} : memref<128x128xf32, #tpu.memory_space<vmem>>, vector<1x16xf32>,
      %parallel_loop3A_286 = vector.shape_cast %parallel_loop3A_285 : vector<1x16xf32> to vector<16xf32>
      %parallel_loop3A_287 = arith.subf %parallel_loop3A_282, %parallel_loop3A_286 : vector<16xf32>
      %parallel_loop3A_288 = arith.index_cast %parallel_loop3A_264 : i32 to index
      %parallel_loop3A_289 = arith.constant 16 : index
      %parallel_loop3A_290 = tpu.vector_load %arg7[%parallel_loop3A_288, %parallel_loop3A_289] {strides = array<i32>} : memref<128x64xf32, #tpu.memory_space<vmem>>, vector<1x16xf32>,
      %parallel_loop3A_291 = vector.shape_cast %parallel_loop3A_290 : vector<1x16xf32> to vector<16xf32>
      %parallel_loop3A_292 = vector.shape_cast %parallel_loop3A_287 : vector<16xf32> to vector<1x16xf32>
      tpu.vector_store %arg7[%parallel_loop3A_288, %parallel_loop3A_289], %parallel_loop3A_292 {strides = array<i32>} : memref<128x64xf32, #tpu.memory_space<vmem>>, vector<1x16xf32>,
      %parallel_loop3A_293 = arith.index_cast %parallel_loop3A_264 : i32 to index
      %parallel_loop3A_294 = arith.constant 32 : index
      %parallel_loop3A_295 = tpu.vector_load %arg7[%parallel_loop3A_293, %parallel_loop3A_294] {strides = array<i32>} : memref<128x64xf32, #tpu.memory_space<vmem>>, vector<1x16xf32>,
      %parallel_loop3A_296 = vector.shape_cast %parallel_loop3A_295 : vector<1x16xf32> to vector<16xf32>
      %parallel_loop3A_297 = arith.index_cast %parallel_loop3A_264 : i32 to index
      %parallel_loop3A_298 = arith.constant 32 : index
      %parallel_loop3A_299 = tpu.vector_load %arg9[%parallel_loop3A_297, %parallel_loop3A_298] {strides = array<i32>} : memref<128x128xf32, #tpu.memory_space<vmem>>, vector<1x16xf32>,
      %parallel_loop3A_300 = vector.shape_cast %parallel_loop3A_299 : vector<1x16xf32> to vector<16xf32>
      %parallel_loop3A_301 = arith.subf %parallel_loop3A_296, %parallel_loop3A_300 : vector<16xf32>
      %parallel_loop3A_302 = arith.index_cast %parallel_loop3A_264 : i32 to index
      %parallel_loop3A_303 = arith.constant 32 : index
      %parallel_loop3A_304 = tpu.vector_load %arg7[%parallel_loop3A_302, %parallel_loop3A_303] {strides = array<i32>} : memref<128x64xf32, #tpu.memory_space<vmem>>, vector<1x16xf32>,
      %parallel_loop3A_305 = vector.shape_cast %parallel_loop3A_304 : vector<1x16xf32> to vector<16xf32>
      %parallel_loop3A_306 = vector.shape_cast %parallel_loop3A_301 : vector<16xf32> to vector<1x16xf32>
      tpu.vector_store %arg7[%parallel_loop3A_302, %parallel_loop3A_303], %parallel_loop3A_306 {strides = array<i32>} : memref<128x64xf32, #tpu.memory_space<vmem>>, vector<1x16xf32>,
      %parallel_loop3A_307 = arith.index_cast %parallel_loop3A_264 : i32 to index
      %parallel_loop3A_308 = arith.constant 48 : index
      %parallel_loop3A_309 = tpu.vector_load %arg7[%parallel_loop3A_307, %parallel_loop3A_308] {strides = array<i32>} : memref<128x64xf32, #tpu.memory_space<vmem>>, vector<1x16xf32>,
      %parallel_loop3A_310 = vector.shape_cast %parallel_loop3A_309 : vector<1x16xf32> to vector<16xf32>
      %parallel_loop3A_311 = arith.index_cast %parallel_loop3A_264 : i32 to index
      %parallel_loop3A_312 = arith.constant 48 : index
      %parallel_loop3A_313 = tpu.vector_load %arg9[%parallel_loop3A_311, %parallel_loop3A_312] {strides = array<i32>} : memref<128x128xf32, #tpu.memory_space<vmem>>, vector<1x16xf32>,
      %parallel_loop3A_314 = vector.shape_cast %parallel_loop3A_313 : vector<1x16xf32> to vector<16xf32>
      %parallel_loop3A_315 = arith.subf %parallel_loop3A_310, %parallel_loop3A_314 : vector<16xf32>
      %parallel_loop3A_316 = arith.index_cast %parallel_loop3A_264 : i32 to index
      %parallel_loop3A_317 = arith.constant 48 : index
      %parallel_loop3A_318 = tpu.vector_load %arg7[%parallel_loop3A_316, %parallel_loop3A_317] {strides = array<i32>} : memref<128x64xf32, #tpu.memory_space<vmem>>, vector<1x16xf32>,
      %parallel_loop3A_319 = vector.shape_cast %parallel_loop3A_318 : vector<1x16xf32> to vector<16xf32>
      %parallel_loop3A_320 = vector.shape_cast %parallel_loop3A_315 : vector<16xf32> to vector<1x16xf32>
      tpu.vector_store %arg7[%parallel_loop3A_316, %parallel_loop3A_317], %parallel_loop3A_320 {strides = array<i32>} : memref<128x64xf32, #tpu.memory_space<vmem>>, vector<1x16xf32>,
    } {sc.loop_unroll_factor = 8 : i64, sc.parallel_access}
    %add3A_166 = arith.constant 512 : i32
    %add3A_167 = arith.addi %mul3A_2, %add3A_166 : i32
    %dma_start3A_168 = arith.constant 0 : i32
    %dma_start3A_169 = tpu.memref_slice %arg5[%add3A_167, %dma_start3A_168] : memref<32768x64xf32, #tpu.memory_space<hbm>> -> memref<128x64xf32, #tpu.memory_space<hbm>>
    %dma_start3A_170 = arith.constant 0 : i32
    %dma_start3A_171 = tpu.memref_slice %arg5[%add3A_167, %dma_start3A_170] : memref<32768x64xf32, #tpu.memory_space<hbm>> -> memref<128x64xf32, #tpu.memory_space<hbm>>
    tpu.enqueue_dma source(%arg7 : memref<128x64xf32, #tpu.memory_space<vmem>>) target(%dma_start3A_171 : memref<128x64xf32, #tpu.memory_space<hbm>>) target_semaphore(%arg15 : memref<!tpu.dma_semaphore, #tpu.memory_space<semaphore_mem>>)
    %dma_wait3A_172 = arith.constant 0 : i32
    %dma_wait3A_173 = tpu.memref_slice %arg5[%add3A_167, %dma_wait3A_172] : memref<32768x64xf32, #tpu.memory_space<hbm>> -> memref<128x64xf32, #tpu.memory_space<hbm>>
    %dma_wait3A_174 = arith.constant 0 : i32
    %dma_wait3A_175 = tpu.memref_slice %arg5[%add3A_167, %dma_wait3A_174] : memref<32768x64xf32, #tpu.memory_space<hbm>> -> memref<128x64xf32, #tpu.memory_space<hbm>>
    tpu.wait_dma2 semaphore(%arg15 : memref<!tpu.dma_semaphore, #tpu.memory_space<semaphore_mem>>) src(%arg7 : memref<128x64xf32, #tpu.memory_space<vmem>>) dst(%dma_wait3A_175 : memref<128x64xf32, #tpu.memory_space<hbm>>)
    %add3A_176 = arith.constant 768 : i32
    %add3A_177 = arith.addi %mul3A_2, %add3A_176 : i32
    %dma_start3A_178 = arith.constant 0 : i32
    %dma_start3A_179 = tpu.memref_slice %arg3[%add3A_177, %dma_start3A_178] : memref<32768x64xf32, #tpu.memory_space<hbm>> -> memref<128x64xf32, #tpu.memory_space<hbm>>
    %dma_start3A_180 = arith.constant 0 : i32
    %dma_start3A_181 = tpu.memref_slice %arg3[%add3A_177, %dma_start3A_180] : memref<32768x64xf32, #tpu.memory_space<hbm>> -> memref<128x64xf32, #tpu.memory_space<hbm>>
    tpu.enqueue_dma source(%dma_start3A_181 : memref<128x64xf32, #tpu.memory_space<hbm>>) target(%arg7 : memref<128x64xf32, #tpu.memory_space<vmem>>) target_semaphore(%arg11 : memref<!tpu.dma_semaphore, #tpu.memory_space<semaphore_mem>>)
    %dma_start3A_182 = arith.constant 768 : i32
    %dma_start3A_183 = tpu.memref_slice %arg6[%dma_start3A_182] : memref<1024xi32, #tpu.memory_space<vmem>> -> memref<128xi32, #tpu.memory_space<vmem>>
    %dma_start3A_184 = arith.constant 0 : i32
    %dma_start3A_185 = arith.constant 0 : i32
    %dma_start3A_186 = tpu.memref_slice %arg4[%dma_start3A_184, %dma_start3A_185] : memref<1024x128xf32, #tpu.memory_space<hbm>> -> memref<1024x128xf32, #tpu.memory_space<hbm>>
    tpu.enqueue_indirect_dma source(%dma_start3A_186 : memref<1024x128xf32, #tpu.memory_space<hbm>>) target(%arg9 : memref<128x128xf32, #tpu.memory_space<vmem>>) offsets(%dma_start3A_183 : memref<128xi32, #tpu.memory_space<vmem>>) semaphore(%arg13 : memref<!tpu.dma_semaphore, #tpu.memory_space<semaphore_mem>>)
    %dma_wait3A_187 = arith.constant 0 : i32
    %dma_wait3A_188 = tpu.memref_slice %arg3[%add3A_144, %dma_wait3A_187] : memref<32768x64xf32, #tpu.memory_space<hbm>> -> memref<128x64xf32, #tpu.memory_space<hbm>>
    %dma_wait3A_189 = arith.constant 0 : i32
    %dma_wait3A_190 = tpu.memref_slice %arg3[%add3A_144, %dma_wait3A_189] : memref<32768x64xf32, #tpu.memory_space<hbm>> -> memref<128x64xf32, #tpu.memory_space<hbm>>
    tpu.wait_dma2 semaphore(%arg12 : memref<!tpu.dma_semaphore, #tpu.memory_space<semaphore_mem>>) src(%dma_wait3A_190 : memref<128x64xf32, #tpu.memory_space<hbm>>) dst(%arg8 : memref<128x64xf32, #tpu.memory_space<vmem>>)
    %dma_wait3A_191 = arith.constant 640 : i32
    %dma_wait3A_192 = tpu.memref_slice %arg6[%dma_wait3A_191] : memref<1024xi32, #tpu.memory_space<vmem>> -> memref<128xi32, #tpu.memory_space<vmem>>
    %dma_wait3A_193 = arith.constant 0 : i32
    %dma_wait3A_194 = arith.constant 0 : i32
    %dma_wait3A_195 = tpu.memref_slice %arg4[%dma_wait3A_193, %dma_wait3A_194] : memref<1024x128xf32, #tpu.memory_space<hbm>> -> memref<1024x128xf32, #tpu.memory_space<hbm>>
    tpu.wait_indirect_dma semaphore(%arg14 : memref<!tpu.dma_semaphore, #tpu.memory_space<semaphore_mem>>) src(%dma_wait3A_195 : memref<1024x128xf32, #tpu.memory_space<hbm>>) dst(%arg10 : memref<128x128xf32, #tpu.memory_space<vmem>>)
    %parallel_loop3A_196 = arith.constant 0 : i32
    %parallel_loop3A_197 = arith.constant 128 : i32
    %parallel_loop3A_198 = arith.constant 1 : i32
    scf.for %parallel_loop3A_264 = %parallel_loop3A_196 to %parallel_loop3A_197 step %parallel_loop3A_198  : i32 {
      %parallel_loop3A_265 = arith.index_cast %parallel_loop3A_264 : i32 to index
      %parallel_loop3A_266 = arith.constant 0 : index
      %parallel_loop3A_267 = tpu.vector_load %arg8[%parallel_loop3A_265, %parallel_loop3A_266] {strides = array<i32>} : memref<128x64xf32, #tpu.memory_space<vmem>>, vector<1x16xf32>,
      %parallel_loop3A_268 = vector.shape_cast %parallel_loop3A_267 : vector<1x16xf32> to vector<16xf32>
      %parallel_loop3A_269 = arith.index_cast %parallel_loop3A_264 : i32 to index
      %parallel_loop3A_270 = arith.constant 0 : index
      %parallel_loop3A_271 = tpu.vector_load %arg10[%parallel_loop3A_269, %parallel_loop3A_270] {strides = array<i32>} : memref<128x128xf32, #tpu.memory_space<vmem>>, vector<1x16xf32>,
      %parallel_loop3A_272 = vector.shape_cast %parallel_loop3A_271 : vector<1x16xf32> to vector<16xf32>
      %parallel_loop3A_273 = arith.subf %parallel_loop3A_268, %parallel_loop3A_272 : vector<16xf32>
      %parallel_loop3A_274 = arith.index_cast %parallel_loop3A_264 : i32 to index
      %parallel_loop3A_275 = arith.constant 0 : index
      %parallel_loop3A_276 = tpu.vector_load %arg8[%parallel_loop3A_274, %parallel_loop3A_275] {strides = array<i32>} : memref<128x64xf32, #tpu.memory_space<vmem>>, vector<1x16xf32>,
      %parallel_loop3A_277 = vector.shape_cast %parallel_loop3A_276 : vector<1x16xf32> to vector<16xf32>
      %parallel_loop3A_278 = vector.shape_cast %parallel_loop3A_273 : vector<16xf32> to vector<1x16xf32>
      tpu.vector_store %arg8[%parallel_loop3A_274, %parallel_loop3A_275], %parallel_loop3A_278 {strides = array<i32>} : memref<128x64xf32, #tpu.memory_space<vmem>>, vector<1x16xf32>,
      %parallel_loop3A_279 = arith.index_cast %parallel_loop3A_264 : i32 to index
      %parallel_loop3A_280 = arith.constant 16 : index
      %parallel_loop3A_281 = tpu.vector_load %arg8[%parallel_loop3A_279, %parallel_loop3A_280] {strides = array<i32>} : memref<128x64xf32, #tpu.memory_space<vmem>>, vector<1x16xf32>,
      %parallel_loop3A_282 = vector.shape_cast %parallel_loop3A_281 : vector<1x16xf32> to vector<16xf32>
      %parallel_loop3A_283 = arith.index_cast %parallel_loop3A_264 : i32 to index
      %parallel_loop3A_284 = arith.constant 16 : index
      %parallel_loop3A_285 = tpu.vector_load %arg10[%parallel_loop3A_283, %parallel_loop3A_284] {strides = array<i32>} : memref<128x128xf32, #tpu.memory_space<vmem>>, vector<1x16xf32>,
      %parallel_loop3A_286 = vector.shape_cast %parallel_loop3A_285 : vector<1x16xf32> to vector<16xf32>
      %parallel_loop3A_287 = arith.subf %parallel_loop3A_282, %parallel_loop3A_286 : vector<16xf32>
      %parallel_loop3A_288 = arith.index_cast %parallel_loop3A_264 : i32 to index
      %parallel_loop3A_289 = arith.constant 16 : index
      %parallel_loop3A_290 = tpu.vector_load %arg8[%parallel_loop3A_288, %parallel_loop3A_289] {strides = array<i32>} : memref<128x64xf32, #tpu.memory_space<vmem>>, vector<1x16xf32>,
      %parallel_loop3A_291 = vector.shape_cast %parallel_loop3A_290 : vector<1x16xf32> to vector<16xf32>
      %parallel_loop3A_292 = vector.shape_cast %parallel_loop3A_287 : vector<16xf32> to vector<1x16xf32>
      tpu.vector_store %arg8[%parallel_loop3A_288, %parallel_loop3A_289], %parallel_loop3A_292 {strides = array<i32>} : memref<128x64xf32, #tpu.memory_space<vmem>>, vector<1x16xf32>,
      %parallel_loop3A_293 = arith.index_cast %parallel_loop3A_264 : i32 to index
      %parallel_loop3A_294 = arith.constant 32 : index
      %parallel_loop3A_295 = tpu.vector_load %arg8[%parallel_loop3A_293, %parallel_loop3A_294] {strides = array<i32>} : memref<128x64xf32, #tpu.memory_space<vmem>>, vector<1x16xf32>,
      %parallel_loop3A_296 = vector.shape_cast %parallel_loop3A_295 : vector<1x16xf32> to vector<16xf32>
      %parallel_loop3A_297 = arith.index_cast %parallel_loop3A_264 : i32 to index
      %parallel_loop3A_298 = arith.constant 32 : index
      %parallel_loop3A_299 = tpu.vector_load %arg10[%parallel_loop3A_297, %parallel_loop3A_298] {strides = array<i32>} : memref<128x128xf32, #tpu.memory_space<vmem>>, vector<1x16xf32>,
      %parallel_loop3A_300 = vector.shape_cast %parallel_loop3A_299 : vector<1x16xf32> to vector<16xf32>
      %parallel_loop3A_301 = arith.subf %parallel_loop3A_296, %parallel_loop3A_300 : vector<16xf32>
      %parallel_loop3A_302 = arith.index_cast %parallel_loop3A_264 : i32 to index
      %parallel_loop3A_303 = arith.constant 32 : index
      %parallel_loop3A_304 = tpu.vector_load %arg8[%parallel_loop3A_302, %parallel_loop3A_303] {strides = array<i32>} : memref<128x64xf32, #tpu.memory_space<vmem>>, vector<1x16xf32>,
      %parallel_loop3A_305 = vector.shape_cast %parallel_loop3A_304 : vector<1x16xf32> to vector<16xf32>
      %parallel_loop3A_306 = vector.shape_cast %parallel_loop3A_301 : vector<16xf32> to vector<1x16xf32>
      tpu.vector_store %arg8[%parallel_loop3A_302, %parallel_loop3A_303], %parallel_loop3A_306 {strides = array<i32>} : memref<128x64xf32, #tpu.memory_space<vmem>>, vector<1x16xf32>,
      %parallel_loop3A_307 = arith.index_cast %parallel_loop3A_264 : i32 to index
      %parallel_loop3A_308 = arith.constant 48 : index
      %parallel_loop3A_309 = tpu.vector_load %arg8[%parallel_loop3A_307, %parallel_loop3A_308] {strides = array<i32>} : memref<128x64xf32, #tpu.memory_space<vmem>>, vector<1x16xf32>,
      %parallel_loop3A_310 = vector.shape_cast %parallel_loop3A_309 : vector<1x16xf32> to vector<16xf32>
      %parallel_loop3A_311 = arith.index_cast %parallel_loop3A_264 : i32 to index
      %parallel_loop3A_312 = arith.constant 48 : index
      %parallel_loop3A_313 = tpu.vector_load %arg10[%parallel_loop3A_311, %parallel_loop3A_312] {strides = array<i32>} : memref<128x128xf32, #tpu.memory_space<vmem>>, vector<1x16xf32>,
      %parallel_loop3A_314 = vector.shape_cast %parallel_loop3A_313 : vector<1x16xf32> to vector<16xf32>
      %parallel_loop3A_315 = arith.subf %parallel_loop3A_310, %parallel_loop3A_314 : vector<16xf32>
      %parallel_loop3A_316 = arith.index_cast %parallel_loop3A_264 : i32 to index
      %parallel_loop3A_317 = arith.constant 48 : index
      %parallel_loop3A_318 = tpu.vector_load %arg8[%parallel_loop3A_316, %parallel_loop3A_317] {strides = array<i32>} : memref<128x64xf32, #tpu.memory_space<vmem>>, vector<1x16xf32>,
      %parallel_loop3A_319 = vector.shape_cast %parallel_loop3A_318 : vector<1x16xf32> to vector<16xf32>
      %parallel_loop3A_320 = vector.shape_cast %parallel_loop3A_315 : vector<16xf32> to vector<1x16xf32>
      tpu.vector_store %arg8[%parallel_loop3A_316, %parallel_loop3A_317], %parallel_loop3A_320 {strides = array<i32>} : memref<128x64xf32, #tpu.memory_space<vmem>>, vector<1x16xf32>,
    } {sc.loop_unroll_factor = 8 : i64, sc.parallel_access}
    %add3A_199 = arith.constant 640 : i32
    %add3A_200 = arith.addi %mul3A_2, %add3A_199 : i32
    %dma_start3A_201 = arith.constant 0 : i32
    %dma_start3A_202 = tpu.memref_slice %arg5[%add3A_200, %dma_start3A_201] : memref<32768x64xf32, #tpu.memory_space<hbm>> -> memref<128x64xf32, #tpu.memory_space<hbm>>
    %dma_start3A_203 = arith.constant 0 : i32
    %dma_start3A_204 = tpu.memref_slice %arg5[%add3A_200, %dma_start3A_203] : memref<32768x64xf32, #tpu.memory_space<hbm>> -> memref<128x64xf32, #tpu.memory_space<hbm>>
    tpu.enqueue_dma source(%arg8 : memref<128x64xf32, #tpu.memory_space<vmem>>) target(%dma_start3A_204 : memref<128x64xf32, #tpu.memory_space<hbm>>) target_semaphore(%arg16 : memref<!tpu.dma_semaphore, #tpu.memory_space<semaphore_mem>>)
    %dma_wait3A_205 = arith.constant 0 : i32
    %dma_wait3A_206 = tpu.memref_slice %arg5[%add3A_200, %dma_wait3A_205] : memref<32768x64xf32, #tpu.memory_space<hbm>> -> memref<128x64xf32, #tpu.memory_space<hbm>>
    %dma_wait3A_207 = arith.constant 0 : i32
    %dma_wait3A_208 = tpu.memref_slice %arg5[%add3A_200, %dma_wait3A_207] : memref<32768x64xf32, #tpu.memory_space<hbm>> -> memref<128x64xf32, #tpu.memory_space<hbm>>
    tpu.wait_dma2 semaphore(%arg16 : memref<!tpu.dma_semaphore, #tpu.memory_space<semaphore_mem>>) src(%arg8 : memref<128x64xf32, #tpu.memory_space<vmem>>) dst(%dma_wait3A_208 : memref<128x64xf32, #tpu.memory_space<hbm>>)
    %add3A_209 = arith.constant 896 : i32
    %add3A_210 = arith.addi %mul3A_2, %add3A_209 : i32
    %dma_start3A_211 = arith.constant 0 : i32
    %dma_start3A_212 = tpu.memref_slice %arg3[%add3A_210, %dma_start3A_211] : memref<32768x64xf32, #tpu.memory_space<hbm>> -> memref<128x64xf32, #tpu.memory_space<hbm>>
    %dma_start3A_213 = arith.constant 0 : i32
    %dma_start3A_214 = tpu.memref_slice %arg3[%add3A_210, %dma_start3A_213] : memref<32768x64xf32, #tpu.memory_space<hbm>> -> memref<128x64xf32, #tpu.memory_space<hbm>>
    tpu.enqueue_dma source(%dma_start3A_214 : memref<128x64xf32, #tpu.memory_space<hbm>>) target(%arg8 : memref<128x64xf32, #tpu.memory_space<vmem>>) target_semaphore(%arg12 : memref<!tpu.dma_semaphore, #tpu.memory_space<semaphore_mem>>)
    %dma_start3A_215 = arith.constant 896 : i32
    %dma_start3A_216 = tpu.memref_slice %arg6[%dma_start3A_215] : memref<1024xi32, #tpu.memory_space<vmem>> -> memref<128xi32, #tpu.memory_space<vmem>>
    %dma_start3A_217 = arith.constant 0 : i32
    %dma_start3A_218 = arith.constant 0 : i32
    %dma_start3A_219 = tpu.memref_slice %arg4[%dma_start3A_217, %dma_start3A_218] : memref<1024x128xf32, #tpu.memory_space<hbm>> -> memref<1024x128xf32, #tpu.memory_space<hbm>>
    tpu.enqueue_indirect_dma source(%dma_start3A_219 : memref<1024x128xf32, #tpu.memory_space<hbm>>) target(%arg10 : memref<128x128xf32, #tpu.memory_space<vmem>>) offsets(%dma_start3A_216 : memref<128xi32, #tpu.memory_space<vmem>>) semaphore(%arg14 : memref<!tpu.dma_semaphore, #tpu.memory_space<semaphore_mem>>)
    %dma_wait3A_220 = arith.constant 0 : i32
    %dma_wait3A_221 = tpu.memref_slice %arg3[%add3A_177, %dma_wait3A_220] : memref<32768x64xf32, #tpu.memory_space<hbm>> -> memref<128x64xf32, #tpu.memory_space<hbm>>
    %dma_wait3A_222 = arith.constant 0 : i32
    %dma_wait3A_223 = tpu.memref_slice %arg3[%add3A_177, %dma_wait3A_222] : memref<32768x64xf32, #tpu.memory_space<hbm>> -> memref<128x64xf32, #tpu.memory_space<hbm>>
    tpu.wait_dma2 semaphore(%arg11 : memref<!tpu.dma_semaphore, #tpu.memory_space<semaphore_mem>>) src(%dma_wait3A_223 : memref<128x64xf32, #tpu.memory_space<hbm>>) dst(%arg7 : memref<128x64xf32, #tpu.memory_space<vmem>>)
    %dma_wait3A_224 = arith.constant 768 : i32
    %dma_wait3A_225 = tpu.memref_slice %arg6[%dma_wait3A_224] : memref<1024xi32, #tpu.memory_space<vmem>> -> memref<128xi32, #tpu.memory_space<vmem>>
    %dma_wait3A_226 = arith.constant 0 : i32
    %dma_wait3A_227 = arith.constant 0 : i32
    %dma_wait3A_228 = tpu.memref_slice %arg4[%dma_wait3A_226, %dma_wait3A_227] : memref<1024x128xf32, #tpu.memory_space<hbm>> -> memref<1024x128xf32, #tpu.memory_space<hbm>>
    tpu.wait_indirect_dma semaphore(%arg13 : memref<!tpu.dma_semaphore, #tpu.memory_space<semaphore_mem>>) src(%dma_wait3A_228 : memref<1024x128xf32, #tpu.memory_space<hbm>>) dst(%arg9 : memref<128x128xf32, #tpu.memory_space<vmem>>)
    %parallel_loop3A_229 = arith.constant 0 : i32
    %parallel_loop3A_230 = arith.constant 128 : i32
    %parallel_loop3A_231 = arith.constant 1 : i32
    scf.for %parallel_loop3A_264 = %parallel_loop3A_229 to %parallel_loop3A_230 step %parallel_loop3A_231  : i32 {
      %parallel_loop3A_265 = arith.index_cast %parallel_loop3A_264 : i32 to index
      %parallel_loop3A_266 = arith.constant 0 : index
      %parallel_loop3A_267 = tpu.vector_load %arg7[%parallel_loop3A_265, %parallel_loop3A_266] {strides = array<i32>} : memref<128x64xf32, #tpu.memory_space<vmem>>, vector<1x16xf32>,
      %parallel_loop3A_268 = vector.shape_cast %parallel_loop3A_267 : vector<1x16xf32> to vector<16xf32>
      %parallel_loop3A_269 = arith.index_cast %parallel_loop3A_264 : i32 to index
      %parallel_loop3A_270 = arith.constant 0 : index
      %parallel_loop3A_271 = tpu.vector_load %arg9[%parallel_loop3A_269, %parallel_loop3A_270] {strides = array<i32>} : memref<128x128xf32, #tpu.memory_space<vmem>>, vector<1x16xf32>,
      %parallel_loop3A_272 = vector.shape_cast %parallel_loop3A_271 : vector<1x16xf32> to vector<16xf32>
      %parallel_loop3A_273 = arith.subf %parallel_loop3A_268, %parallel_loop3A_272 : vector<16xf32>
      %parallel_loop3A_274 = arith.index_cast %parallel_loop3A_264 : i32 to index
      %parallel_loop3A_275 = arith.constant 0 : index
      %parallel_loop3A_276 = tpu.vector_load %arg7[%parallel_loop3A_274, %parallel_loop3A_275] {strides = array<i32>} : memref<128x64xf32, #tpu.memory_space<vmem>>, vector<1x16xf32>,
      %parallel_loop3A_277 = vector.shape_cast %parallel_loop3A_276 : vector<1x16xf32> to vector<16xf32>
      %parallel_loop3A_278 = vector.shape_cast %parallel_loop3A_273 : vector<16xf32> to vector<1x16xf32>
      tpu.vector_store %arg7[%parallel_loop3A_274, %parallel_loop3A_275], %parallel_loop3A_278 {strides = array<i32>} : memref<128x64xf32, #tpu.memory_space<vmem>>, vector<1x16xf32>,
      %parallel_loop3A_279 = arith.index_cast %parallel_loop3A_264 : i32 to index
      %parallel_loop3A_280 = arith.constant 16 : index
      %parallel_loop3A_281 = tpu.vector_load %arg7[%parallel_loop3A_279, %parallel_loop3A_280] {strides = array<i32>} : memref<128x64xf32, #tpu.memory_space<vmem>>, vector<1x16xf32>,
      %parallel_loop3A_282 = vector.shape_cast %parallel_loop3A_281 : vector<1x16xf32> to vector<16xf32>
      %parallel_loop3A_283 = arith.index_cast %parallel_loop3A_264 : i32 to index
      %parallel_loop3A_284 = arith.constant 16 : index
      %parallel_loop3A_285 = tpu.vector_load %arg9[%parallel_loop3A_283, %parallel_loop3A_284] {strides = array<i32>} : memref<128x128xf32, #tpu.memory_space<vmem>>, vector<1x16xf32>,
      %parallel_loop3A_286 = vector.shape_cast %parallel_loop3A_285 : vector<1x16xf32> to vector<16xf32>
      %parallel_loop3A_287 = arith.subf %parallel_loop3A_282, %parallel_loop3A_286 : vector<16xf32>
      %parallel_loop3A_288 = arith.index_cast %parallel_loop3A_264 : i32 to index
      %parallel_loop3A_289 = arith.constant 16 : index
      %parallel_loop3A_290 = tpu.vector_load %arg7[%parallel_loop3A_288, %parallel_loop3A_289] {strides = array<i32>} : memref<128x64xf32, #tpu.memory_space<vmem>>, vector<1x16xf32>,
      %parallel_loop3A_291 = vector.shape_cast %parallel_loop3A_290 : vector<1x16xf32> to vector<16xf32>
      %parallel_loop3A_292 = vector.shape_cast %parallel_loop3A_287 : vector<16xf32> to vector<1x16xf32>
      tpu.vector_store %arg7[%parallel_loop3A_288, %parallel_loop3A_289], %parallel_loop3A_292 {strides = array<i32>} : memref<128x64xf32, #tpu.memory_space<vmem>>, vector<1x16xf32>,
      %parallel_loop3A_293 = arith.index_cast %parallel_loop3A_264 : i32 to index
      %parallel_loop3A_294 = arith.constant 32 : index
      %parallel_loop3A_295 = tpu.vector_load %arg7[%parallel_loop3A_293, %parallel_loop3A_294] {strides = array<i32>} : memref<128x64xf32, #tpu.memory_space<vmem>>, vector<1x16xf32>,
      %parallel_loop3A_296 = vector.shape_cast %parallel_loop3A_295 : vector<1x16xf32> to vector<16xf32>
      %parallel_loop3A_297 = arith.index_cast %parallel_loop3A_264 : i32 to index
      %parallel_loop3A_298 = arith.constant 32 : index
      %parallel_loop3A_299 = tpu.vector_load %arg9[%parallel_loop3A_297, %parallel_loop3A_298] {strides = array<i32>} : memref<128x128xf32, #tpu.memory_space<vmem>>, vector<1x16xf32>,
      %parallel_loop3A_300 = vector.shape_cast %parallel_loop3A_299 : vector<1x16xf32> to vector<16xf32>
      %parallel_loop3A_301 = arith.subf %parallel_loop3A_296, %parallel_loop3A_300 : vector<16xf32>
      %parallel_loop3A_302 = arith.index_cast %parallel_loop3A_264 : i32 to index
      %parallel_loop3A_303 = arith.constant 32 : index
      %parallel_loop3A_304 = tpu.vector_load %arg7[%parallel_loop3A_302, %parallel_loop3A_303] {strides = array<i32>} : memref<128x64xf32, #tpu.memory_space<vmem>>, vector<1x16xf32>,
      %parallel_loop3A_305 = vector.shape_cast %parallel_loop3A_304 : vector<1x16xf32> to vector<16xf32>
      %parallel_loop3A_306 = vector.shape_cast %parallel_loop3A_301 : vector<16xf32> to vector<1x16xf32>
      tpu.vector_store %arg7[%parallel_loop3A_302, %parallel_loop3A_303], %parallel_loop3A_306 {strides = array<i32>} : memref<128x64xf32, #tpu.memory_space<vmem>>, vector<1x16xf32>,
      %parallel_loop3A_307 = arith.index_cast %parallel_loop3A_264 : i32 to index
      %parallel_loop3A_308 = arith.constant 48 : index
      %parallel_loop3A_309 = tpu.vector_load %arg7[%parallel_loop3A_307, %parallel_loop3A_308] {strides = array<i32>} : memref<128x64xf32, #tpu.memory_space<vmem>>, vector<1x16xf32>,
      %parallel_loop3A_310 = vector.shape_cast %parallel_loop3A_309 : vector<1x16xf32> to vector<16xf32>
      %parallel_loop3A_311 = arith.index_cast %parallel_loop3A_264 : i32 to index
      %parallel_loop3A_312 = arith.constant 48 : index
      %parallel_loop3A_313 = tpu.vector_load %arg9[%parallel_loop3A_311, %parallel_loop3A_312] {strides = array<i32>} : memref<128x128xf32, #tpu.memory_space<vmem>>, vector<1x16xf32>,
      %parallel_loop3A_314 = vector.shape_cast %parallel_loop3A_313 : vector<1x16xf32> to vector<16xf32>
      %parallel_loop3A_315 = arith.subf %parallel_loop3A_310, %parallel_loop3A_314 : vector<16xf32>
      %parallel_loop3A_316 = arith.index_cast %parallel_loop3A_264 : i32 to index
      %parallel_loop3A_317 = arith.constant 48 : index
      %parallel_loop3A_318 = tpu.vector_load %arg7[%parallel_loop3A_316, %parallel_loop3A_317] {strides = array<i32>} : memref<128x64xf32, #tpu.memory_space<vmem>>, vector<1x16xf32>,
      %parallel_loop3A_319 = vector.shape_cast %parallel_loop3A_318 : vector<1x16xf32> to vector<16xf32>
      %parallel_loop3A_320 = vector.shape_cast %parallel_loop3A_315 : vector<16xf32> to vector<1x16xf32>
      tpu.vector_store %arg7[%parallel_loop3A_316, %parallel_loop3A_317], %parallel_loop3A_320 {strides = array<i32>} : memref<128x64xf32, #tpu.memory_space<vmem>>, vector<1x16xf32>,
    } {sc.loop_unroll_factor = 8 : i64, sc.parallel_access}
    %add3A_232 = arith.constant 768 : i32
    %add3A_233 = arith.addi %mul3A_2, %add3A_232 : i32
    %dma_start3A_234 = arith.constant 0 : i32
    %dma_start3A_235 = tpu.memref_slice %arg5[%add3A_233, %dma_start3A_234] : memref<32768x64xf32, #tpu.memory_space<hbm>> -> memref<128x64xf32, #tpu.memory_space<hbm>>
    %dma_start3A_236 = arith.constant 0 : i32
    %dma_start3A_237 = tpu.memref_slice %arg5[%add3A_233, %dma_start3A_236] : memref<32768x64xf32, #tpu.memory_space<hbm>> -> memref<128x64xf32, #tpu.memory_space<hbm>>
    tpu.enqueue_dma source(%arg7 : memref<128x64xf32, #tpu.memory_space<vmem>>) target(%dma_start3A_237 : memref<128x64xf32, #tpu.memory_space<hbm>>) target_semaphore(%arg15 : memref<!tpu.dma_semaphore, #tpu.memory_space<semaphore_mem>>)
    %dma_wait3A_238 = arith.constant 0 : i32
    %dma_wait3A_239 = tpu.memref_slice %arg3[%add3A_210, %dma_wait3A_238] : memref<32768x64xf32, #tpu.memory_space<hbm>> -> memref<128x64xf32, #tpu.memory_space<hbm>>
    %dma_wait3A_240 = arith.constant 0 : i32
    %dma_wait3A_241 = tpu.memref_slice %arg3[%add3A_210, %dma_wait3A_240] : memref<32768x64xf32, #tpu.memory_space<hbm>> -> memref<128x64xf32, #tpu.memory_space<hbm>>
    tpu.wait_dma2 semaphore(%arg12 : memref<!tpu.dma_semaphore, #tpu.memory_space<semaphore_mem>>) src(%dma_wait3A_241 : memref<128x64xf32, #tpu.memory_space<hbm>>) dst(%arg8 : memref<128x64xf32, #tpu.memory_space<vmem>>)
    %dma_wait3A_242 = arith.constant 896 : i32
    %dma_wait3A_243 = tpu.memref_slice %arg6[%dma_wait3A_242] : memref<1024xi32, #tpu.memory_space<vmem>> -> memref<128xi32, #tpu.memory_space<vmem>>
    %dma_wait3A_244 = arith.constant 0 : i32
    %dma_wait3A_245 = arith.constant 0 : i32
    %dma_wait3A_246 = tpu.memref_slice %arg4[%dma_wait3A_244, %dma_wait3A_245] : memref<1024x128xf32, #tpu.memory_space<hbm>> -> memref<1024x128xf32, #tpu.memory_space<hbm>>
    tpu.wait_indirect_dma semaphore(%arg14 : memref<!tpu.dma_semaphore, #tpu.memory_space<semaphore_mem>>) src(%dma_wait3A_246 : memref<1024x128xf32, #tpu.memory_space<hbm>>) dst(%arg10 : memref<128x128xf32, #tpu.memory_space<vmem>>)
    %parallel_loop3A_247 = arith.constant 0 : i32
    %parallel_loop3A_248 = arith.constant 128 : i32
    %parallel_loop3A_249 = arith.constant 1 : i32
    scf.for %parallel_loop3A_264 = %parallel_loop3A_247 to %parallel_loop3A_248 step %parallel_loop3A_249  : i32 {
      %parallel_loop3A_265 = arith.index_cast %parallel_loop3A_264 : i32 to index
      %parallel_loop3A_266 = arith.constant 0 : index
      %parallel_loop3A_267 = tpu.vector_load %arg8[%parallel_loop3A_265, %parallel_loop3A_266] {strides = array<i32>} : memref<128x64xf32, #tpu.memory_space<vmem>>, vector<1x16xf32>,
      %parallel_loop3A_268 = vector.shape_cast %parallel_loop3A_267 : vector<1x16xf32> to vector<16xf32>
      %parallel_loop3A_269 = arith.index_cast %parallel_loop3A_264 : i32 to index
      %parallel_loop3A_270 = arith.constant 0 : index
      %parallel_loop3A_271 = tpu.vector_load %arg10[%parallel_loop3A_269, %parallel_loop3A_270] {strides = array<i32>} : memref<128x128xf32, #tpu.memory_space<vmem>>, vector<1x16xf32>,
      %parallel_loop3A_272 = vector.shape_cast %parallel_loop3A_271 : vector<1x16xf32> to vector<16xf32>
      %parallel_loop3A_273 = arith.subf %parallel_loop3A_268, %parallel_loop3A_272 : vector<16xf32>
      %parallel_loop3A_274 = arith.index_cast %parallel_loop3A_264 : i32 to index
      %parallel_loop3A_275 = arith.constant 0 : index
      %parallel_loop3A_276 = tpu.vector_load %arg8[%parallel_loop3A_274, %parallel_loop3A_275] {strides = array<i32>} : memref<128x64xf32, #tpu.memory_space<vmem>>, vector<1x16xf32>,
      %parallel_loop3A_277 = vector.shape_cast %parallel_loop3A_276 : vector<1x16xf32> to vector<16xf32>
      %parallel_loop3A_278 = vector.shape_cast %parallel_loop3A_273 : vector<16xf32> to vector<1x16xf32>
      tpu.vector_store %arg8[%parallel_loop3A_274, %parallel_loop3A_275], %parallel_loop3A_278 {strides = array<i32>} : memref<128x64xf32, #tpu.memory_space<vmem>>, vector<1x16xf32>,
      %parallel_loop3A_279 = arith.index_cast %parallel_loop3A_264 : i32 to index
      %parallel_loop3A_280 = arith.constant 16 : index
      %parallel_loop3A_281 = tpu.vector_load %arg8[%parallel_loop3A_279, %parallel_loop3A_280] {strides = array<i32>} : memref<128x64xf32, #tpu.memory_space<vmem>>, vector<1x16xf32>,
      %parallel_loop3A_282 = vector.shape_cast %parallel_loop3A_281 : vector<1x16xf32> to vector<16xf32>
      %parallel_loop3A_283 = arith.index_cast %parallel_loop3A_264 : i32 to index
      %parallel_loop3A_284 = arith.constant 16 : index
      %parallel_loop3A_285 = tpu.vector_load %arg10[%parallel_loop3A_283, %parallel_loop3A_284] {strides = array<i32>} : memref<128x128xf32, #tpu.memory_space<vmem>>, vector<1x16xf32>,
      %parallel_loop3A_286 = vector.shape_cast %parallel_loop3A_285 : vector<1x16xf32> to vector<16xf32>
      %parallel_loop3A_287 = arith.subf %parallel_loop3A_282, %parallel_loop3A_286 : vector<16xf32>
      %parallel_loop3A_288 = arith.index_cast %parallel_loop3A_264 : i32 to index
      %parallel_loop3A_289 = arith.constant 16 : index
      %parallel_loop3A_290 = tpu.vector_load %arg8[%parallel_loop3A_288, %parallel_loop3A_289] {strides = array<i32>} : memref<128x64xf32, #tpu.memory_space<vmem>>, vector<1x16xf32>,
      %parallel_loop3A_291 = vector.shape_cast %parallel_loop3A_290 : vector<1x16xf32> to vector<16xf32>
      %parallel_loop3A_292 = vector.shape_cast %parallel_loop3A_287 : vector<16xf32> to vector<1x16xf32>
      tpu.vector_store %arg8[%parallel_loop3A_288, %parallel_loop3A_289], %parallel_loop3A_292 {strides = array<i32>} : memref<128x64xf32, #tpu.memory_space<vmem>>, vector<1x16xf32>,
      %parallel_loop3A_293 = arith.index_cast %parallel_loop3A_264 : i32 to index
      %parallel_loop3A_294 = arith.constant 32 : index
      %parallel_loop3A_295 = tpu.vector_load %arg8[%parallel_loop3A_293, %parallel_loop3A_294] {strides = array<i32>} : memref<128x64xf32, #tpu.memory_space<vmem>>, vector<1x16xf32>,
      %parallel_loop3A_296 = vector.shape_cast %parallel_loop3A_295 : vector<1x16xf32> to vector<16xf32>
      %parallel_loop3A_297 = arith.index_cast %parallel_loop3A_264 : i32 to index
      %parallel_loop3A_298 = arith.constant 32 : index
      %parallel_loop3A_299 = tpu.vector_load %arg10[%parallel_loop3A_297, %parallel_loop3A_298] {strides = array<i32>} : memref<128x128xf32, #tpu.memory_space<vmem>>, vector<1x16xf32>,
      %parallel_loop3A_300 = vector.shape_cast %parallel_loop3A_299 : vector<1x16xf32> to vector<16xf32>
      %parallel_loop3A_301 = arith.subf %parallel_loop3A_296, %parallel_loop3A_300 : vector<16xf32>
      %parallel_loop3A_302 = arith.index_cast %parallel_loop3A_264 : i32 to index
      %parallel_loop3A_303 = arith.constant 32 : index
      %parallel_loop3A_304 = tpu.vector_load %arg8[%parallel_loop3A_302, %parallel_loop3A_303] {strides = array<i32>} : memref<128x64xf32, #tpu.memory_space<vmem>>, vector<1x16xf32>,
      %parallel_loop3A_305 = vector.shape_cast %parallel_loop3A_304 : vector<1x16xf32> to vector<16xf32>
      %parallel_loop3A_306 = vector.shape_cast %parallel_loop3A_301 : vector<16xf32> to vector<1x16xf32>
      tpu.vector_store %arg8[%parallel_loop3A_302, %parallel_loop3A_303], %parallel_loop3A_306 {strides = array<i32>} : memref<128x64xf32, #tpu.memory_space<vmem>>, vector<1x16xf32>,
      %parallel_loop3A_307 = arith.index_cast %parallel_loop3A_264 : i32 to index
      %parallel_loop3A_308 = arith.constant 48 : index
      %parallel_loop3A_309 = tpu.vector_load %arg8[%parallel_loop3A_307, %parallel_loop3A_308] {strides = array<i32>} : memref<128x64xf32, #tpu.memory_space<vmem>>, vector<1x16xf32>,
      %parallel_loop3A_310 = vector.shape_cast %parallel_loop3A_309 : vector<1x16xf32> to vector<16xf32>
      %parallel_loop3A_311 = arith.index_cast %parallel_loop3A_264 : i32 to index
      %parallel_loop3A_312 = arith.constant 48 : index
      %parallel_loop3A_313 = tpu.vector_load %arg10[%parallel_loop3A_311, %parallel_loop3A_312] {strides = array<i32>} : memref<128x128xf32, #tpu.memory_space<vmem>>, vector<1x16xf32>,
      %parallel_loop3A_314 = vector.shape_cast %parallel_loop3A_313 : vector<1x16xf32> to vector<16xf32>
      %parallel_loop3A_315 = arith.subf %parallel_loop3A_310, %parallel_loop3A_314 : vector<16xf32>
      %parallel_loop3A_316 = arith.index_cast %parallel_loop3A_264 : i32 to index
      %parallel_loop3A_317 = arith.constant 48 : index
      %parallel_loop3A_318 = tpu.vector_load %arg8[%parallel_loop3A_316, %parallel_loop3A_317] {strides = array<i32>} : memref<128x64xf32, #tpu.memory_space<vmem>>, vector<1x16xf32>,
      %parallel_loop3A_319 = vector.shape_cast %parallel_loop3A_318 : vector<1x16xf32> to vector<16xf32>
      %parallel_loop3A_320 = vector.shape_cast %parallel_loop3A_315 : vector<16xf32> to vector<1x16xf32>
      tpu.vector_store %arg8[%parallel_loop3A_316, %parallel_loop3A_317], %parallel_loop3A_320 {strides = array<i32>} : memref<128x64xf32, #tpu.memory_space<vmem>>, vector<1x16xf32>,
    } {sc.loop_unroll_factor = 8 : i64, sc.parallel_access}
    %add3A_250 = arith.constant 896 : i32
    %add3A_251 = arith.addi %mul3A_2, %add3A_250 : i32
    %dma_start3A_252 = arith.constant 0 : i32
    %dma_start3A_253 = tpu.memref_slice %arg5[%add3A_251, %dma_start3A_252] : memref<32768x64xf32, #tpu.memory_space<hbm>> -> memref<128x64xf32, #tpu.memory_space<hbm>>
    %dma_start3A_254 = arith.constant 0 : i32
    %dma_start3A_255 = tpu.memref_slice %arg5[%add3A_251, %dma_start3A_254] : memref<32768x64xf32, #tpu.memory_space<hbm>> -> memref<128x64xf32, #tpu.memory_space<hbm>>
    tpu.enqueue_dma source(%arg8 : memref<128x64xf32, #tpu.memory_space<vmem>>) target(%dma_start3A_255 : memref<128x64xf32, #tpu.memory_space<hbm>>) target_semaphore(%arg16 : memref<!tpu.dma_semaphore, #tpu.memory_space<semaphore_mem>>)
    %dma_wait3A_256 = arith.constant 0 : i32
    %dma_wait3A_257 = tpu.memref_slice %arg5[%add3A_233, %dma_wait3A_256] : memref<32768x64xf32, #tpu.memory_space<hbm>> -> memref<128x64xf32, #tpu.memory_space<hbm>>
    %dma_wait3A_258 = arith.constant 0 : i32
    %dma_wait3A_259 = tpu.memref_slice %arg5[%add3A_233, %dma_wait3A_258] : memref<32768x64xf32, #tpu.memory_space<hbm>> -> memref<128x64xf32, #tpu.memory_space<hbm>>
    tpu.wait_dma2 semaphore(%arg15 : memref<!tpu.dma_semaphore, #tpu.memory_space<semaphore_mem>>) src(%arg7 : memref<128x64xf32, #tpu.memory_space<vmem>>) dst(%dma_wait3A_259 : memref<128x64xf32, #tpu.memory_space<hbm>>)
    %dma_wait3A_260 = arith.constant 0 : i32
    %dma_wait3A_261 = tpu.memref_slice %arg5[%add3A_251, %dma_wait3A_260] : memref<32768x64xf32, #tpu.memory_space<hbm>> -> memref<128x64xf32, #tpu.memory_space<hbm>>
    %dma_wait3A_262 = arith.constant 0 : i32
    %dma_wait3A_263 = tpu.memref_slice %arg5[%add3A_251, %dma_wait3A_262] : memref<32768x64xf32, #tpu.memory_space<hbm>> -> memref<128x64xf32, #tpu.memory_space<hbm>>
    tpu.wait_dma2 semaphore(%arg16 : memref<!tpu.dma_semaphore, #tpu.memory_space<semaphore_mem>>) src(%arg8 : memref<128x64xf32, #tpu.memory_space<vmem>>) dst(%dma_wait3A_263 : memref<128x64xf32, #tpu.memory_space<hbm>>)
    return
  }
}

module attributes {stable_mosaic.version = 14 : i64} {
  func.func @_bins_body(%arg0: i32, %arg1: memref<2048x64xf32, #tpu.memory_space<vmem>>, %arg2: memref<1024x64xf32, #tpu.memory_space<vmem>>, %arg3: memref<1x1024xf32, #tpu.memory_space<vmem>>, %arg4: memref<1x1024xf32, #tpu.memory_space<vmem>>, %arg5: memref<2048xi32, #tpu.memory_space<vmem>>) attributes {dimension_semantics = [#tpu.dimension_semantics<arbitrary>], iteration_bounds = array<i64: 16>, scalar_prefetch = 0 : i64, scratch_operands = 0 : i64, tpu.core_type = #tpu.core_type<tc>, window_params = [{transform_indices = @transform_0, window_bounds = array<i64: 2048, 64>}, {pipeline_mode = #tpu.pipeline_mode<synchronous>, transform_indices = @transform_1, window_bounds = array<i64: 1024, 64>}, {pipeline_mode = #tpu.pipeline_mode<synchronous>, transform_indices = @transform_2, window_bounds = array<i64: 1, 1024>}, {pipeline_mode = #tpu.pipeline_mode<synchronous>, transform_indices = @transform_3, window_bounds = array<i64: 1, 1024>}, {transform_indices = @transform_4, window_bounds = array<i64: 2048>}]} {
    %get3A = arith.constant 0 : index
    %get3A_0 = arith.constant 0 : index
    %get3A_1 = vector.load %arg1[%get3A, %get3A_0] : memref<2048x64xf32, #tpu.memory_space<vmem>>, vector<2048x64xf32>
    %mul3A = arith.mulf %get3A_1, %get3A_1 : vector<2048x64xf32>
    %slice3A = vector.extract_strided_slice %mul3A {offsets = [0, 0], sizes = [2048, 32], strides = [1, 1]} : vector<2048x64xf32> to vector<2048x32xf32>
    %slice3A_2 = vector.extract_strided_slice %mul3A {offsets = [0, 32], sizes = [2048, 32], strides = [1, 1]} : vector<2048x64xf32> to vector<2048x32xf32>
    %add3A = arith.addf %slice3A, %slice3A_2 : vector<2048x32xf32>
    %slice3A_3 = vector.extract_strided_slice %add3A {offsets = [0, 0], sizes = [2048, 16], strides = [1, 1]} : vector<2048x32xf32> to vector<2048x16xf32>
    %slice3A_4 = vector.extract_strided_slice %add3A {offsets = [0, 16], sizes = [2048, 16], strides = [1, 1]} : vector<2048x32xf32> to vector<2048x16xf32>
    %add3A_5 = arith.addf %slice3A_3, %slice3A_4 : vector<2048x16xf32>
    %slice3A_6 = vector.extract_strided_slice %add3A_5 {offsets = [0, 0], sizes = [2048, 8], strides = [1, 1]} : vector<2048x16xf32> to vector<2048x8xf32>
    %slice3A_7 = vector.extract_strided_slice %add3A_5 {offsets = [0, 8], sizes = [2048, 8], strides = [1, 1]} : vector<2048x16xf32> to vector<2048x8xf32>
    %add3A_8 = arith.addf %slice3A_6, %slice3A_7 : vector<2048x8xf32>
    %slice3A_9 = vector.extract_strided_slice %add3A_8 {offsets = [0, 0], sizes = [2048, 4], strides = [1, 1]} : vector<2048x8xf32> to vector<2048x4xf32>
    %slice3A_10 = vector.extract_strided_slice %add3A_8 {offsets = [0, 4], sizes = [2048, 4], strides = [1, 1]} : vector<2048x8xf32> to vector<2048x4xf32>
    %add3A_11 = arith.addf %slice3A_9, %slice3A_10 : vector<2048x4xf32>
    %slice3A_12 = vector.extract_strided_slice %add3A_11 {offsets = [0, 0], sizes = [2048, 2], strides = [1, 1]} : vector<2048x4xf32> to vector<2048x2xf32>
    %slice3A_13 = vector.extract_strided_slice %add3A_11 {offsets = [0, 2], sizes = [2048, 2], strides = [1, 1]} : vector<2048x4xf32> to vector<2048x2xf32>
    %add3A_14 = arith.addf %slice3A_12, %slice3A_13 : vector<2048x2xf32>
    %slice3A_15 = vector.extract_strided_slice %add3A_14 {offsets = [0, 0], sizes = [2048, 1], strides = [1, 1]} : vector<2048x2xf32> to vector<2048x1xf32>
    %slice3A_16 = vector.extract_strided_slice %add3A_14 {offsets = [0, 1], sizes = [2048, 1], strides = [1, 1]} : vector<2048x2xf32> to vector<2048x1xf32>
    %add3A_17 = arith.addf %slice3A_15, %slice3A_16 : vector<2048x1xf32>
    %broadcast_in_dim3A = arith.constant 0x7F800000 : f32
    %broadcast_in_dim3A_18 = vector.broadcast %broadcast_in_dim3A : f32 to vector<2048x1xf32>
    %broadcast_in_dim3A_19 = arith.constant 1.024000e+03 : f32
    %broadcast_in_dim3A_20 = vector.broadcast %broadcast_in_dim3A_19 : f32 to vector<2048x1xf32>
    %get3A_21 = arith.constant 0 : index
    %get3A_22 = arith.constant 0 : index
    %get3A_23 = vector.load %arg2[%get3A_21, %get3A_22] : memref<1024x64xf32, #tpu.memory_space<vmem>>, vector<256x64xf32>
    %get3A_24 = arith.constant 0 : index
    %get3A_25 = arith.constant 0 : index
    %get3A_26 = vector.load %arg3[%get3A_24, %get3A_25] : memref<1x1024xf32, #tpu.memory_space<vmem>>, vector<1x256xf32>
    %get3A_27 = arith.constant 0 : index
    %get3A_28 = arith.constant 0 : index
    %get3A_29 = vector.load %arg4[%get3A_27, %get3A_28] : memref<1x1024xf32, #tpu.memory_space<vmem>>, vector<1x256xf32>
    %dot_general3A = arith.constant dense<0.000000e+00> : vector<2048x256xf32>
    %dot_general3A_30 = tpu.matmul %get3A_1, %get3A_23, %dot_general3A {dimension_numbers = #tpu.dot_dimension_numbers<[1], [1], [0], [0], [0, 0, 1, 0], [], []>, transpose_lhs_hint = false} : vector<2048x64xf32>, vector<256x64xf32>, vector<2048x256xf32> -> vector<2048x256xf32>
    %sub3A = vector.broadcast %add3A_17 : vector<2048x1xf32> to vector<2048x256xf32>
    %sub3A_31 = arith.subf %sub3A, %dot_general3A_30 : vector<2048x256xf32>
    %add3A_32 = vector.broadcast %get3A_26 : vector<1x256xf32> to vector<2048x256xf32>
    %add3A_33 = arith.addf %sub3A_31, %add3A_32 : vector<2048x256xf32>
    %reduce_min3A = arith.constant dense<0x7F800000> : vector<2048xf32>
    %reduce_min3A_34 = vector.multi_reduction <minimumf>, %add3A_33, %reduce_min3A [1] : vector<2048x256xf32> to vector<2048xf32>
    %broadcast_in_dim3A_35 = vector.shape_cast %reduce_min3A_34 : vector<2048xf32> to vector<2048x1xf32>
    %le3A = vector.broadcast %broadcast_in_dim3A_35 : vector<2048x1xf32> to vector<2048x256xf32>
    %le3A_36 = arith.cmpf ole, %add3A_33, %le3A : vector<2048x256xf32>
    %jit3A = arith.constant 1.024000e+03 : f32
    %broadcast_in_dim3A_37 = vector.shape_cast %get3A_29 : vector<1x256xf32> to vector<1x256xf32>
    %broadcast_in_dim3A_38 = vector.broadcast %broadcast_in_dim3A_37 : vector<1x256xf32> to vector<2048x256xf32>
    %broadcast_in_dim3A_39 = vector.broadcast %jit3A : f32 to vector<2048x256xf32>
    %select_n3A = arith.select %le3A_36, %broadcast_in_dim3A_38, %broadcast_in_dim3A_39 : vector<2048x256xi1>, vector<2048x256xf32>
    %reduce_min3A_40 = arith.constant dense<0x7F800000> : vector<2048xf32>
    %reduce_min3A_41 = vector.multi_reduction <minimumf>, %select_n3A, %reduce_min3A_40 [1] : vector<2048x256xf32> to vector<2048xf32>
    %broadcast_in_dim3A_42 = vector.shape_cast %reduce_min3A_41 : vector<2048xf32> to vector<2048x1xf32>
    %lt3A = arith.cmpf olt, %broadcast_in_dim3A_35, %broadcast_in_dim3A_18 : vector<2048x1xf32>
    %select_n3A_43 = arith.select %lt3A, %broadcast_in_dim3A_35, %broadcast_in_dim3A_18 : vector<2048x1xi1>, vector<2048x1xf32>
    %select_n3A_44 = arith.select %lt3A, %broadcast_in_dim3A_42, %broadcast_in_dim3A_20 : vector<2048x1xi1>, vector<2048x1xf32>
    %get3A_45 = arith.constant 256 : index
    %get3A_46 = arith.constant 0 : index
    %get3A_47 = vector.load %arg2[%get3A_45, %get3A_46] : memref<1024x64xf32, #tpu.memory_space<vmem>>, vector<256x64xf32>
    %get3A_48 = arith.constant 0 : index
    %get3A_49 = arith.constant 256 : index
    %get3A_50 = vector.load %arg3[%get3A_48, %get3A_49] : memref<1x1024xf32, #tpu.memory_space<vmem>>, vector<1x256xf32>
    %get3A_51 = arith.constant 0 : index
    %get3A_52 = arith.constant 256 : index
    %get3A_53 = vector.load %arg4[%get3A_51, %get3A_52] : memref<1x1024xf32, #tpu.memory_space<vmem>>, vector<1x256xf32>
    %dot_general3A_54 = arith.constant dense<0.000000e+00> : vector<2048x256xf32>
    %dot_general3A_55 = tpu.matmul %get3A_1, %get3A_47, %dot_general3A_54 {dimension_numbers = #tpu.dot_dimension_numbers<[1], [1], [0], [0], [0, 0, 1, 0], [], []>, transpose_lhs_hint = false} : vector<2048x64xf32>, vector<256x64xf32>, vector<2048x256xf32> -> vector<2048x256xf32>
    %sub3A_56 = vector.broadcast %add3A_17 : vector<2048x1xf32> to vector<2048x256xf32>
    %sub3A_57 = arith.subf %sub3A_56, %dot_general3A_55 : vector<2048x256xf32>
    %add3A_58 = vector.broadcast %get3A_50 : vector<1x256xf32> to vector<2048x256xf32>
    %add3A_59 = arith.addf %sub3A_57, %add3A_58 : vector<2048x256xf32>
    %reduce_min3A_60 = arith.constant dense<0x7F800000> : vector<2048xf32>
    %reduce_min3A_61 = vector.multi_reduction <minimumf>, %add3A_59, %reduce_min3A_60 [1] : vector<2048x256xf32> to vector<2048xf32>
    %broadcast_in_dim3A_62 = vector.shape_cast %reduce_min3A_61 : vector<2048xf32> to vector<2048x1xf32>
    %le3A_63 = vector.broadcast %broadcast_in_dim3A_62 : vector<2048x1xf32> to vector<2048x256xf32>
    %le3A_64 = arith.cmpf ole, %add3A_59, %le3A_63 : vector<2048x256xf32>
    %jit3A_65 = arith.constant 1.024000e+03 : f32
    %broadcast_in_dim3A_66 = vector.shape_cast %get3A_53 : vector<1x256xf32> to vector<1x256xf32>
    %broadcast_in_dim3A_67 = vector.broadcast %broadcast_in_dim3A_66 : vector<1x256xf32> to vector<2048x256xf32>
    %broadcast_in_dim3A_68 = vector.broadcast %jit3A_65 : f32 to vector<2048x256xf32>
    %select_n3A_69 = arith.select %le3A_64, %broadcast_in_dim3A_67, %broadcast_in_dim3A_68 : vector<2048x256xi1>, vector<2048x256xf32>
    %reduce_min3A_70 = arith.constant dense<0x7F800000> : vector<2048xf32>
    %reduce_min3A_71 = vector.multi_reduction <minimumf>, %select_n3A_69, %reduce_min3A_70 [1] : vector<2048x256xf32> to vector<2048xf32>
    %broadcast_in_dim3A_72 = vector.shape_cast %reduce_min3A_71 : vector<2048xf32> to vector<2048x1xf32>
    %lt3A_73 = arith.cmpf olt, %broadcast_in_dim3A_62, %select_n3A_43 : vector<2048x1xf32>
    %select_n3A_74 = arith.select %lt3A_73, %broadcast_in_dim3A_62, %select_n3A_43 : vector<2048x1xi1>, vector<2048x1xf32>
    %select_n3A_75 = arith.select %lt3A_73, %broadcast_in_dim3A_72, %select_n3A_44 : vector<2048x1xi1>, vector<2048x1xf32>
    %get3A_76 = arith.constant 512 : index
    %get3A_77 = arith.constant 0 : index
    %get3A_78 = vector.load %arg2[%get3A_76, %get3A_77] : memref<1024x64xf32, #tpu.memory_space<vmem>>, vector<256x64xf32>
    %get3A_79 = arith.constant 0 : index
    %get3A_80 = arith.constant 512 : index
    %get3A_81 = vector.load %arg3[%get3A_79, %get3A_80] : memref<1x1024xf32, #tpu.memory_space<vmem>>, vector<1x256xf32>
    %get3A_82 = arith.constant 0 : index
    %get3A_83 = arith.constant 512 : index
    %get3A_84 = vector.load %arg4[%get3A_82, %get3A_83] : memref<1x1024xf32, #tpu.memory_space<vmem>>, vector<1x256xf32>
    %dot_general3A_85 = arith.constant dense<0.000000e+00> : vector<2048x256xf32>
    %dot_general3A_86 = tpu.matmul %get3A_1, %get3A_78, %dot_general3A_85 {dimension_numbers = #tpu.dot_dimension_numbers<[1], [1], [0], [0], [0, 0, 1, 0], [], []>, transpose_lhs_hint = false} : vector<2048x64xf32>, vector<256x64xf32>, vector<2048x256xf32> -> vector<2048x256xf32>
    %sub3A_87 = vector.broadcast %add3A_17 : vector<2048x1xf32> to vector<2048x256xf32>
    %sub3A_88 = arith.subf %sub3A_87, %dot_general3A_86 : vector<2048x256xf32>
    %add3A_89 = vector.broadcast %get3A_81 : vector<1x256xf32> to vector<2048x256xf32>
    %add3A_90 = arith.addf %sub3A_88, %add3A_89 : vector<2048x256xf32>
    %reduce_min3A_91 = arith.constant dense<0x7F800000> : vector<2048xf32>
    %reduce_min3A_92 = vector.multi_reduction <minimumf>, %add3A_90, %reduce_min3A_91 [1] : vector<2048x256xf32> to vector<2048xf32>
    %broadcast_in_dim3A_93 = vector.shape_cast %reduce_min3A_92 : vector<2048xf32> to vector<2048x1xf32>
    %le3A_94 = vector.broadcast %broadcast_in_dim3A_93 : vector<2048x1xf32> to vector<2048x256xf32>
    %le3A_95 = arith.cmpf ole, %add3A_90, %le3A_94 : vector<2048x256xf32>
    %jit3A_96 = arith.constant 1.024000e+03 : f32
    %broadcast_in_dim3A_97 = vector.shape_cast %get3A_84 : vector<1x256xf32> to vector<1x256xf32>
    %broadcast_in_dim3A_98 = vector.broadcast %broadcast_in_dim3A_97 : vector<1x256xf32> to vector<2048x256xf32>
    %broadcast_in_dim3A_99 = vector.broadcast %jit3A_96 : f32 to vector<2048x256xf32>
    %select_n3A_100 = arith.select %le3A_95, %broadcast_in_dim3A_98, %broadcast_in_dim3A_99 : vector<2048x256xi1>, vector<2048x256xf32>
    %reduce_min3A_101 = arith.constant dense<0x7F800000> : vector<2048xf32>
    %reduce_min3A_102 = vector.multi_reduction <minimumf>, %select_n3A_100, %reduce_min3A_101 [1] : vector<2048x256xf32> to vector<2048xf32>
    %broadcast_in_dim3A_103 = vector.shape_cast %reduce_min3A_102 : vector<2048xf32> to vector<2048x1xf32>
    %lt3A_104 = arith.cmpf olt, %broadcast_in_dim3A_93, %select_n3A_74 : vector<2048x1xf32>
    %select_n3A_105 = arith.select %lt3A_104, %broadcast_in_dim3A_93, %select_n3A_74 : vector<2048x1xi1>, vector<2048x1xf32>
    %select_n3A_106 = arith.select %lt3A_104, %broadcast_in_dim3A_103, %select_n3A_75 : vector<2048x1xi1>, vector<2048x1xf32>
    %get3A_107 = arith.constant 768 : index
    %get3A_108 = arith.constant 0 : index
    %get3A_109 = vector.load %arg2[%get3A_107, %get3A_108] : memref<1024x64xf32, #tpu.memory_space<vmem>>, vector<256x64xf32>
    %get3A_110 = arith.constant 0 : index
    %get3A_111 = arith.constant 768 : index
    %get3A_112 = vector.load %arg3[%get3A_110, %get3A_111] : memref<1x1024xf32, #tpu.memory_space<vmem>>, vector<1x256xf32>
    %get3A_113 = arith.constant 0 : index
    %get3A_114 = arith.constant 768 : index
    %get3A_115 = vector.load %arg4[%get3A_113, %get3A_114] : memref<1x1024xf32, #tpu.memory_space<vmem>>, vector<1x256xf32>
    %dot_general3A_116 = arith.constant dense<0.000000e+00> : vector<2048x256xf32>
    %dot_general3A_117 = tpu.matmul %get3A_1, %get3A_109, %dot_general3A_116 {dimension_numbers = #tpu.dot_dimension_numbers<[1], [1], [0], [0], [0, 0, 1, 0], [], []>, transpose_lhs_hint = false} : vector<2048x64xf32>, vector<256x64xf32>, vector<2048x256xf32> -> vector<2048x256xf32>
    %sub3A_118 = vector.broadcast %add3A_17 : vector<2048x1xf32> to vector<2048x256xf32>
    %sub3A_119 = arith.subf %sub3A_118, %dot_general3A_117 : vector<2048x256xf32>
    %add3A_120 = vector.broadcast %get3A_112 : vector<1x256xf32> to vector<2048x256xf32>
    %add3A_121 = arith.addf %sub3A_119, %add3A_120 : vector<2048x256xf32>
    %reduce_min3A_122 = arith.constant dense<0x7F800000> : vector<2048xf32>
    %reduce_min3A_123 = vector.multi_reduction <minimumf>, %add3A_121, %reduce_min3A_122 [1] : vector<2048x256xf32> to vector<2048xf32>
    %broadcast_in_dim3A_124 = vector.shape_cast %reduce_min3A_123 : vector<2048xf32> to vector<2048x1xf32>
    %le3A_125 = vector.broadcast %broadcast_in_dim3A_124 : vector<2048x1xf32> to vector<2048x256xf32>
    %le3A_126 = arith.cmpf ole, %add3A_121, %le3A_125 : vector<2048x256xf32>
    %jit3A_127 = arith.constant 1.024000e+03 : f32
    %broadcast_in_dim3A_128 = vector.shape_cast %get3A_115 : vector<1x256xf32> to vector<1x256xf32>
    %broadcast_in_dim3A_129 = vector.broadcast %broadcast_in_dim3A_128 : vector<1x256xf32> to vector<2048x256xf32>
    %broadcast_in_dim3A_130 = vector.broadcast %jit3A_127 : f32 to vector<2048x256xf32>
    %select_n3A_131 = arith.select %le3A_126, %broadcast_in_dim3A_129, %broadcast_in_dim3A_130 : vector<2048x256xi1>, vector<2048x256xf32>
    %reduce_min3A_132 = arith.constant dense<0x7F800000> : vector<2048xf32>
    %reduce_min3A_133 = vector.multi_reduction <minimumf>, %select_n3A_131, %reduce_min3A_132 [1] : vector<2048x256xf32> to vector<2048xf32>
    %broadcast_in_dim3A_134 = vector.shape_cast %reduce_min3A_133 : vector<2048xf32> to vector<2048x1xf32>
    %lt3A_135 = arith.cmpf olt, %broadcast_in_dim3A_124, %select_n3A_105 : vector<2048x1xf32>
    %select_n3A_136 = arith.select %lt3A_135, %broadcast_in_dim3A_134, %select_n3A_106 : vector<2048x1xi1>, vector<2048x1xf32>
    %squeeze3A = vector.shape_cast %select_n3A_136 : vector<2048x1xf32> to vector<2048xf32>
    %convert_element_type3A = arith.fptosi %squeeze3A : vector<2048xf32> to vector<2048xi32>
    %swap3A = arith.constant 0 : index
    %swap3A_137 = vector.load %arg5[%swap3A] : memref<2048xi32, #tpu.memory_space<vmem>>, vector<2048xi32>
    tpu.vector_store %arg5[%swap3A], %convert_element_type3A {strides = array<i32>} : memref<2048xi32, #tpu.memory_space<vmem>>, vector<2048xi32>,
    return
  }
  func.func @transform_0(%arg0: i32) -> (i32, i32) {
    %c0_i32 = arith.constant 0 : i32
    %c0_i32_0 = arith.constant 0 : i32
    return %arg0, %c0_i32 : i32, i32
  }
  func.func @transform_1(%arg0: i32) -> (i32, i32) {
    %c0_i32 = arith.constant 0 : i32
    %c0_i32_0 = arith.constant 0 : i32
    %c0_i32_1 = arith.constant 0 : i32
    return %c0_i32, %c0_i32_0 : i32, i32
  }
  func.func @transform_2(%arg0: i32) -> (i32, i32) {
    %c0_i32 = arith.constant 0 : i32
    %c0_i32_0 = arith.constant 0 : i32
    %c0_i32_1 = arith.constant 0 : i32
    return %c0_i32, %c0_i32_0 : i32, i32
  }
  func.func @transform_3(%arg0: i32) -> (i32, i32) {
    %c0_i32 = arith.constant 0 : i32
    %c0_i32_0 = arith.constant 0 : i32
    %c0_i32_1 = arith.constant 0 : i32
    return %c0_i32, %c0_i32_0 : i32, i32
  }
  func.func @transform_4(%arg0: i32) -> i32 {
    %c0_i32 = arith.constant 0 : i32
    return %arg0 : i32
  }
}

</mosaic_0001>

<sc_bundles>
// kernel: kernel.4.cloned.1.call-start
scs
__scs_entry_jumppad:
0x0: {  	(pc) =	sbr.rel $0x88, $3  }
0x1: {  	(tag) =	ssettag $0x0;
	lr =	simm.s32 $0x1  }
0x2: {  	[smem:$0x3F9F] =	sst lr;
	_ =	strace $0xD0000000  }
0x3: {  	_ = 	snop  }
0x4: {  	_ = 	snop  }
0x5: {  	_ = 	snop  }
0x6: {  	_ = 	snop  }
0x7: {  	_ = 	snop  }
__scs_overlays_trampoline_lowered:
0x8: {  	[smem:$0x3FAE] =	sst s0  }
0x9: {  	[smem:$0x3FAF] =	sst s1  }
0xa: {  	[smem:$0x3FB0] =	sst s2  }
0xb: {  	[smem:$0x3FB1] =	sst s3  }
0xc: {  	[smem:$0x3FB2] =	sst s4  }
0xd: {  	[smem:$0x3FB3] =	sst s5  }
0xe: {  	[smem:$0x3FB4] =	sst s6  }
0xf: {  	[smem:$0x3FB5] =	sst s7  }
0x10: {  	[smem:$0x3FB6] =	sst s8  }
0x11: {  	[smem:$0x3FB7] =	sst s9;
	s0 =	simm.s32 @!p0 $0x0  }
0x12: {  	s1 =	sld [smem:$0x3F9D];
	s0 =	simm.s32 @p0 $0x1  }
0x13: {  	[smem:$0x3FB8] =	sst s0;
	s0 =	simm.s32 @!p1 $0x0  }
0x14: {  	s2 =	sld [smem:$0x3F9C];
	s0 =	simm.s32 @p1 $0x1  }
0x15: {  	[smem:$0x3FB9] =	sst s0;
	s0 =	simm.s32 @!p2 $0x0  }
0x16: {  	s3 =	sld [smem:$0x3FDB];
	s0 =	simm.s32 @p2 $0x1  }
0x17: {  	s4 =	simm.s32 $0x1BF5;
	[smem:$0x3FBB] =	sst s0  }
0x18: {  	s0 =	sld [smem:$0x3F9E];
	_ =	swait.ge [sflag:s4], $0x0  }
0x19: {  	s7 =	sld [smem:$0x3F9F]  }
0x1a: {  	s8 =	sadd.s32 $0xFFFFE003, lr  }
0x1b: {  	s9 =	sadd.s32 $0xFFFFFEF7, lr;
	s5 =	simm.s32 $0xFFFFFFFF;
	p2 =	slt.u32 s8, $0xFFFFF086  }
0x1c: {  	p1 =	slt.u32 s9, $0xF7A;
	s5 =	simm.s32 @!p2 $0x0  }
0x1d: {  	s5 =	simm.s32 @p1 $0x1;
	p0 =	seq.s32 s7, s2  }
0x1e: {  	s7 =	smul.u32 @!p0 $0xF7A, s2;
	p2 =	seq.s32 @!p0 s5, $0x0  }
0x1f: {  	s9 =	smul.u32 $0xF7A, s1;
	s8 =	simm.s32 @!p0 $0x1BF5;
	p2 =	por !p2, p0  }
0x20: {  	[sflag:s8] =	ssyncset.s32 @!p0 $0xFFFFF086;
	s6 =	sadd.s32 @!p0 s3, s7;
	s7 =	simm.s32 @!p0 $0x108  }
0x21: {  	s3 =	sadd.s32 s3, s9;
	s6 =	sadd.s32 @!p0 $0x88, s6;
	s7 =	simm.s32 @p2 $0x1082  }
0x22: {  	[simem:s7], [sflag:s8] =	dma.local @!p0 [hbm:s6], $0xF7A  }
0x23: {  	s9 =	sor.u32 $0xD0000000, s2;
	s6 =	simm.s32 $0x108;
	_ =	swait.ge @!p0 [sflag:s8], $0x0  }
0x24: {  	s3 =	sadd.s32 $0x88, s3;
	s6 =	simm.s32 @!p1 $0x1082;
	[sflag:s4] =	ssyncset.s32 $0xFFFFF086  }
0x25: {  	[simem:s6], [sflag:s4] =	dma.local [hbm:s3], $0xF7A  }
0x26: {  	[smem:$0x3F9F] =	sst s1;
	(tag) =	ssettag s2;
	_ =	strace s9  }
0x27: {  	s1 =	sld [smem:$0x3FAF]  }
0x28: {  	s2 =	sld [smem:$0x3FB0]  }
0x29: {  	s4 =	sld [smem:$0x3FB2]  }
0x2a: {  	p0 =	seq.s32 s5, $0x0;
	s5 =	sld [smem:$0x3FB3]  }
0x2b: {  	s6 =	sld [smem:$0x3FB4]  }
0x2c: {  	s7 =	sld [smem:$0x3FB5]  }
0x2d: {  	s3 =	simm.s32 $0x108;
	s8 =	sld [smem:$0x3FB6]  }
0x2e: {  	s3 =	simm.s32 @!p0 $0x1082;
	s9 =	sld [smem:$0x3FB7]  }
0x2f: {  	lr =	sadd.s32 s0, s3;
	s0 =	sld [smem:$0x3FAE]  }
0x30: {  	s3 =	sld [smem:$0x3FB1]  }
0x31: {  	[smem:$0x3FBA] =	sst s10  }
0x32: {  	s10 =	sld [smem:$0x3FB8];
	_ =	sdelay $0x3  }
0x33: {  	p0 =	seq.s32 s10, $0x1;
	s10 =	sld [smem:$0x3FBA];
	_ =	sdelay $0x3  }
0x34: {  	[smem:$0x3FBA] =	sst s10  }
0x35: {  	s10 =	sld [smem:$0x3FB9];
	_ =	sdelay $0x3  }
0x36: {  	p1 =	seq.s32 s10, $0x1;
	s10 =	sld [smem:$0x3FBA];
	_ =	sdelay $0x3  }
0x37: {  	[smem:$0x3FBA] =	sst s10  }
0x38: {  	s10 =	sld [smem:$0x3FBB]  }
0x39: {  	_ = 	snop;
	(pc) =	sbr.ind lr, $3  }
0x3a: {  	_ = 	snop  }
0x3b: {  	_ = 	snop  }
0x3c: {  	p2 =	seq.s32 s10, $0x1;
	s10 =	sld [smem:$0x3FBA]  }
0x3d: {  	_ =	shalt  }
0x3e: {  	_ =	shalt  }
0x3f: {  	_ =	shalt  }
0x40: {  	_ =	shalt  }
0x41: {  	_ =	shalt  }
0x42: {  	_ =	shalt  }
0x43: {  	_ =	shalt  }
0x44: {  	_ =	shalt  }
0x45: {  	_ =	shalt  }
0x46: {  	_ =	shalt  }
0x47: {  	_ =	shalt  }
0x48: {  	_ =	shalt  }
0x49: {  	_ =	shalt  }
0x4a: {  	_ =	shalt  }
0x4b: {  	_ =	shalt  }
0x4c: {  	_ =	shalt  }
0x4d: {  	_ =	shalt  }
0x4e: {  	_ =	shalt  }
0x4f: {  	_ =	shalt  }
0x50: {  	_ =	shalt  }
0x51: {  	_ =	shalt  }
0x52: {  	_ =	shalt  }
0x53: {  	_ =	shalt  }
0x54: {  	_ =	shalt  }
0x55: {  	_ =	shalt  }
0x56: {  	_ =	shalt  }
0x57: {  	_ =	shalt  }
0x58: {  	_ =	shalt  }
0x59: {  	_ =	shalt  }
0x5a: {  	_ =	shalt  }
0x5b: {  	_ =	shalt  }
0x5c: {  	_ =	shalt  }
0x5d: {  	_ =	shalt  }
0x5e: {  	_ =	shalt  }
0x5f: {  	_ =	shalt  }
0x60: {  	_ =	shalt  }
0x61: {  	_ =	shalt  }
0x62: {  	_ =	shalt  }
0x63: {  	_ =	shalt  }
0x64: {  	_ =	shalt  }
0x65: {  	_ =	shalt  }
0x66: {  	_ =	shalt  }
0x67: {  	_ =	shalt  }
0x68: {  	_ =	shalt  }
0x69: {  	_ =	shalt  }
0x6a: {  	_ =	shalt  }
0x6b: {  	_ =	shalt  }
0x6c: {  	_ =	shalt  }
0x6d: {  	_ =	shalt  }
0x6e: {  	_ =	shalt  }
0x6f: {  	_ =	shalt  }
0x70: {  	_ =	shalt  }
0x71: {  	_ =	shalt  }
0x72: {  	_ =	shalt  }
0x73: {  	_ =	shalt  }
0x74: {  	_ =	shalt  }
0x75: {  	_ =	shalt  }
0x76: {  	_ =	shalt  }
0x77: {  	_ =	shalt  }
0x78: {  	_ =	shalt  }
0x79: {  	_ =	shalt  }
0x7a: {  	_ =	shalt  }
0x7b: {  	_ =	shalt  }
0x7c: {  	_ =	shalt  }
0x7d: {  	_ =	shalt  }
0x7e: {  	_ =	shalt  }
0x7f: {  	_ =	shalt  }
0x80: {  	_ =	shalt  }
0x81: {  	_ =	shalt  }
0x82: {  	_ =	shalt  }
0x83: {  	_ =	shalt  }
0x84: {  	_ =	shalt  }
0x85: {  	_ =	shalt  }
0x86: {  	_ =	shalt  }
0x87: {  	_ =	shalt  }
.Lfunc_end0:
.L_simem_size_0:
called_computation_lowered:
.L_overlay_start_0:
0x88: {  	s2 =	sld [smem:$0x3FD9]  }
0x89: {  	s3 =	sld [smem:$0x3FFE];
	_ =	sdelay $0x1  }
0x8a: {  	s1 =	srdreg.scid  }
0x8b: {  	s0 =	sand.u32 $0x1, s1  }
0x8c: {  	s14 =	sshll.u32 s0, $0xA;
	s2 =	sadd.s32 s3, s2  }
0x8d: {  	s2 =	sadd.s32 s2, s14  }
0x8e: {  	[smem:$0x3FC6] =	sst s2  }
0x8f: {  	_ = 	snop  }
0x90: {  	s2 =	sld [smem:$0x3FD0];
	_ =	sdelay $0x2  }
0x91: {  	s15 =	simm.s32 $0xA;
	s4 =	simm.s32 $0x10  }
0x92: {  	[smem:s4], [sflag:s15] =	dma.local [hbm:s2], $0x1  }
0x93: {  	_ =	swait.eq [sflag:s15], $0x1  }
0x94: {  	[sflag:s15] =	ssyncset.done $0x0  }
0x95: {  	s16 =	sld [smem:$0x10];
	[sflag:s15] =	ssyncadd.s32 $0xFFFFFFFF  }
0x96: {  	s17 =	sld [smem:$0x11];
	(tm) =	ssettm $0x1  }
0x97: {  	s18 =	sld [smem:$0x3FFB];
	_ =	sdelay $0x3  }
0x98: {  	_ =	strace s18  }
0x99: {  	s4 =	sld [smem:$0x3FFC];
	_ =	sdelay $0x3  }
0x9a: {  	_ =	strace s4  }
0x9b: {  	s4 =	sld [smem:$0x3FFD];
	_ =	sdelay $0x3  }
0x9c: {  	_ =	strace s4  }
0x9d: {  	_ =	strace $0x8FFFFFFF  }
0x9e: {  	s19 =	sld [smem:$0x3FDB];
	_ =	sdelay $0x1  }
0x9f: {  	s5 =	simm.s32 $_scs_section_size  }
0xa0: {  	s6 =	simm.s32 $_size__tile_overlayer_lowered;
	s7 =	simm.s32 $_tile_overlayer_lowered  }
0xa1: {  	s22 =	simm.s32 $0x1BFF;
	s21 =	sshll.u32 s7, $0x1;
	s4 =	sadd.s32 s5, s19  }
0xa2: {  	s8 =	simm.s32 $0x0;
	s20 =	sshll.u32 s6, $0x1;
	s6 =	sadd.s32 s21, s4  }
0xa3: {  	[timem:s8], [sflag:s22] =	dma.local [hbm:s6], s20  }
0xa4: {  	_ =	swait.ge [sflag:s22], s20  }
0xa5: {  	s5 =	ssub.s32 $0x0, s20;
	[sflag:s22] =	ssyncset.done $0x0  }
0xa6: {  	[sflag:s22] =	ssyncadd.s32 s5;
	_ =	sdelay $0x1  }
0xa7: {  	s23 =	simm.s32 $0x1B8B  }
0xa8: {  	_ =	swait.ge [sflag:s23], $0x1  }
0xa9: {  	[sflag:s23] =	ssyncset.done $0x0  }
0xaa: {  	s25 =	simm.s32 $0x1B8E;
	s24 =	sld [smem:$0x3FFE];
	[sflag:s23] =	ssyncadd.s32 $0xFFFFFFFF  }
0xab: {  	s26 =	simm.s32 $execute0_lowered;
	[smem:$0x3FD2] =	sst s25  }
0xac: {  	s6 =	sshll.u32 s26, $0x1;
	_ =	strace $0x80000046;
	[dreg:$0x1] =	wrdreg $0xFFFFFFFF  }
0xad: {  	s28 =	simm.s32 $_size_execute0_lowered;
	s4 =	sadd.s32 s4, s6;
	[dreg:$0x0] =	wrdreg $0x0  }
0xae: {  	s6 =	sshll.u32 s28, $0x1;
	[dreg:$0x2] =	wrdreg s4  }
0xaf: {  	[dreg:$0x3] =	wrdreg s6  }
0xb0: {  	[dreg:$0x4] =	wrdreg $0xC0  }
0xb1: {  	_ =	task [dreg:s8], $0x5FFFF  }
0xb2: {  	[dreg:$0x1] =	wrdreg $0xFFFFFFFF  }
0xb3: {  	[dreg:$0x0] =	wrdreg $0x60  }
0xb4: {  	[dreg:$0x2] =	wrdreg s16  }
0xb5: {  	[dreg:$0x3] =	wrdreg s24  }
0xb6: {  	[dreg:$0x4] =	wrdreg s17  }
0xb7: {  	[dreg:$0x5] =	wrdreg $0x9  }
0xb8: {  	_ =	task.clear_ibuf [dreg:s8], $0x6FFFF;
	_ =	strace $0x90000046  }
0xb9: {  	s29 =	simm.s32 $0x9;
	_ =	strace $0x80000048  }
0xba: {  	_ =	swait.ge [sflag:s29], $0x1  }
0xbb: {  	[sflag:s29] =	ssyncadd.s32 $0xFFFFFFFF  }
0xbc: {  	_ =	strace $0x90000048  }
0xbd: {  	_ =	sfence  }
0xbe: {  	s30 =	sld [smem:$0x0];
	_ =	sdelay $0x2  }
0xbf: {  	s31 =	sshll.u32 s1, $0xD;
	s1 =	sshrl.u32 s1, $0x2  }
0xc0: {  	s3 =	sand.u32 $0x4000, s31;
	s1 =	sadd.s32 s1, s30  }
0xc1: {  	s0 =	sor.u32 s3, s0;
	s1 =	sshll.u32 s1, $0x11  }
0xc2: {  	s0 =	sor.u32 s1, s0  }
0xc3: {  	s0 =	sadd.s32 $0x8F2B, s0  }
0xc4: {  	[sflag:s0] =	ssyncadd.remote.s32 $0x1  }
0xc5: {  	_ =	sfence.sel $0xFFFF  }
0xc6: {  	[dreg:$0x0] =	wrdreg $0xFFFFFFFF;
	(pc) =	sbr.abs _section_cstart, $3  }
0xc7: {  	[dreg:$0x1] =	wrdreg $0xFFFFFFFF  }
0xc8: {  	_ =	task.clear_ibuf [dreg:s8], $0x2FFFF;
	_ =	strace $0x9FFFFFFF  }
0xc9: {  	(tm) =	ssettm $0x7FFFFFFF  }
tec
execute0_lowered:
.L_overlay_start_1:
0x0: {  	(tag) =	ssettag $0x1  }
0x1: {  	s0 =	rddreg [dreg:$0x0]  }
0x2: {  	s2 =	rddreg [dreg:$0x1]  }
0x3: {  	s1 =	rddreg [dreg:$0x2]  }
0x4: {  	s3 =	simm.s32 $0x0;
	s4 =	srdreg.scid;
	s6 =	stileid.u32  }
0x5: {  	s28 =	simm.s32 $0xC400;
	s29 =	simm.s32 $0x1;
	s30 =	simm.s32 $0x3  }
0x6: {  	s31 =	simm.s32 $0x5;
	[smem:$0x7FF] =	sst s3;
	s4 =	sand.u32 $0x1, s4  }
0x7: {  	s5 =	sadd.s32 $0x200, s2;
	s6 =	sshll.u32 s6, $0xB;
	s7 =	sshll.u32 s4, $0xA  }
0x8: {  	s2 =	sadd.s32 $0x80200, s2;
	s4 =	ssub.s32 $0x2, s4;
	s6 =	sor.u32 s7, s6  }
0x9: {  	_ =	strace $0x80000047;
	s15 =	sshrl.u32 s4, $0x1;
	s8 =	sshrl.u32 s6, $0x3  }
0xa: {  	s6 =	sshll.u32 s6, $0x4;
	s4 =	ssub.s32 s4, s15;
	s0 =	sadd.s32 s0, s8  }
0xb: {  	s16 =	sor.u32 $0x800, s6;
	s17 =	sadd.s32 s5, s6;
	s19 =	sor.u32 $0x1000, s6  }
0xc: {  	s20 =	sadd.s32 s2, s6;
	s22 =	sor.u32 $0x1800, s6;
	s23 =	sor.u32 $0x2000, s6  }
0xd: {  	s24 =	sor.u32 $0x2800, s6;
	s25 =	sor.u32 $0x3000, s6;
	[dreg:$0x4] =	wrdreg s0  }
0xe: {  	s26 =	sor.u32 $0x3800, s6;
	[dreg:$0x5] =	wrdreg s17;
	s18 =	sadd.s32 s5, s16  }
0xf: {  	[dreg:$0x7] =	wrdreg s20;
	s21 =	sadd.s32 s5, s19;
	s0 =	sadd.s32 s2, s16  }
0x10: {  	s10 =	sadd.s32 s5, s22;
	s11 =	sadd.s32 s2, s19;
	s12 =	sadd.s32 s5, s23  }
0x11: {  	s13 =	sadd.s32 s2, s22;
	s14 =	sadd.s32 s5, s24;
	s15 =	sadd.s32 s2, s23  }
0x12: {  	s16 =	sadd.s32 s5, s25;
	s17 =	sadd.s32 s2, s24;
	s19 =	sadd.s32 s2, s25  }
0x13: {  	s20 =	sadd.s32 s2, s26;
	s22 =	simm.s32 $0x7;
	[dreg:$0x6] =	wrdreg s18  }
0x14: {  	s23 =	simm.s32 $0x400;
	s24 =	simm.s32 $0x80;
	[dreg:$0x8] =	wrdreg s21  }
0x15: {  	s25 =	simm.s32 $0x8400;
	s2 =	simm.s32 $0x2;
	[dreg:$0x9] =	wrdreg s0  }
0x16: {  	s18 =	sadd.s32 s5, s26;
	s21 =	smax.u32 s4, $0x1;
	s26 =	simm.s32 $0x4400  }
0x17: {  	s0 =	simm.s32 $0x4;
	s4 =	simm.s32 $0x6;
	s5 =	simm.s32 $0x0  }
.LBB2_1:
0x18: {  	s6 =	rddreg [dreg:$0x4]  }
0x19: {  	[tilespmem:s3], [sflag:$0x7] =	stream.linear.gather [hbm4b:s6+s3], $0x400, $0x38;
	[tilespmem:$0x10400] =	vst v63  }
0x1a: {  	_ =	swait.ge [sflag:s22], $0x400  }
0x1b: {  	[sflag:s22] =	ssyncset.done $0x0  }
0x1c: {  	s8 =	rddreg [dreg:$0x5];
	[sflag:s22] =	ssyncadd.s32 $0xFFFFFC00  }
0x1d: {  	[tilespmem:s23], [sflag:$0x1] =	stream.linear.gather [hbm4b:s8+s3], $0x4000, $0x38;
	[tilespmem:$0x10400] =	vst v63  }
0x1e: {  	_ = 	snop  }
0x1f: {  	[tilespmem:s25], [sflag:$0x3] =	stream.indirect.gather [hbm4b:s1+s24], $0x80, s3, s24, $0xb8;
	[tilespmem:$0x10400] =	vst v63  }
0x20: {  	s9 =	rddreg [dreg:$0x6]  }
0x21: {  	[tilespmem:s26], [sflag:$0x2] =	stream.linear.gather [hbm4b:s9+s3], $0x4000, $0x38;
	[tilespmem:$0x10400] =	vst v63  }
0x22: {  	_ = 	snop  }
0x23: {  	[tilespmem:s28], [sflag:$0x4] =	stream.indirect.gather [hbm4b:s1+s24], $0x80, s24, s24, $0xb8;
	[tilespmem:$0x10400] =	vst v63  }
0x24: {  	_ =	swait.ge [sflag:s29], $0x4000  }
0x25: {  	[sflag:s29] =	ssyncset.done $0x0  }
0x26: {  	[sflag:s29] =	ssyncadd.s32 $0xFFFFC000  }
0x27: {  	_ =	swait.ge [sflag:s30], $0x4000  }
0x28: {  	[sflag:s30] =	ssyncset.done $0x0  }
0x29: {  	s6 =	simm.s32 $0x600;
	[sflag:s30] =	ssyncadd.s32 $0xFFFFC000  }
0x2a: {  	s7 =	simm.s32 $0x8600;
	v0 =	vld [tilespmem:s6+$0x180]  }
0x2b: {  	v1 =	vld [tilespmem:s7+$0x180]  }
0x2c: {  	v2 =	vld [tilespmem:s7+$0xFFFFFE00]  }
0x2d: {  	v3 =	vld [tilespmem:s6+$0xFFFFFE80]  }
0x2e: {  	v4 =	vld [tilespmem:s6+$0xFFFFFF00]  }
0x2f: {  	v6 =	vld [tilespmem:s7+$0xFFFFFF00]  }
0x30: {  	v7 =	vld [tilespmem:s6+$0xFFFFFF80]  }
0x31: {  	v8 =	vld [tilespmem:s7+$0xFFFFFF80]  }
0x32: {  	v9 =	vld [tilespmem:s6+$0x0]  }
0x33: {  	v10 =	vld [tilespmem:s7+$0x0]  }
0x34: {  	v11 =	vld [tilespmem:s7+$0x80]  }
0x35: {  	v60 =	vld [tilespmem:s6+$0xFFFFFF90]  }
0x36: {  	v13 =	vld [tilespmem:s6+$0x10]  }
0x37: {  	v61 =	vld [tilespmem:s6+$0xFFFFFFA0]  }
0x38: {  	v62 =	vld [tilespmem:s6+$0xA0];
	v0 =	vsub.f32 v0, v1  }
0x39: {  	v1 =	vld [tilespmem:s7+$0xFFFFFE80]  }
0x3a: {  	[tilespmem:s6+$0x180] =	vst v0;
	v0 =	vld [tilespmem:s6+$0x190]  }
0x3b: {  	v5 =	vld [tilespmem:s7+$0x190]  }
0x3c: {  	v63 =	vld [tilespmem:s6+$0xFFFFFE30];
	v4 =	vsub.f32 v4, v6  }
0x3d: {  	v6 =	vld [tilespmem:s7+$0x100]  }
0x3e: {  	[tilespmem:s6+$0xFFFFFF00] =	vst v4;
	v4 =	vsub.f32 v9, v10;
	v10 =	vld [tilespmem:s6+$0xFFFFFE90];
	v1 =	vsub.f32 v3, v1  }
0x3f: {  	v3 =	vld [tilespmem:s6+$0x100]  }
0x40: {  	[tilespmem:s6+$0xFFFFFE80] =	vst v1;
	v0 =	vsub.f32 v0, v5;
	v5 =	vld [tilespmem:s6+$0x80]  }
0x41: {  	v1 =	vsub.f32 v7, v8;
	v8 =	vld [tilespmem:s7+$0xFFFFFE90]  }
0x42: {  	[tilespmem:s6+$0x190] =	vst v0;
	v0 =	vld [tilespmem:s6+$0x1A0]  }
0x43: {  	[tilespmem:s6+$0x0] =	vst v4;
	v12 =	vld [tilespmem:s7+$0x1A0]  }
0x44: {  	v9 =	vld [tilespmem:s7+$0x10]  }
0x45: {  	v7 =	vld [tilespmem:s6+$0xFFFFFE00]  }
0x46: {  	[tilespmem:s6+$0xFFFFFF80] =	vst v1;
	v1 =	vld [tilespmem:s7+$0xFFFFFF10]  }
0x47: {  	v4 =	vld [tilespmem:s7+$0xFFFFFF90];
	v8 =	vsub.f32 v10, v8  }
0x48: {  	v5 =	vsub.f32 v5, v11;
	v11 =	vld [tilespmem:s6+$0xFFFFFF10];
	v0 =	vsub.f32 v0, v12  }
0x49: {  	v10 =	vld [tilespmem:s6+$0x110];
	[tilespmem:s6+$0xFFFFFE90] =	vst v8  }
0x4a: {  	v8 =	vld [tilespmem:s7+$0xFFFFFEA0];
	[tilespmem:s6+$0x1A0] =	vst v0;
	v0 =	vsub.f32 v7, v2  }
0x4b: {  	[tilespmem:s6+$0x80] =	vst v5;
	v7 =	vld [tilespmem:s6+$0x1B0];
	v2 =	vsub.f32 v3, v6  }
0x4c: {  	v5 =	vld [tilespmem:s7+$0x1B0];
	[tilespmem:s6+$0xFFFFFE00] =	vst v0  }
0x4d: {  	v1 =	vsub.f32 v11, v1;
	[tilespmem:s6+$0x100] =	vst v2;
	v2 =	vld [tilespmem:s6+$0xFFFFFE10]  }
0x4e: {  	v3 =	vld [tilespmem:s7+$0xFFFFFE10]  }
0x4f: {  	[tilespmem:s6+$0xFFFFFF10] =	vst v1;
	v1 =	vsub.f32 v13, v9;
	v6 =	vld [tilespmem:s7+$0x110]  }
0x50: {  	v4 =	vsub.f32 v60, v4;
	v0 =	vld [tilespmem:s7+$0x90]  }
0x51: {  	v9 =	vld [tilespmem:s7+$0xFFFFFF20];
	[tilespmem:s6+$0x10] =	vst v1  }
0x52: {  	[tilespmem:s6+$0xFFFFFF90] =	vst v4;
	v4 =	vld [tilespmem:s7+$0x20]  }
0x53: {  	v2 =	vsub.f32 v2, v3;
	v3 =	vld [tilespmem:s6+$0x90]  }
0x54: {  	v1 =	vsub.f32 v10, v6;
	v10 =	vld [tilespmem:s6+$0xFFFFFF20]  }
0x55: {  	[tilespmem:s6+$0xFFFFFE10] =	vst v2;
	v2 =	vld [tilespmem:s6+$0xFFFFFE20]  }
0x56: {  	v11 =	vld [tilespmem:s7+$0xFFFFFE20]  }
0x57: {  	v5 =	vsub.f32 v7, v5;
	[tilespmem:s6+$0x110] =	vst v1;
	v1 =	vld [tilespmem:s6+$0xFFFFFEA0]  }
0x58: {  	v7 =	vld [tilespmem:s6+$0x30]  }
0x59: {  	[tilespmem:s6+$0x1B0] =	vst v5;
	v5 =	vld [tilespmem:s6+$0xB0]  }
0x5a: {  	v6 =	vld [tilespmem:s7+$0x120]  }
0x5b: {  	v0 =	vsub.f32 v3, v0;
	v3 =	vld [tilespmem:s7+$0xFFFFFFA0];
	v2 =	vsub.f32 v2, v11  }
0x5c: {  	v1 =	vsub.f32 v1, v8;
	v8 =	vsub.f32 v10, v9;
	v9 =	vld [tilespmem:s6+$0xFFFFFF30]  }
0x5d: {  	[tilespmem:s6+$0xFFFFFE20] =	vst v2;
	v2 =	vld [tilespmem:s6+$0x120]  }
0x5e: {  	[tilespmem:s6+$0x90] =	vst v0;
	v11 =	vld [tilespmem:s6+$0x20]  }
0x5f: {  	v0 =	vld [tilespmem:s7+$0xA0];
	[tilespmem:s6+$0xFFFFFEA0] =	vst v1  }
0x60: {  	[tilespmem:s6+$0xFFFFFF20] =	vst v8;
	v8 =	vld [tilespmem:s6+$0xFFFFFFB0]  }
0x61: {  	v1 =	vsub.f32 v61, v3;
	v14 =	vld [tilespmem:s7+$0xFFFFFEB0]  }
0x62: {  	v10 =	vld [tilespmem:s7+$0xFFFFFE30];
	v6 =	vsub.f32 v2, v6  }
0x63: {  	[tilespmem:s6+$0xFFFFFFA0] =	vst v1;
	v3 =	vsub.f32 v11, v4;
	v4 =	vld [tilespmem:s7+$0xFFFFFF30]  }
0x64: {  	v0 =	vsub.f32 v62, v0;
	[tilespmem:s6+$0x120] =	vst v6;
	v6 =	vld [tilespmem:s6+$0xFFFFFEB0]  }
0x65: {  	v1 =	vld [tilespmem:s7+$0xFFFFFFB0];
	[tilespmem:s6+$0x20] =	vst v3  }
0x66: {  	[tilespmem:s6+$0xA0] =	vst v0;
	v2 =	vld [tilespmem:s7+$0x30]  }
0x67: {  	v3 =	vld [tilespmem:s7+$0xB0];
	v10 =	vsub.f32 v63, v10  }
0x68: {  	v0 =	vld [tilespmem:s7+$0x130]  }
0x69: {  	s8 =	simm.s32 $0x0;
	s9 =	simm.s32 $0xA00;
	[tilespmem:s6+$0xFFFFFE30] =	vst v10;
	v10 =	vsub.f32 v6, v14;
	v6 =	vld [tilespmem:s6+$0x130]  }
.LBB2_2:
0x6a: {  	v11 =	vld [tilespmem:s9+$0x180];
	v4 =	vsub.f32 v9, v4;
	s7 =	sadd.s32 $0x400, s7  }
0x6b: {  	s8 =	sadd.s32 $0x8, s8;
	v9 =	vld [tilespmem:s7+$0x180];
	[tilespmem:s6+$0xFFFFFEB0] =	vst v10;
	v1 =	vsub.f32 v8, v1  }
0x6c: {  	p0 =	slt.u32 s8, $0x78;
	v8 =	vld [tilespmem:s7+$0xFFFFFE00];
	[tilespmem:s6+$0xFFFFFF30] =	vst v4;
	v2 =	vsub.f32 v7, v2  }
0x6d: {  	v4 =	vld [tilespmem:s9+$0xFFFFFE80];
	[tilespmem:s6+$0xFFFFFFB0] =	vst v1;
	v1 =	vsub.f32 v5, v3  }
0x6e: {  	v3 =	vld [tilespmem:s7+$0xFFFFFE80];
	[tilespmem:s6+$0x30] =	vst v2;
	v0 =	vsub.f32 v6, v0  }
0x6f: {  	v2 =	vld [tilespmem:s9+$0xFFFFFF00];
	[tilespmem:s6+$0xB0] =	vst v1  }
0x70: {  	v1 =	vld [tilespmem:s7+$0xFFFFFF00];
	v5 =	vsub.f32 v11, v9;
	[tilespmem:s6+$0x130] =	vst v0;
	s6 =	smov.u32 s9  }
0x71: {  	v0 =	vld [tilespmem:s9+$0xFFFFFF80]  }
0x72: {  	[tilespmem:s9+$0x180] =	vst v5;
	v5 =	vld [tilespmem:s9+$0x190]  }
0x73: {  	v3 =	vsub.f32 v4, v3;
	v4 =	vld [tilespmem:s7+$0x190]  }
0x74: {  	v6 =	vld [tilespmem:s7+$0xFFFFFF80]  }
0x75: {  	[tilespmem:s9+$0xFFFFFE80] =	vst v3;
	v1 =	vsub.f32 v2, v1;
	v2 =	vld [tilespmem:s9+$0x0]  }
0x76: {  	v3 =	vld [tilespmem:s7+$0x0]  }
0x77: {  	[tilespmem:s9+$0xFFFFFF00] =	vst v1;
	v1 =	vld [tilespmem:s9+$0x80]  }
0x78: {  	v7 =	vld [tilespmem:s7+$0x80];
	v4 =	vsub.f32 v5, v4  }
0x79: {  	v0 =	vsub.f32 v0, v6;
	v5 =	vld [tilespmem:s9+$0x100]  }
0x7a: {  	[tilespmem:s9+$0x190] =	vst v4;
	v4 =	vld [tilespmem:s9+$0x1A0]  }
0x7b: {  	[tilespmem:s9+$0xFFFFFF80] =	vst v0;
	v0 =	vsub.f32 v2, v3;
	v2 =	vld [tilespmem:s7+$0x1A0]  }
0x7c: {  	v3 =	vld [tilespmem:s7+$0x100]  }
0x7d: {  	v6 =	vld [tilespmem:s9+$0xFFFFFE00];
	[tilespmem:s9+$0x0] =	vst v0;
	v0 =	vsub.f32 v1, v7  }
0x7e: {  	v1 =	vld [tilespmem:s7+$0xFFFFFE90]  }
0x7f: {  	v7 =	vld [tilespmem:s7+$0xFFFFFF10];
	[tilespmem:s9+$0x80] =	vst v0  }
0x80: {  	v0 =	vld [tilespmem:s7+$0xFFFFFF90];
	v2 =	vsub.f32 v4, v2  }
0x81: {  	v4 =	vld [tilespmem:s7+$0x10];
	v3 =	vsub.f32 v5, v3  }
0x82: {  	v5 =	vsub.f32 v6, v8;
	[tilespmem:s9+$0x1A0] =	vst v2;
	v2 =	vld [tilespmem:s9+$0x1B0]  }
0x83: {  	[tilespmem:s9+$0x100] =	vst v3;
	v3 =	vld [tilespmem:s7+$0x1B0]  }
0x84: {  	[tilespmem:s9+$0xFFFFFE00] =	vst v5;
	v5 =	vld [tilespmem:s7+$0x90]  }
0x85: {  	v6 =	vld [tilespmem:s7+$0xFFFFFE10]  }
0x86: {  	v8 =	vld [tilespmem:s7+$0x110]  }
0x87: {  	v9 =	vld [tilespmem:s9+$0xFFFFFE10]  }
0x88: {  	v10 =	vld [tilespmem:s9+$0xFFFFFE90];
	v2 =	vsub.f32 v2, v3  }
0x89: {  	v3 =	vld [tilespmem:s9+$0xFFFFFF10]  }
0x8a: {  	v11 =	vld [tilespmem:s9+$0xFFFFFF90];
	[tilespmem:s9+$0x1B0] =	vst v2  }
0x8b: {  	v2 =	vld [tilespmem:s9+$0x10]  }
0x8c: {  	v6 =	vsub.f32 v9, v6;
	v9 =	vld [tilespmem:s9+$0x90]  }
0x8d: {  	v1 =	vsub.f32 v10, v1;
	v10 =	vld [tilespmem:s9+$0x110]  }
0x8e: {  	[tilespmem:s9+$0xFFFFFE10] =	vst v6;
	v6 =	vld [tilespmem:s9+$0xFFFFFE20];
	v3 =	vsub.f32 v3, v7  }
0x8f: {  	v7 =	vld [tilespmem:s7+$0xFFFFFE20];
	[tilespmem:s9+$0xFFFFFE90] =	vst v1;
	v0 =	vsub.f32 v11, v0  }
0x90: {  	v1 =	vld [tilespmem:s7+$0xFFFFFEA0];
	[tilespmem:s9+$0xFFFFFF10] =	vst v3;
	v2 =	vsub.f32 v2, v4  }
0x91: {  	v3 =	vld [tilespmem:s7+$0xFFFFFF20];
	[tilespmem:s9+$0xFFFFFF90] =	vst v0;
	v0 =	vsub.f32 v9, v5  }
0x92: {  	v4 =	vld [tilespmem:s7+$0xFFFFFFA0];
	[tilespmem:s9+$0x10] =	vst v2;
	v2 =	vsub.f32 v10, v8  }
0x93: {  	v5 =	vld [tilespmem:s7+$0x20];
	[tilespmem:s9+$0x90] =	vst v0  }
0x94: {  	v0 =	vsub.f32 v6, v7;
	v6 =	vld [tilespmem:s7+$0xA0];
	[tilespmem:s9+$0x110] =	vst v2  }
0x95: {  	v2 =	vld [tilespmem:s7+$0x120]  }
0x96: {  	[tilespmem:s9+$0xFFFFFE20] =	vst v0;
	v0 =	vld [tilespmem:s9+$0xFFFFFEA0]  }
0x97: {  	v7 =	vld [tilespmem:s9+$0xFFFFFF20]  }
0x98: {  	v8 =	vld [tilespmem:s9+$0xFFFFFFA0]  }
0x99: {  	v9 =	vld [tilespmem:s9+$0x20]  }
0x9a: {  	v10 =	vld [tilespmem:s9+$0xA0]  }
0x9b: {  	v0 =	vsub.f32 v0, v1;
	v11 =	vld [tilespmem:s9+$0x120]  }
0x9c: {  	v12 =	vld [tilespmem:s7+$0xFFFFFE30];
	v1 =	vsub.f32 v7, v3  }
0x9d: {  	v3 =	vld [tilespmem:s9+$0xFFFFFE30];
	[tilespmem:s9+$0xFFFFFEA0] =	vst v0;
	v0 =	vsub.f32 v8, v4  }
0x9e: {  	v13 =	vld [tilespmem:s7+$0xFFFFFEB0];
	[tilespmem:s9+$0xFFFFFF20] =	vst v1;
	v5 =	vsub.f32 v9, v5  }
0x9f: {  	v4 =	vld [tilespmem:s7+$0xFFFFFF30];
	[tilespmem:s9+$0xFFFFFFA0] =	vst v0;
	v0 =	vsub.f32 v10, v6  }
0xa0: {  	v1 =	vld [tilespmem:s7+$0xFFFFFFB0];
	[tilespmem:s9+$0x20] =	vst v5;
	v5 =	vsub.f32 v11, v2  }
0xa1: {  	v2 =	vld [tilespmem:s7+$0x30];
	[tilespmem:s9+$0xA0] =	vst v0  }
0xa2: {  	v6 =	vsub.f32 v3, v12;
	v3 =	vld [tilespmem:s7+$0xB0];
	[tilespmem:s9+$0x120] =	vst v5  }
0xa3: {  	v0 =	vld [tilespmem:s7+$0x130]  }
0xa4: {  	[tilespmem:s9+$0xFFFFFE30] =	vst v6;
	v6 =	vld [tilespmem:s9+$0xFFFFFEB0]  }
.Ltmp0:
0xa5: {  	v9 =	vld [tilespmem:s9+$0xFFFFFF30];
	(pc) =	sbr.rel @p0 .LBB2_2-.Ltmp0, $4  }
0xa6: {  	v8 =	vld [tilespmem:s9+$0xFFFFFFB0]  }
0xa7: {  	v7 =	vld [tilespmem:s9+$0x30]  }
0xa8: {  	v5 =	vld [tilespmem:s9+$0xB0]  }
0xa9: {  	s9 =	sadd.s32 $0x400, s9;
	v10 =	vsub.f32 v6, v13;
	v6 =	vld [tilespmem:s6+$0x130]  }
0xaa: {  	v4 =	vsub.f32 v9, v4  }
0xab: {  	[tilespmem:s6+$0xFFFFFEB0] =	vst v10;
	v1 =	vsub.f32 v8, v1  }
0xac: {  	[tilespmem:s6+$0xFFFFFF30] =	vst v4;
	v2 =	vsub.f32 v7, v2  }
0xad: {  	[tilespmem:s6+$0xFFFFFFB0] =	vst v1;
	v1 =	vsub.f32 v5, v3  }
0xae: {  	[tilespmem:s6+$0x30] =	vst v2;
	v0 =	vsub.f32 v6, v0  }
0xaf: {  	[tilespmem:s6+$0xB0] =	vst v1  }
0xb0: {  	[tilespmem:s6+$0x130] =	vst v0  }
0xb1: {  	s6 =	rddreg [dreg:$0x7]  }
0xb2: {  	[hbm4b:s6+s3] =	stream.linear.scatter [tilespmem:s23], [sflag:$0x5], $0x4000, $0x38;
	[tilespmem:$0x10400] =	vst v63  }
0xb3: {  	_ =	swait.ge [sflag:s31], $0x4000  }
0xb4: {  	[sflag:s31] =	ssyncset.done $0x0  }
0xb5: {  	s8 =	rddreg [dreg:$0x8];
	[sflag:s31] =	ssyncadd.s32 $0xFFFFC000  }
0xb6: {  	[tilespmem:s23], [sflag:$0x1] =	stream.linear.gather [hbm4b:s8+s3], $0x4000, $0x38;
	[tilespmem:$0x10400] =	vst v63  }
0xb7: {  	s9 =	simm.s32 $0x100  }
0xb8: {  	[tilespmem:s25], [sflag:$0x3] =	stream.indirect.gather [hbm4b:s1+s24], $0x80, s9, s24, $0xb8;
	[tilespmem:$0x10400] =	vst v63  }
0xb9: {  	_ =	swait.ge [sflag:s2], $0x4000  }
0xba: {  	[sflag:s2] =	ssyncset.done $0x0  }
0xbb: {  	[sflag:s2] =	ssyncadd.s32 $0xFFFFC000  }
0xbc: {  	_ =	swait.ge [sflag:s0], $0x4000  }
0xbd: {  	[sflag:s0] =	ssyncset.done $0x0  }
0xbe: {  	s6 =	simm.s32 $0x4600;
	[sflag:s0] =	ssyncadd.s32 $0xFFFFC000  }
0xbf: {  	s7 =	simm.s32 $0xC600;
	v0 =	vld [tilespmem:s6+$0x180]  }
0xc0: {  	v1 =	vld [tilespmem:s7+$0x180]  }
0xc1: {  	v2 =	vld [tilespmem:s7+$0xFFFFFE00]  }
0xc2: {  	v3 =	vld [tilespmem:s6+$0xFFFFFE80]  }
0xc3: {  	v4 =	vld [tilespmem:s6+$0xFFFFFF00]  }
0xc4: {  	v6 =	vld [tilespmem:s7+$0xFFFFFF00]  }
0xc5: {  	v7 =	vld [tilespmem:s6+$0xFFFFFF80]  }
0xc6: {  	v8 =	vld [tilespmem:s7+$0xFFFFFF80]  }
0xc7: {  	v9 =	vld [tilespmem:s6+$0x0]  }
0xc8: {  	v10 =	vld [tilespmem:s7+$0x0]  }
0xc9: {  	v11 =	vld [tilespmem:s7+$0x80]  }
0xca: {  	v60 =	vld [tilespmem:s6+$0xFFFFFF90]  }
0xcb: {  	v13 =	vld [tilespmem:s6+$0x10]  }
0xcc: {  	v61 =	vld [tilespmem:s6+$0xFFFFFFA0]  }
0xcd: {  	v62 =	vld [tilespmem:s6+$0xA0];
	v0 =	vsub.f32 v0, v1  }
0xce: {  	v1 =	vld [tilespmem:s7+$0xFFFFFE80]  }
0xcf: {  	[tilespmem:s6+$0x180] =	vst v0;
	v0 =	vld [tilespmem:s6+$0x190]  }
0xd0: {  	v5 =	vld [tilespmem:s7+$0x190]  }
0xd1: {  	v63 =	vld [tilespmem:s6+$0xFFFFFE30];
	v4 =	vsub.f32 v4, v6  }
0xd2: {  	v6 =	vld [tilespmem:s7+$0x100]  }
0xd3: {  	[tilespmem:s6+$0xFFFFFF00] =	vst v4;
	v4 =	vsub.f32 v9, v10;
	v10 =	vld [tilespmem:s6+$0xFFFFFE90];
	v1 =	vsub.f32 v3, v1  }
0xd4: {  	v3 =	vld [tilespmem:s6+$0x100]  }
0xd5: {  	[tilespmem:s6+$0xFFFFFE80] =	vst v1;
	v0 =	vsub.f32 v0, v5;
	v5 =	vld [tilespmem:s6+$0x80]  }
0xd6: {  	v1 =	vsub.f32 v7, v8;
	v8 =	vld [tilespmem:s7+$0xFFFFFE90]  }
0xd7: {  	[tilespmem:s6+$0x190] =	vst v0;
	v0 =	vld [tilespmem:s6+$0x1A0]  }
0xd8: {  	[tilespmem:s6+$0x0] =	vst v4;
	v12 =	vld [tilespmem:s7+$0x1A0]  }
0xd9: {  	v9 =	vld [tilespmem:s7+$0x10]  }
0xda: {  	v7 =	vld [tilespmem:s6+$0xFFFFFE00]  }
0xdb: {  	[tilespmem:s6+$0xFFFFFF80] =	vst v1;
	v1 =	vld [tilespmem:s7+$0xFFFFFF10]  }
0xdc: {  	v4 =	vld [tilespmem:s7+$0xFFFFFF90];
	v8 =	vsub.f32 v10, v8  }
0xdd: {  	v5 =	vsub.f32 v5, v11;
	v11 =	vld [tilespmem:s6+$0xFFFFFF10];
	v0 =	vsub.f32 v0, v12  }
0xde: {  	v10 =	vld [tilespmem:s6+$0x110];
	[tilespmem:s6+$0xFFFFFE90] =	vst v8  }
0xdf: {  	v8 =	vld [tilespmem:s7+$0xFFFFFEA0];
	[tilespmem:s6+$0x1A0] =	vst v0;
	v0 =	vsub.f32 v7, v2  }
0xe0: {  	[tilespmem:s6+$0x80] =	vst v5;
	v7 =	vld [tilespmem:s6+$0x1B0];
	v2 =	vsub.f32 v3, v6  }
0xe1: {  	v5 =	vld [tilespmem:s7+$0x1B0];
	[tilespmem:s6+$0xFFFFFE00] =	vst v0  }
0xe2: {  	v1 =	vsub.f32 v11, v1;
	[tilespmem:s6+$0x100] =	vst v2;
	v2 =	vld [tilespmem:s6+$0xFFFFFE10]  }
0xe3: {  	v3 =	vld [tilespmem:s7+$0xFFFFFE10]  }
0xe4: {  	[tilespmem:s6+$0xFFFFFF10] =	vst v1;
	v1 =	vsub.f32 v13, v9;
	v6 =	vld [tilespmem:s7+$0x110]  }
0xe5: {  	v4 =	vsub.f32 v60, v4;
	v0 =	vld [tilespmem:s7+$0x90]  }
0xe6: {  	v9 =	vld [tilespmem:s7+$0xFFFFFF20];
	[tilespmem:s6+$0x10] =	vst v1  }
0xe7: {  	[tilespmem:s6+$0xFFFFFF90] =	vst v4;
	v4 =	vld [tilespmem:s7+$0x20]  }
0xe8: {  	v2 =	vsub.f32 v2, v3;
	v3 =	vld [tilespmem:s6+$0x90]  }
0xe9: {  	v1 =	vsub.f32 v10, v6;
	v10 =	vld [tilespmem:s6+$0xFFFFFF20]  }
0xea: {  	[tilespmem:s6+$0xFFFFFE10] =	vst v2;
	v2 =	vld [tilespmem:s6+$0xFFFFFE20]  }
0xeb: {  	v11 =	vld [tilespmem:s7+$0xFFFFFE20]  }
0xec: {  	v5 =	vsub.f32 v7, v5;
	[tilespmem:s6+$0x110] =	vst v1;
	v1 =	vld [tilespmem:s6+$0xFFFFFEA0]  }
0xed: {  	v7 =	vld [tilespmem:s6+$0x30]  }
0xee: {  	[tilespmem:s6+$0x1B0] =	vst v5;
	v5 =	vld [tilespmem:s6+$0xB0]  }
0xef: {  	v6 =	vld [tilespmem:s7+$0x120]  }
0xf0: {  	v0 =	vsub.f32 v3, v0;
	v3 =	vld [tilespmem:s7+$0xFFFFFFA0];
	v2 =	vsub.f32 v2, v11  }
0xf1: {  	v1 =	vsub.f32 v1, v8;
	v8 =	vsub.f32 v10, v9;
	v9 =	vld [tilespmem:s6+$0xFFFFFF30]  }
0xf2: {  	[tilespmem:s6+$0xFFFFFE20] =	vst v2;
	v2 =	vld [tilespmem:s6+$0x120]  }
0xf3: {  	[tilespmem:s6+$0x90] =	vst v0;
	v11 =	vld [tilespmem:s6+$0x20]  }
0xf4: {  	v0 =	vld [tilespmem:s7+$0xA0];
	[tilespmem:s6+$0xFFFFFEA0] =	vst v1  }
0xf5: {  	[tilespmem:s6+$0xFFFFFF20] =	vst v8;
	v8 =	vld [tilespmem:s6+$0xFFFFFFB0]  }
0xf6: {  	v1 =	vsub.f32 v61, v3;
	v14 =	vld [tilespmem:s7+$0xFFFFFEB0]  }
0xf7: {  	v10 =	vld [tilespmem:s7+$0xFFFFFE30];
	v6 =	vsub.f32 v2, v6  }
0xf8: {  	[tilespmem:s6+$0xFFFFFFA0] =	vst v1;
	v3 =	vsub.f32 v11, v4;
	v4 =	vld [tilespmem:s7+$0xFFFFFF30]  }
0xf9: {  	v0 =	vsub.f32 v62, v0;
	[tilespmem:s6+$0x120] =	vst v6;
	v6 =	vld [tilespmem:s6+$0xFFFFFEB0]  }
0xfa: {  	v1 =	vld [tilespmem:s7+$0xFFFFFFB0];
	[tilespmem:s6+$0x20] =	vst v3  }
0xfb: {  	[tilespmem:s6+$0xA0] =	vst v0;
	v2 =	vld [tilespmem:s7+$0x30]  }
0xfc: {  	v3 =	vld [tilespmem:s7+$0xB0];
	v10 =	vsub.f32 v63, v10  }
0xfd: {  	v0 =	vld [tilespmem:s7+$0x130]  }
0xfe: {  	s8 =	simm.s32 $0x0;
	s9 =	simm.s32 $0x4A00;
	[tilespmem:s6+$0xFFFFFE30] =	vst v10;
	v10 =	vsub.f32 v6, v14;
	v6 =	vld [tilespmem:s6+$0x130]  }
.LBB2_4:
0xff: {  	v11 =	vld [tilespmem:s9+$0x180];
	v4 =	vsub.f32 v9, v4;
	s7 =	sadd.s32 $0x400, s7  }
0x100: {  	s8 =	sadd.s32 $0x8, s8;
	v9 =	vld [tilespmem:s7+$0x180];
	[tilespmem:s6+$0xFFFFFEB0] =	vst v10;
	v1 =	vsub.f32 v8, v1  }
0x101: {  	p0 =	slt.u32 s8, $0x78;
	v8 =	vld [tilespmem:s7+$0xFFFFFE00];
	[tilespmem:s6+$0xFFFFFF30] =	vst v4;
	v2 =	vsub.f32 v7, v2  }
0x102: {  	v4 =	vld [tilespmem:s9+$0xFFFFFE80];
	[tilespmem:s6+$0xFFFFFFB0] =	vst v1;
	v1 =	vsub.f32 v5, v3  }
0x103: {  	v3 =	vld [tilespmem:s7+$0xFFFFFE80];
	[tilespmem:s6+$0x30] =	vst v2;
	v0 =	vsub.f32 v6, v0  }
0x104: {  	v2 =	vld [tilespmem:s9+$0xFFFFFF00];
	[tilespmem:s6+$0xB0] =	vst v1  }
0x105: {  	v1 =	vld [tilespmem:s7+$0xFFFFFF00];
	v5 =	vsub.f32 v11, v9;
	[tilespmem:s6+$0x130] =	vst v0;
	s6 =	smov.u32 s9  }
0x106: {  	v0 =	vld [tilespmem:s9+$0xFFFFFF80]  }
0x107: {  	[tilespmem:s9+$0x180] =	vst v5;
	v5 =	vld [tilespmem:s9+$0x190]  }
0x108: {  	v3 =	vsub.f32 v4, v3;
	v4 =	vld [tilespmem:s7+$0x190]  }
0x109: {  	v6 =	vld [tilespmem:s7+$0xFFFFFF80]  }
0x10a: {  	[tilespmem:s9+$0xFFFFFE80] =	vst v3;
	v1 =	vsub.f32 v2, v1;
	v2 =	vld [tilespmem:s9+$0x0]  }
0x10b: {  	v3 =	vld [tilespmem:s7+$0x0]  }
0x10c: {  	[tilespmem:s9+$0xFFFFFF00] =	vst v1;
	v1 =	vld [tilespmem:s9+$0x80]  }
0x10d: {  	v7 =	vld [tilespmem:s7+$0x80];
	v4 =	vsub.f32 v5, v4  }
0x10e: {  	v0 =	vsub.f32 v0, v6;
	v5 =	vld [tilespmem:s9+$0x100]  }
0x10f: {  	[tilespmem:s9+$0x190] =	vst v4;
	v4 =	vld [tilespmem:s9+$0x1A0]  }
0x110: {  	[tilespmem:s9+$0xFFFFFF80] =	vst v0;
	v0 =	vsub.f32 v2, v3;
	v2 =	vld [tilespmem:s7+$0x1A0]  }
0x111: {  	v3 =	vld [tilespmem:s7+$0x100]  }
0x112: {  	v6 =	vld [tilespmem:s9+$0xFFFFFE00];
	[tilespmem:s9+$0x0] =	vst v0;
	v0 =	vsub.f32 v1, v7  }
0x113: {  	v1 =	vld [tilespmem:s7+$0xFFFFFE90]  }
0x114: {  	v7 =	vld [tilespmem:s7+$0xFFFFFF10];
	[tilespmem:s9+$0x80] =	vst v0  }
0x115: {  	v0 =	vld [tilespmem:s7+$0xFFFFFF90];
	v2 =	vsub.f32 v4, v2  }
0x116: {  	v4 =	vld [tilespmem:s7+$0x10];
	v3 =	vsub.f32 v5, v3  }
0x117: {  	v5 =	vsub.f32 v6, v8;
	[tilespmem:s9+$0x1A0] =	vst v2;
	v2 =	vld [tilespmem:s9+$0x1B0]  }
0x118: {  	[tilespmem:s9+$0x100] =	vst v3;
	v3 =	vld [tilespmem:s7+$0x1B0]  }
0x119: {  	[tilespmem:s9+$0xFFFFFE00] =	vst v5;
	v5 =	vld [tilespmem:s7+$0x90]  }
0x11a: {  	v6 =	vld [tilespmem:s7+$0xFFFFFE10]  }
0x11b: {  	v8 =	vld [tilespmem:s7+$0x110]  }
0x11c: {  	v9 =	vld [tilespmem:s9+$0xFFFFFE10]  }
0x11d: {  	v10 =	vld [tilespmem:s9+$0xFFFFFE90];
	v2 =	vsub.f32 v2, v3  }
0x11e: {  	v3 =	vld [tilespmem:s9+$0xFFFFFF10]  }
0x11f: {  	v11 =	vld [tilespmem:s9+$0xFFFFFF90];
	[tilespmem:s9+$0x1B0] =	vst v2  }
0x120: {  	v2 =	vld [tilespmem:s9+$0x10]  }
0x121: {  	v6 =	vsub.f32 v9, v6;
	v9 =	vld [tilespmem:s9+$0x90]  }
0x122: {  	v1 =	vsub.f32 v10, v1;
	v10 =	vld [tilespmem:s9+$0x110]  }
0x123: {  	[tilespmem:s9+$0xFFFFFE10] =	vst v6;
	v6 =	vld [tilespmem:s9+$0xFFFFFE20];
	v3 =	vsub.f32 v3, v7  }
0x124: {  	v7 =	vld [tilespmem:s7+$0xFFFFFE20];
	[tilespmem:s9+$0xFFFFFE90] =	vst v1;
	v0 =	vsub.f32 v11, v0  }
0x125: {  	v1 =	vld [tilespmem:s7+$0xFFFFFEA0];
	[tilespmem:s9+$0xFFFFFF10] =	vst v3;
	v2 =	vsub.f32 v2, v4  }
0x126: {  	v3 =	vld [tilespmem:s7+$0xFFFFFF20];
	[tilespmem:s9+$0xFFFFFF90] =	vst v0;
	v0 =	vsub.f32 v9, v5  }
0x127: {  	v4 =	vld [tilespmem:s7+$0xFFFFFFA0];
	[tilespmem:s9+$0x10] =	vst v2;
	v2 =	vsub.f32 v10, v8  }
0x128: {  	v5 =	vld [tilespmem:s7+$0x20];
	[tilespmem:s9+$0x90] =	vst v0  }
0x129: {  	v0 =	vsub.f32 v6, v7;
	v6 =	vld [tilespmem:s7+$0xA0];
	[tilespmem:s9+$0x110] =	vst v2  }
0x12a: {  	v2 =	vld [tilespmem:s7+$0x120]  }
0x12b: {  	[tilespmem:s9+$0xFFFFFE20] =	vst v0;
	v0 =	vld [tilespmem:s9+$0xFFFFFEA0]  }
0x12c: {  	v7 =	vld [tilespmem:s9+$0xFFFFFF20]  }
0x12d: {  	v8 =	vld [tilespmem:s9+$0xFFFFFFA0]  }
0x12e: {  	v9 =	vld [tilespmem:s9+$0x20]  }
0x12f: {  	v10 =	vld [tilespmem:s9+$0xA0]  }
0x130: {  	v0 =	vsub.f32 v0, v1;
	v11 =	vld [tilespmem:s9+$0x120]  }
0x131: {  	v12 =	vld [tilespmem:s7+$0xFFFFFE30];
	v1 =	vsub.f32 v7, v3  }
0x132: {  	v3 =	vld [tilespmem:s9+$0xFFFFFE30];
	[tilespmem:s9+$0xFFFFFEA0] =	vst v0;
	v0 =	vsub.f32 v8, v4  }
0x133: {  	v13 =	vld [tilespmem:s7+$0xFFFFFEB0];
	[tilespmem:s9+$0xFFFFFF20] =	vst v1;
	v5 =	vsub.f32 v9, v5  }
0x134: {  	v4 =	vld [tilespmem:s7+$0xFFFFFF30];
	[tilespmem:s9+$0xFFFFFFA0] =	vst v0;
	v0 =	vsub.f32 v10, v6  }
0x135: {  	v1 =	vld [tilespmem:s7+$0xFFFFFFB0];
	[tilespmem:s9+$0x20] =	vst v5;
	v5 =	vsub.f32 v11, v2  }
0x136: {  	v2 =	vld [tilespmem:s7+$0x30];
	[tilespmem:s9+$0xA0] =	vst v0  }
0x137: {  	v6 =	vsub.f32 v3, v12;
	v3 =	vld [tilespmem:s7+$0xB0];
	[tilespmem:s9+$0x120] =	vst v5  }
0x138: {  	v0 =	vld [tilespmem:s7+$0x130]  }
0x139: {  	[tilespmem:s9+$0xFFFFFE30] =	vst v6;
	v6 =	vld [tilespmem:s9+$0xFFFFFEB0]  }
.Ltmp1:
0x13a: {  	v9 =	vld [tilespmem:s9+$0xFFFFFF30];
	(pc) =	sbr.rel @p0 .LBB2_4-.Ltmp1, $4  }
0x13b: {  	v8 =	vld [tilespmem:s9+$0xFFFFFFB0]  }
0x13c: {  	v7 =	vld [tilespmem:s9+$0x30]  }
0x13d: {  	v5 =	vld [tilespmem:s9+$0xB0]  }
0x13e: {  	s9 =	sadd.s32 $0x400, s9;
	v10 =	vsub.f32 v6, v13;
	v6 =	vld [tilespmem:s6+$0x130]  }
0x13f: {  	v4 =	vsub.f32 v9, v4  }
0x140: {  	[tilespmem:s6+$0xFFFFFEB0] =	vst v10;
	v1 =	vsub.f32 v8, v1  }
0x141: {  	[tilespmem:s6+$0xFFFFFF30] =	vst v4;
	v2 =	vsub.f32 v7, v2  }
0x142: {  	[tilespmem:s6+$0xFFFFFFB0] =	vst v1;
	v1 =	vsub.f32 v5, v3  }
0x143: {  	[tilespmem:s6+$0x30] =	vst v2;
	v0 =	vsub.f32 v6, v0  }
0x144: {  	[tilespmem:s6+$0xB0] =	vst v1  }
0x145: {  	[tilespmem:s6+$0x130] =	vst v0  }
0x146: {  	s6 =	rddreg [dreg:$0x9]  }
0x147: {  	[hbm4b:s6+s3] =	stream.linear.scatter [tilespmem:s26], [sflag:$0x6], $0x4000, $0x38;
	[tilespmem:$0x10400] =	vst v63  }
0x148: {  	_ =	swait.ge [sflag:s4], $0x4000  }
0x149: {  	[sflag:s4] =	ssyncset.done $0x0  }
0x14a: {  	[sflag:s4] =	ssyncadd.s32 $0xFFFFC000  }
0x14b: {  	[tilespmem:s26], [sflag:$0x2] =	stream.linear.gather [hbm4b:s10+s3], $0x4000, $0x38;
	[tilespmem:$0x10400] =	vst v63  }
0x14c: {  	s9 =	simm.s32 $0x180  }
0x14d: {  	[tilespmem:s28], [sflag:$0x4] =	stream.indirect.gather [hbm4b:s1+s24], $0x80, s9, s24, $0xb8;
	[tilespmem:$0x10400] =	vst v63  }
0x14e: {  	_ =	swait.ge [sflag:s29], $0x4000  }
0x14f: {  	[sflag:s29] =	ssyncset.done $0x0  }
0x150: {  	[sflag:s29] =	ssyncadd.s32 $0xFFFFC000  }
0x151: {  	_ =	swait.ge [sflag:s30], $0x4000  }
0x152: {  	[sflag:s30] =	ssyncset.done $0x0  }
0x153: {  	s6 =	simm.s32 $0x600;
	[sflag:s30] =	ssyncadd.s32 $0xFFFFC000  }
0x154: {  	s7 =	simm.s32 $0x8600;
	v0 =	vld [tilespmem:s6+$0x180]  }
0x155: {  	v1 =	vld [tilespmem:s7+$0x180]  }
0x156: {  	v2 =	vld [tilespmem:s7+$0xFFFFFE00]  }
0x157: {  	v3 =	vld [tilespmem:s6+$0xFFFFFE80]  }
0x158: {  	v4 =	vld [tilespmem:s6+$0xFFFFFF00]  }
0x159: {  	v6 =	vld [tilespmem:s7+$0xFFFFFF00]  }
0x15a: {  	v7 =	vld [tilespmem:s6+$0xFFFFFF80]  }
0x15b: {  	v8 =	vld [tilespmem:s7+$0xFFFFFF80]  }
0x15c: {  	v9 =	vld [tilespmem:s6+$0x0]  }
0x15d: {  	v10 =	vld [tilespmem:s7+$0x0]  }
0x15e: {  	v11 =	vld [tilespmem:s7+$0x80]  }
0x15f: {  	v60 =	vld [tilespmem:s6+$0xFFFFFF90]  }
0x160: {  	v13 =	vld [tilespmem:s6+$0x10]  }
0x161: {  	v61 =	vld [tilespmem:s6+$0xFFFFFFA0]  }
0x162: {  	v62 =	vld [tilespmem:s6+$0xA0];
	v0 =	vsub.f32 v0, v1  }
0x163: {  	v1 =	vld [tilespmem:s7+$0xFFFFFE80]  }
0x164: {  	[tilespmem:s6+$0x180] =	vst v0;
	v0 =	vld [tilespmem:s6+$0x190]  }
0x165: {  	v5 =	vld [tilespmem:s7+$0x190]  }
0x166: {  	v63 =	vld [tilespmem:s6+$0xFFFFFE30];
	v4 =	vsub.f32 v4, v6  }
0x167: {  	v6 =	vld [tilespmem:s7+$0x100]  }
0x168: {  	[tilespmem:s6+$0xFFFFFF00] =	vst v4;
	v4 =	vsub.f32 v9, v10;
	v10 =	vld [tilespmem:s6+$0xFFFFFE90];
	v1 =	vsub.f32 v3, v1  }
0x169: {  	v3 =	vld [tilespmem:s6+$0x100]  }
0x16a: {  	[tilespmem:s6+$0xFFFFFE80] =	vst v1;
	v0 =	vsub.f32 v0, v5;
	v5 =	vld [tilespmem:s6+$0x80]  }
0x16b: {  	v1 =	vsub.f32 v7, v8;
	v8 =	vld [tilespmem:s7+$0xFFFFFE90]  }
0x16c: {  	[tilespmem:s6+$0x190] =	vst v0;
	v0 =	vld [tilespmem:s6+$0x1A0]  }
0x16d: {  	[tilespmem:s6+$0x0] =	vst v4;
	v12 =	vld [tilespmem:s7+$0x1A0]  }
0x16e: {  	v9 =	vld [tilespmem:s7+$0x10]  }
0x16f: {  	v7 =	vld [tilespmem:s6+$0xFFFFFE00]  }
0x170: {  	[tilespmem:s6+$0xFFFFFF80] =	vst v1;
	v1 =	vld [tilespmem:s7+$0xFFFFFF10]  }
0x171: {  	v4 =	vld [tilespmem:s7+$0xFFFFFF90];
	v8 =	vsub.f32 v10, v8  }
0x172: {  	v5 =	vsub.f32 v5, v11;
	v11 =	vld [tilespmem:s6+$0xFFFFFF10];
	v0 =	vsub.f32 v0, v12  }
0x173: {  	v10 =	vld [tilespmem:s6+$0x110];
	[tilespmem:s6+$0xFFFFFE90] =	vst v8  }
0x174: {  	v8 =	vld [tilespmem:s7+$0xFFFFFEA0];
	[tilespmem:s6+$0x1A0] =	vst v0;
	v0 =	vsub.f32 v7, v2  }
0x175: {  	[tilespmem:s6+$0x80] =	vst v5;
	v7 =	vld [tilespmem:s6+$0x1B0];
	v2 =	vsub.f32 v3, v6  }
0x176: {  	v5 =	vld [tilespmem:s7+$0x1B0];
	[tilespmem:s6+$0xFFFFFE00] =	vst v0  }
0x177: {  	v1 =	vsub.f32 v11, v1;
	[tilespmem:s6+$0x100] =	vst v2;
	v2 =	vld [tilespmem:s6+$0xFFFFFE10]  }
0x178: {  	v3 =	vld [tilespmem:s7+$0xFFFFFE10]  }
0x179: {  	[tilespmem:s6+$0xFFFFFF10] =	vst v1;
	v1 =	vsub.f32 v13, v9;
	v6 =	vld [tilespmem:s7+$0x110]  }
0x17a: {  	v4 =	vsub.f32 v60, v4;
	v0 =	vld [tilespmem:s7+$0x90]  }
0x17b: {  	v9 =	vld [tilespmem:s7+$0xFFFFFF20];
	[tilespmem:s6+$0x10] =	vst v1  }
0x17c: {  	[tilespmem:s6+$0xFFFFFF90] =	vst v4;
	v4 =	vld [tilespmem:s7+$0x20]  }
0x17d: {  	v2 =	vsub.f32 v2, v3;
	v3 =	vld [tilespmem:s6+$0x90]  }
0x17e: {  	v1 =	vsub.f32 v10, v6;
	v10 =	vld [tilespmem:s6+$0xFFFFFF20]  }
0x17f: {  	[tilespmem:s6+$0xFFFFFE10] =	vst v2;
	v2 =	vld [tilespmem:s6+$0xFFFFFE20]  }
0x180: {  	v11 =	vld [tilespmem:s7+$0xFFFFFE20]  }
0x181: {  	v5 =	vsub.f32 v7, v5;
	[tilespmem:s6+$0x110] =	vst v1;
	v1 =	vld [tilespmem:s6+$0xFFFFFEA0]  }
0x182: {  	v7 =	vld [tilespmem:s6+$0x30]  }
0x183: {  	[tilespmem:s6+$0x1B0] =	vst v5;
	v5 =	vld [tilespmem:s6+$0xB0]  }
0x184: {  	v6 =	vld [tilespmem:s7+$0x120]  }
0x185: {  	v0 =	vsub.f32 v3, v0;
	v3 =	vld [tilespmem:s7+$0xFFFFFFA0];
	v2 =	vsub.f32 v2, v11  }
0x186: {  	v1 =	vsub.f32 v1, v8;
	v8 =	vsub.f32 v10, v9;
	v9 =	vld [tilespmem:s6+$0xFFFFFF30]  }
0x187: {  	[tilespmem:s6+$0xFFFFFE20] =	vst v2;
	v2 =	vld [tilespmem:s6+$0x120]  }
0x188: {  	[tilespmem:s6+$0x90] =	vst v0;
	v11 =	vld [tilespmem:s6+$0x20]  }
0x189: {  	v0 =	vld [tilespmem:s7+$0xA0];
	[tilespmem:s6+$0xFFFFFEA0] =	vst v1  }
0x18a: {  	[tilespmem:s6+$0xFFFFFF20] =	vst v8;
	v8 =	vld [tilespmem:s6+$0xFFFFFFB0]  }
0x18b: {  	v1 =	vsub.f32 v61, v3;
	v14 =	vld [tilespmem:s7+$0xFFFFFEB0]  }
0x18c: {  	v10 =	vld [tilespmem:s7+$0xFFFFFE30];
	v6 =	vsub.f32 v2, v6  }
0x18d: {  	[tilespmem:s6+$0xFFFFFFA0] =	vst v1;
	v3 =	vsub.f32 v11, v4;
	v4 =	vld [tilespmem:s7+$0xFFFFFF30]  }
0x18e: {  	v0 =	vsub.f32 v62, v0;
	[tilespmem:s6+$0x120] =	vst v6;
	v6 =	vld [tilespmem:s6+$0xFFFFFEB0]  }
0x18f: {  	v1 =	vld [tilespmem:s7+$0xFFFFFFB0];
	[tilespmem:s6+$0x20] =	vst v3  }
0x190: {  	[tilespmem:s6+$0xA0] =	vst v0;
	v2 =	vld [tilespmem:s7+$0x30]  }
0x191: {  	v3 =	vld [tilespmem:s7+$0xB0];
	v10 =	vsub.f32 v63, v10  }
0x192: {  	v0 =	vld [tilespmem:s7+$0x130]  }
0x193: {  	s8 =	simm.s32 $0x0;
	s9 =	simm.s32 $0xA00;
	[tilespmem:s6+$0xFFFFFE30] =	vst v10;
	v10 =	vsub.f32 v6, v14;
	v6 =	vld [tilespmem:s6+$0x130]  }
.LBB2_6:
0x194: {  	v11 =	vld [tilespmem:s9+$0x180];
	v4 =	vsub.f32 v9, v4;
	s7 =	sadd.s32 $0x400, s7  }
0x195: {  	s8 =	sadd.s32 $0x8, s8;
	v9 =	vld [tilespmem:s7+$0x180];
	[tilespmem:s6+$0xFFFFFEB0] =	vst v10;
	v1 =	vsub.f32 v8, v1  }
0x196: {  	p0 =	slt.u32 s8, $0x78;
	v8 =	vld [tilespmem:s7+$0xFFFFFE00];
	[tilespmem:s6+$0xFFFFFF30] =	vst v4;
	v2 =	vsub.f32 v7, v2  }
0x197: {  	v4 =	vld [tilespmem:s9+$0xFFFFFE80];
	[tilespmem:s6+$0xFFFFFFB0] =	vst v1;
	v1 =	vsub.f32 v5, v3  }
0x198: {  	v3 =	vld [tilespmem:s7+$0xFFFFFE80];
	[tilespmem:s6+$0x30] =	vst v2;
	v0 =	vsub.f32 v6, v0  }
0x199: {  	v2 =	vld [tilespmem:s9+$0xFFFFFF00];
	[tilespmem:s6+$0xB0] =	vst v1  }
0x19a: {  	v1 =	vld [tilespmem:s7+$0xFFFFFF00];
	v5 =	vsub.f32 v11, v9;
	[tilespmem:s6+$0x130] =	vst v0;
	s6 =	smov.u32 s9  }
0x19b: {  	v0 =	vld [tilespmem:s9+$0xFFFFFF80]  }
0x19c: {  	[tilespmem:s9+$0x180] =	vst v5;
	v5 =	vld [tilespmem:s9+$0x190]  }
0x19d: {  	v3 =	vsub.f32 v4, v3;
	v4 =	vld [tilespmem:s7+$0x190]  }
0x19e: {  	v6 =	vld [tilespmem:s7+$0xFFFFFF80]  }
0x19f: {  	[tilespmem:s9+$0xFFFFFE80] =	vst v3;
	v1 =	vsub.f32 v2, v1;
	v2 =	vld [tilespmem:s9+$0x0]  }
0x1a0: {  	v3 =	vld [tilespmem:s7+$0x0]  }
0x1a1: {  	[tilespmem:s9+$0xFFFFFF00] =	vst v1;
	v1 =	vld [tilespmem:s9+$0x80]  }
0x1a2: {  	v7 =	vld [tilespmem:s7+$0x80];
	v4 =	vsub.f32 v5, v4  }
0x1a3: {  	v0 =	vsub.f32 v0, v6;
	v5 =	vld [tilespmem:s9+$0x100]  }
0x1a4: {  	[tilespmem:s9+$0x190] =	vst v4;
	v4 =	vld [tilespmem:s9+$0x1A0]  }
0x1a5: {  	[tilespmem:s9+$0xFFFFFF80] =	vst v0;
	v0 =	vsub.f32 v2, v3;
	v2 =	vld [tilespmem:s7+$0x1A0]  }
0x1a6: {  	v3 =	vld [tilespmem:s7+$0x100]  }
0x1a7: {  	v6 =	vld [tilespmem:s9+$0xFFFFFE00];
	[tilespmem:s9+$0x0] =	vst v0;
	v0 =	vsub.f32 v1, v7  }
0x1a8: {  	v1 =	vld [tilespmem:s7+$0xFFFFFE90]  }
0x1a9: {  	v7 =	vld [tilespmem:s7+$0xFFFFFF10];
	[tilespmem:s9+$0x80] =	vst v0  }
0x1aa: {  	v0 =	vld [tilespmem:s7+$0xFFFFFF90];
	v2 =	vsub.f32 v4, v2  }
0x1ab: {  	v4 =	vld [tilespmem:s7+$0x10];
	v3 =	vsub.f32 v5, v3  }
0x1ac: {  	v5 =	vsub.f32 v6, v8;
	[tilespmem:s9+$0x1A0] =	vst v2;
	v2 =	vld [tilespmem:s9+$0x1B0]  }
0x1ad: {  	[tilespmem:s9+$0x100] =	vst v3;
	v3 =	vld [tilespmem:s7+$0x1B0]  }
0x1ae: {  	[tilespmem:s9+$0xFFFFFE00] =	vst v5;
	v5 =	vld [tilespmem:s7+$0x90]  }
0x1af: {  	v6 =	vld [tilespmem:s7+$0xFFFFFE10]  }
0x1b0: {  	v8 =	vld [tilespmem:s7+$0x110]  }
0x1b1: {  	v9 =	vld [tilespmem:s9+$0xFFFFFE10]  }
0x1b2: {  	v10 =	vld [tilespmem:s9+$0xFFFFFE90];
	v2 =	vsub.f32 v2, v3  }
0x1b3: {  	v3 =	vld [tilespmem:s9+$0xFFFFFF10]  }
0x1b4: {  	v11 =	vld [tilespmem:s9+$0xFFFFFF90];
	[tilespmem:s9+$0x1B0] =	vst v2  }
0x1b5: {  	v2 =	vld [tilespmem:s9+$0x10]  }
0x1b6: {  	v6 =	vsub.f32 v9, v6;
	v9 =	vld [tilespmem:s9+$0x90]  }
0x1b7: {  	v1 =	vsub.f32 v10, v1;
	v10 =	vld [tilespmem:s9+$0x110]  }
0x1b8: {  	[tilespmem:s9+$0xFFFFFE10] =	vst v6;
	v6 =	vld [tilespmem:s9+$0xFFFFFE20];
	v3 =	vsub.f32 v3, v7  }
0x1b9: {  	v7 =	vld [tilespmem:s7+$0xFFFFFE20];
	[tilespmem:s9+$0xFFFFFE90] =	vst v1;
	v0 =	vsub.f32 v11, v0  }
0x1ba: {  	v1 =	vld [tilespmem:s7+$0xFFFFFEA0];
	[tilespmem:s9+$0xFFFFFF10] =	vst v3;
	v2 =	vsub.f32 v2, v4  }
0x1bb: {  	v3 =	vld [tilespmem:s7+$0xFFFFFF20];
	[tilespmem:s9+$0xFFFFFF90] =	vst v0;
	v0 =	vsub.f32 v9, v5  }
0x1bc: {  	v4 =	vld [tilespmem:s7+$0xFFFFFFA0];
	[tilespmem:s9+$0x10] =	vst v2;
	v2 =	vsub.f32 v10, v8  }
0x1bd: {  	v5 =	vld [tilespmem:s7+$0x20];
	[tilespmem:s9+$0x90] =	vst v0  }
0x1be: {  	v0 =	vsub.f32 v6, v7;
	v6 =	vld [tilespmem:s7+$0xA0];
	[tilespmem:s9+$0x110] =	vst v2  }
0x1bf: {  	v2 =	vld [tilespmem:s7+$0x120]  }
0x1c0: {  	[tilespmem:s9+$0xFFFFFE20] =	vst v0;
	v0 =	vld [tilespmem:s9+$0xFFFFFEA0]  }
0x1c1: {  	v7 =	vld [tilespmem:s9+$0xFFFFFF20]  }
0x1c2: {  	v8 =	vld [tilespmem:s9+$0xFFFFFFA0]  }
0x1c3: {  	v9 =	vld [tilespmem:s9+$0x20]  }
0x1c4: {  	v10 =	vld [tilespmem:s9+$0xA0]  }
0x1c5: {  	v0 =	vsub.f32 v0, v1;
	v11 =	vld [tilespmem:s9+$0x120]  }
0x1c6: {  	v12 =	vld [tilespmem:s7+$0xFFFFFE30];
	v1 =	vsub.f32 v7, v3  }
0x1c7: {  	v3 =	vld [tilespmem:s9+$0xFFFFFE30];
	[tilespmem:s9+$0xFFFFFEA0] =	vst v0;
	v0 =	vsub.f32 v8, v4  }
0x1c8: {  	v13 =	vld [tilespmem:s7+$0xFFFFFEB0];
	[tilespmem:s9+$0xFFFFFF20] =	vst v1;
	v5 =	vsub.f32 v9, v5  }
0x1c9: {  	v4 =	vld [tilespmem:s7+$0xFFFFFF30];
	[tilespmem:s9+$0xFFFFFFA0] =	vst v0;
	v0 =	vsub.f32 v10, v6  }
0x1ca: {  	v1 =	vld [tilespmem:s7+$0xFFFFFFB0];
	[tilespmem:s9+$0x20] =	vst v5;
	v5 =	vsub.f32 v11, v2  }
0x1cb: {  	v2 =	vld [tilespmem:s7+$0x30];
	[tilespmem:s9+$0xA0] =	vst v0  }
0x1cc: {  	v6 =	vsub.f32 v3, v12;
	v3 =	vld [tilespmem:s7+$0xB0];
	[tilespmem:s9+$0x120] =	vst v5  }
0x1cd: {  	v0 =	vld [tilespmem:s7+$0x130]  }
0x1ce: {  	[tilespmem:s9+$0xFFFFFE30] =	vst v6;
	v6 =	vld [tilespmem:s9+$0xFFFFFEB0]  }
.Ltmp2:
0x1cf: {  	v9 =	vld [tilespmem:s9+$0xFFFFFF30];
	(pc) =	sbr.rel @p0 .LBB2_6-.Ltmp2, $4  }
0x1d0: {  	v8 =	vld [tilespmem:s9+$0xFFFFFFB0]  }
0x1d1: {  	v7 =	vld [tilespmem:s9+$0x30]  }
0x1d2: {  	v5 =	vld [tilespmem:s9+$0xB0]  }
0x1d3: {  	s9 =	sadd.s32 $0x400, s9;
	v10 =	vsub.f32 v6, v13;
	v6 =	vld [tilespmem:s6+$0x130]  }
0x1d4: {  	v4 =	vsub.f32 v9, v4  }
0x1d5: {  	[tilespmem:s6+$0xFFFFFEB0] =	vst v10;
	v1 =	vsub.f32 v8, v1  }
0x1d6: {  	[tilespmem:s6+$0xFFFFFF30] =	vst v4;
	v2 =	vsub.f32 v7, v2  }
0x1d7: {  	[tilespmem:s6+$0xFFFFFFB0] =	vst v1;
	v1 =	vsub.f32 v5, v3  }
0x1d8: {  	[tilespmem:s6+$0x30] =	vst v2;
	v0 =	vsub.f32 v6, v0  }
0x1d9: {  	[tilespmem:s6+$0xB0] =	vst v1  }
0x1da: {  	[tilespmem:s6+$0x130] =	vst v0  }
0x1db: {  	[hbm4b:s11+s3] =	stream.linear.scatter [tilespmem:s23], [sflag:$0x5], $0x4000, $0x38;
	[tilespmem:$0x10400] =	vst v63  }
0x1dc: {  	_ =	swait.ge [sflag:s31], $0x4000  }
0x1dd: {  	[sflag:s31] =	ssyncset.done $0x0  }
0x1de: {  	[sflag:s31] =	ssyncadd.s32 $0xFFFFC000  }
0x1df: {  	[tilespmem:s23], [sflag:$0x1] =	stream.linear.gather [hbm4b:s12+s3], $0x4000, $0x38;
	[tilespmem:$0x10400] =	vst v63  }
0x1e0: {  	s9 =	simm.s32 $0x200  }
0x1e1: {  	[tilespmem:s25], [sflag:$0x3] =	stream.indirect.gather [hbm4b:s1+s24], $0x80, s9, s24, $0xb8;
	[tilespmem:$0x10400] =	vst v63  }
0x1e2: {  	_ =	swait.ge [sflag:s2], $0x4000  }
0x1e3: {  	[sflag:s2] =	ssyncset.done $0x0  }
0x1e4: {  	[sflag:s2] =	ssyncadd.s32 $0xFFFFC000  }
0x1e5: {  	_ =	swait.ge [sflag:s0], $0x4000  }
0x1e6: {  	[sflag:s0] =	ssyncset.done $0x0  }
0x1e7: {  	s6 =	simm.s32 $0x4600;
	[sflag:s0] =	ssyncadd.s32 $0xFFFFC000  }
0x1e8: {  	s7 =	simm.s32 $0xC600;
	v0 =	vld [tilespmem:s6+$0x180]  }
0x1e9: {  	v1 =	vld [tilespmem:s7+$0x180]  }
0x1ea: {  	v2 =	vld [tilespmem:s7+$0xFFFFFE00]  }
0x1eb: {  	v3 =	vld [tilespmem:s6+$0xFFFFFE80]  }
0x1ec: {  	v4 =	vld [tilespmem:s6+$0xFFFFFF00]  }
0x1ed: {  	v6 =	vld [tilespmem:s7+$0xFFFFFF00]  }
0x1ee: {  	v7 =	vld [tilespmem:s6+$0xFFFFFF80]  }
0x1ef: {  	v8 =	vld [tilespmem:s7+$0xFFFFFF80]  }
0x1f0: {  	v9 =	vld [tilespmem:s6+$0x0]  }
0x1f1: {  	v10 =	vld [tilespmem:s7+$0x0]  }
0x1f2: {  	v11 =	vld [tilespmem:s7+$0x80]  }
0x1f3: {  	v60 =	vld [tilespmem:s6+$0xFFFFFF90]  }
0x1f4: {  	v13 =	vld [tilespmem:s6+$0x10]  }
0x1f5: {  	v61 =	vld [tilespmem:s6+$0xFFFFFFA0]  }
0x1f6: {  	v62 =	vld [tilespmem:s6+$0xA0];
	v0 =	vsub.f32 v0, v1  }
0x1f7: {  	v1 =	vld [tilespmem:s7+$0xFFFFFE80]  }
0x1f8: {  	[tilespmem:s6+$0x180] =	vst v0;
	v0 =	vld [tilespmem:s6+$0x190]  }
0x1f9: {  	v5 =	vld [tilespmem:s7+$0x190]  }
0x1fa: {  	v63 =	vld [tilespmem:s6+$0xFFFFFE30];
	v4 =	vsub.f32 v4, v6  }
0x1fb: {  	v6 =	vld [tilespmem:s7+$0x100]  }
0x1fc: {  	[tilespmem:s6+$0xFFFFFF00] =	vst v4;
	v4 =	vsub.f32 v9, v10;
	v10 =	vld [tilespmem:s6+$0xFFFFFE90];
	v1 =	vsub.f32 v3, v1  }
0x1fd: {  	v3 =	vld [tilespmem:s6+$0x100]  }
0x1fe: {  	[tilespmem:s6+$0xFFFFFE80] =	vst v1;
	v0 =	vsub.f32 v0, v5;
	v5 =	vld [tilespmem:s6+$0x80]  }
0x1ff: {  	v1 =	vsub.f32 v7, v8;
	v8 =	vld [tilespmem:s7+$0xFFFFFE90]  }
0x200: {  	[tilespmem:s6+$0x190] =	vst v0;
	v0 =	vld [tilespmem:s6+$0x1A0]  }
0x201: {  	[tilespmem:s6+$0x0] =	vst v4;
	v12 =	vld [tilespmem:s7+$0x1A0]  }
0x202: {  	v9 =	vld [tilespmem:s7+$0x10]  }
0x203: {  	v7 =	vld [tilespmem:s6+$0xFFFFFE00]  }
0x204: {  	[tilespmem:s6+$0xFFFFFF80] =	vst v1;
	v1 =	vld [tilespmem:s7+$0xFFFFFF10]  }
0x205: {  	v4 =	vld [tilespmem:s7+$0xFFFFFF90];
	v8 =	vsub.f32 v10, v8  }
0x206: {  	v5 =	vsub.f32 v5, v11;
	v11 =	vld [tilespmem:s6+$0xFFFFFF10];
	v0 =	vsub.f32 v0, v12  }
0x207: {  	v10 =	vld [tilespmem:s6+$0x110];
	[tilespmem:s6+$0xFFFFFE90] =	vst v8  }
0x208: {  	v8 =	vld [tilespmem:s7+$0xFFFFFEA0];
	[tilespmem:s6+$0x1A0] =	vst v0;
	v0 =	vsub.f32 v7, v2  }
0x209: {  	[tilespmem:s6+$0x80] =	vst v5;
	v7 =	vld [tilespmem:s6+$0x1B0];
	v2 =	vsub.f32 v3, v6  }
0x20a: {  	v5 =	vld [tilespmem:s7+$0x1B0];
	[tilespmem:s6+$0xFFFFFE00] =	vst v0  }
0x20b: {  	v1 =	vsub.f32 v11, v1;
	[tilespmem:s6+$0x100] =	vst v2;
	v2 =	vld [tilespmem:s6+$0xFFFFFE10]  }
0x20c: {  	v3 =	vld [tilespmem:s7+$0xFFFFFE10]  }
0x20d: {  	[tilespmem:s6+$0xFFFFFF10] =	vst v1;
	v1 =	vsub.f32 v13, v9;
	v6 =	vld [tilespmem:s7+$0x110]  }
0x20e: {  	v4 =	vsub.f32 v60, v4;
	v0 =	vld [tilespmem:s7+$0x90]  }
0x20f: {  	v9 =	vld [tilespmem:s7+$0xFFFFFF20];
	[tilespmem:s6+$0x10] =	vst v1  }
0x210: {  	[tilespmem:s6+$0xFFFFFF90] =	vst v4;
	v4 =	vld [tilespmem:s7+$0x20]  }
0x211: {  	v2 =	vsub.f32 v2, v3;
	v3 =	vld [tilespmem:s6+$0x90]  }
0x212: {  	v1 =	vsub.f32 v10, v6;
	v10 =	vld [tilespmem:s6+$0xFFFFFF20]  }
0x213: {  	[tilespmem:s6+$0xFFFFFE10] =	vst v2;
	v2 =	vld [tilespmem:s6+$0xFFFFFE20]  }
0x214: {  	v11 =	vld [tilespmem:s7+$0xFFFFFE20]  }
0x215: {  	v5 =	vsub.f32 v7, v5;
	[tilespmem:s6+$0x110] =	vst v1;
	v1 =	vld [tilespmem:s6+$0xFFFFFEA0]  }
0x216: {  	v7 =	vld [tilespmem:s6+$0x30]  }
0x217: {  	[tilespmem:s6+$0x1B0] =	vst v5;
	v5 =	vld [tilespmem:s6+$0xB0]  }
0x218: {  	v6 =	vld [tilespmem:s7+$0x120]  }
0x219: {  	v0 =	vsub.f32 v3, v0;
	v3 =	vld [tilespmem:s7+$0xFFFFFFA0];
	v2 =	vsub.f32 v2, v11  }
0x21a: {  	v1 =	vsub.f32 v1, v8;
	v8 =	vsub.f32 v10, v9;
	v9 =	vld [tilespmem:s6+$0xFFFFFF30]  }
0x21b: {  	[tilespmem:s6+$0xFFFFFE20] =	vst v2;
	v2 =	vld [tilespmem:s6+$0x120]  }
0x21c: {  	[tilespmem:s6+$0x90] =	vst v0;
	v11 =	vld [tilespmem:s6+$0x20]  }
0x21d: {  	v0 =	vld [tilespmem:s7+$0xA0];
	[tilespmem:s6+$0xFFFFFEA0] =	vst v1  }
0x21e: {  	[tilespmem:s6+$0xFFFFFF20] =	vst v8;
	v8 =	vld [tilespmem:s6+$0xFFFFFFB0]  }
0x21f: {  	v1 =	vsub.f32 v61, v3;
	v14 =	vld [tilespmem:s7+$0xFFFFFEB0]  }
0x220: {  	v10 =	vld [tilespmem:s7+$0xFFFFFE30];
	v6 =	vsub.f32 v2, v6  }
0x221: {  	[tilespmem:s6+$0xFFFFFFA0] =	vst v1;
	v3 =	vsub.f32 v11, v4;
	v4 =	vld [tilespmem:s7+$0xFFFFFF30]  }
0x222: {  	v0 =	vsub.f32 v62, v0;
	[tilespmem:s6+$0x120] =	vst v6;
	v6 =	vld [tilespmem:s6+$0xFFFFFEB0]  }
0x223: {  	v1 =	vld [tilespmem:s7+$0xFFFFFFB0];
	[tilespmem:s6+$0x20] =	vst v3  }
0x224: {  	[tilespmem:s6+$0xA0] =	vst v0;
	v2 =	vld [tilespmem:s7+$0x30]  }
0x225: {  	v3 =	vld [tilespmem:s7+$0xB0];
	v10 =	vsub.f32 v63, v10  }
0x226: {  	v0 =	vld [tilespmem:s7+$0x130]  }
0x227: {  	s8 =	simm.s32 $0x0;
	s9 =	simm.s32 $0x4A00;
	[tilespmem:s6+$0xFFFFFE30] =	vst v10;
	v10 =	vsub.f32 v6, v14;
	v6 =	vld [tilespmem:s6+$0x130]  }
.LBB2_8:
0x228: {  	v11 =	vld [tilespmem:s9+$0x180];
	v4 =	vsub.f32 v9, v4;
	s7 =	sadd.s32 $0x400, s7  }
0x229: {  	s8 =	sadd.s32 $0x8, s8;
	v9 =	vld [tilespmem:s7+$0x180];
	[tilespmem:s6+$0xFFFFFEB0] =	vst v10;
	v1 =	vsub.f32 v8, v1  }
0x22a: {  	p0 =	slt.u32 s8, $0x78;
	v8 =	vld [tilespmem:s7+$0xFFFFFE00];
	[tilespmem:s6+$0xFFFFFF30] =	vst v4;
	v2 =	vsub.f32 v7, v2  }
0x22b: {  	v4 =	vld [tilespmem:s9+$0xFFFFFE80];
	[tilespmem:s6+$0xFFFFFFB0] =	vst v1;
	v1 =	vsub.f32 v5, v3  }
0x22c: {  	v3 =	vld [tilespmem:s7+$0xFFFFFE80];
	[tilespmem:s6+$0x30] =	vst v2;
	v0 =	vsub.f32 v6, v0  }
0x22d: {  	v2 =	vld [tilespmem:s9+$0xFFFFFF00];
	[tilespmem:s6+$0xB0] =	vst v1  }
0x22e: {  	v1 =	vld [tilespmem:s7+$0xFFFFFF00];
	v5 =	vsub.f32 v11, v9;
	[tilespmem:s6+$0x130] =	vst v0;
	s6 =	smov.u32 s9  }
0x22f: {  	v0 =	vld [tilespmem:s9+$0xFFFFFF80]  }
0x230: {  	[tilespmem:s9+$0x180] =	vst v5;
	v5 =	vld [tilespmem:s9+$0x190]  }
0x231: {  	v3 =	vsub.f32 v4, v3;
	v4 =	vld [tilespmem:s7+$0x190]  }
0x232: {  	v6 =	vld [tilespmem:s7+$0xFFFFFF80]  }
0x233: {  	[tilespmem:s9+$0xFFFFFE80] =	vst v3;
	v1 =	vsub.f32 v2, v1;
	v2 =	vld [tilespmem:s9+$0x0]  }
0x234: {  	v3 =	vld [tilespmem:s7+$0x0]  }
0x235: {  	[tilespmem:s9+$0xFFFFFF00] =	vst v1;
	v1 =	vld [tilespmem:s9+$0x80]  }
0x236: {  	v7 =	vld [tilespmem:s7+$0x80];
	v4 =	vsub.f32 v5, v4  }
0x237: {  	v0 =	vsub.f32 v0, v6;
	v5 =	vld [tilespmem:s9+$0x100]  }
0x238: {  	[tilespmem:s9+$0x190] =	vst v4;
	v4 =	vld [tilespmem:s9+$0x1A0]  }
0x239: {  	[tilespmem:s9+$0xFFFFFF80] =	vst v0;
	v0 =	vsub.f32 v2, v3;
	v2 =	vld [tilespmem:s7+$0x1A0]  }
0x23a: {  	v3 =	vld [tilespmem:s7+$0x100]  }
0x23b: {  	v6 =	vld [tilespmem:s9+$0xFFFFFE00];
	[tilespmem:s9+$0x0] =	vst v0;
	v0 =	vsub.f32 v1, v7  }
0x23c: {  	v1 =	vld [tilespmem:s7+$0xFFFFFE90]  }
0x23d: {  	v7 =	vld [tilespmem:s7+$0xFFFFFF10];
	[tilespmem:s9+$0x80] =	vst v0  }
0x23e: {  	v0 =	vld [tilespmem:s7+$0xFFFFFF90];
	v2 =	vsub.f32 v4, v2  }
0x23f: {  	v4 =	vld [tilespmem:s7+$0x10];
	v3 =	vsub.f32 v5, v3  }
0x240: {  	v5 =	vsub.f32 v6, v8;
	[tilespmem:s9+$0x1A0] =	vst v2;
	v2 =	vld [tilespmem:s9+$0x1B0]  }
0x241: {  	[tilespmem:s9+$0x100] =	vst v3;
	v3 =	vld [tilespmem:s7+$0x1B0]  }
0x242: {  	[tilespmem:s9+$0xFFFFFE00] =	vst v5;
	v5 =	vld [tilespmem:s7+$0x90]  }
0x243: {  	v6 =	vld [tilespmem:s7+$0xFFFFFE10]  }
0x244: {  	v8 =	vld [tilespmem:s7+$0x110]  }
0x245: {  	v9 =	vld [tilespmem:s9+$0xFFFFFE10]  }
0x246: {  	v10 =	vld [tilespmem:s9+$0xFFFFFE90];
	v2 =	vsub.f32 v2, v3  }
0x247: {  	v3 =	vld [tilespmem:s9+$0xFFFFFF10]  }
0x248: {  	v11 =	vld [tilespmem:s9+$0xFFFFFF90];
	[tilespmem:s9+$0x1B0] =	vst v2  }
0x249: {  	v2 =	vld [tilespmem:s9+$0x10]  }
0x24a: {  	v6 =	vsub.f32 v9, v6;
	v9 =	vld [tilespmem:s9+$0x90]  }
0x24b: {  	v1 =	vsub.f32 v10, v1;
	v10 =	vld [tilespmem:s9+$0x110]  }
0x24c: {  	[tilespmem:s9+$0xFFFFFE10] =	vst v6;
	v6 =	vld [tilespmem:s9+$0xFFFFFE20];
	v3 =	vsub.f32 v3, v7  }
0x24d: {  	v7 =	vld [tilespmem:s7+$0xFFFFFE20];
	[tilespmem:s9+$0xFFFFFE90] =	vst v1;
	v0 =	vsub.f32 v11, v0  }
0x24e: {  	v1 =	vld [tilespmem:s7+$0xFFFFFEA0];
	[tilespmem:s9+$0xFFFFFF10] =	vst v3;
	v2 =	vsub.f32 v2, v4  }
0x24f: {  	v3 =	vld [tilespmem:s7+$0xFFFFFF20];
	[tilespmem:s9+$0xFFFFFF90] =	vst v0;
	v0 =	vsub.f32 v9, v5  }
0x250: {  	v4 =	vld [tilespmem:s7+$0xFFFFFFA0];
	[tilespmem:s9+$0x10] =	vst v2;
	v2 =	vsub.f32 v10, v8  }
0x251: {  	v5 =	vld [tilespmem:s7+$0x20];
	[tilespmem:s9+$0x90] =	vst v0  }
0x252: {  	v0 =	vsub.f32 v6, v7;
	v6 =	vld [tilespmem:s7+$0xA0];
	[tilespmem:s9+$0x110] =	vst v2  }
0x253: {  	v2 =	vld [tilespmem:s7+$0x120]  }
0x254: {  	[tilespmem:s9+$0xFFFFFE20] =	vst v0;
	v0 =	vld [tilespmem:s9+$0xFFFFFEA0]  }
0x255: {  	v7 =	vld [tilespmem:s9+$0xFFFFFF20]  }
0x256: {  	v8 =	vld [tilespmem:s9+$0xFFFFFFA0]  }
0x257: {  	v9 =	vld [tilespmem:s9+$0x20]  }
0x258: {  	v10 =	vld [tilespmem:s9+$0xA0]  }
0x259: {  	v0 =	vsub.f32 v0, v1;
	v11 =	vld [tilespmem:s9+$0x120]  }
0x25a: {  	v12 =	vld [tilespmem:s7+$0xFFFFFE30];
	v1 =	vsub.f32 v7, v3  }
0x25b: {  	v3 =	vld [tilespmem:s9+$0xFFFFFE30];
	[tilespmem:s9+$0xFFFFFEA0] =	vst v0;
	v0 =	vsub.f32 v8, v4  }
0x25c: {  	v13 =	vld [tilespmem:s7+$0xFFFFFEB0];
	[tilespmem:s9+$0xFFFFFF20] =	vst v1;
	v5 =	vsub.f32 v9, v5  }
0x25d: {  	v4 =	vld [tilespmem:s7+$0xFFFFFF30];
	[tilespmem:s9+$0xFFFFFFA0] =	vst v0;
	v0 =	vsub.f32 v10, v6  }
0x25e: {  	v1 =	vld [tilespmem:s7+$0xFFFFFFB0];
	[tilespmem:s9+$0x20] =	vst v5;
	v5 =	vsub.f32 v11, v2  }
0x25f: {  	v2 =	vld [tilespmem:s7+$0x30];
	[tilespmem:s9+$0xA0] =	vst v0  }
0x260: {  	v6 =	vsub.f32 v3, v12;
	v3 =	vld [tilespmem:s7+$0xB0];
	[tilespmem:s9+$0x120] =	vst v5  }
0x261: {  	v0 =	vld [tilespmem:s7+$0x130]  }
0x262: {  	[tilespmem:s9+$0xFFFFFE30] =	vst v6;
	v6 =	vld [tilespmem:s9+$0xFFFFFEB0]  }
.Ltmp3:
0x263: {  	v9 =	vld [tilespmem:s9+$0xFFFFFF30];
	(pc) =	sbr.rel @p0 .LBB2_8-.Ltmp3, $4  }
0x264: {  	v8 =	vld [tilespmem:s9+$0xFFFFFFB0]  }
0x265: {  	v7 =	vld [tilespmem:s9+$0x30]  }
0x266: {  	v5 =	vld [tilespmem:s9+$0xB0]  }
0x267: {  	s9 =	sadd.s32 $0x400, s9;
	v10 =	vsub.f32 v6, v13;
	v6 =	vld [tilespmem:s6+$0x130]  }
0x268: {  	v4 =	vsub.f32 v9, v4  }
0x269: {  	[tilespmem:s6+$0xFFFFFEB0] =	vst v10;
	v1 =	vsub.f32 v8, v1  }
0x26a: {  	[tilespmem:s6+$0xFFFFFF30] =	vst v4;
	v2 =	vsub.f32 v7, v2  }
0x26b: {  	[tilespmem:s6+$0xFFFFFFB0] =	vst v1;
	v1 =	vsub.f32 v5, v3  }
0x26c: {  	[tilespmem:s6+$0x30] =	vst v2;
	v0 =	vsub.f32 v6, v0  }
0x26d: {  	[tilespmem:s6+$0xB0] =	vst v1  }
0x26e: {  	[tilespmem:s6+$0x130] =	vst v0  }
0x26f: {  	[hbm4b:s13+s3] =	stream.linear.scatter [tilespmem:s26], [sflag:$0x6], $0x4000, $0x38;
	[tilespmem:$0x10400] =	vst v63  }
0x270: {  	_ =	swait.ge [sflag:s4], $0x4000  }
0x271: {  	[sflag:s4] =	ssyncset.done $0x0  }
0x272: {  	[sflag:s4] =	ssyncadd.s32 $0xFFFFC000  }
0x273: {  	[tilespmem:s26], [sflag:$0x2] =	stream.linear.gather [hbm4b:s14+s3], $0x4000, $0x38;
	[tilespmem:$0x10400] =	vst v63  }
0x274: {  	s9 =	simm.s32 $0x280  }
0x275: {  	[tilespmem:s28], [sflag:$0x4] =	stream.indirect.gather [hbm4b:s1+s24], $0x80, s9, s24, $0xb8;
	[tilespmem:$0x10400] =	vst v63  }
0x276: {  	_ =	swait.ge [sflag:s29], $0x4000  }
0x277: {  	[sflag:s29] =	ssyncset.done $0x0  }
0x278: {  	[sflag:s29] =	ssyncadd.s32 $0xFFFFC000  }
0x279: {  	_ =	swait.ge [sflag:s30], $0x4000  }
0x27a: {  	[sflag:s30] =	ssyncset.done $0x0  }
0x27b: {  	s6 =	simm.s32 $0x600;
	[sflag:s30] =	ssyncadd.s32 $0xFFFFC000  }
0x27c: {  	s7 =	simm.s32 $0x8600;
	v0 =	vld [tilespmem:s6+$0x180]  }
0x27d: {  	v1 =	vld [tilespmem:s7+$0x180]  }
0x27e: {  	v2 =	vld [tilespmem:s7+$0xFFFFFE00]  }
0x27f: {  	v3 =	vld [tilespmem:s6+$0xFFFFFE80]  }
0x280: {  	v4 =	vld [tilespmem:s6+$0xFFFFFF00]  }
0x281: {  	v6 =	vld [tilespmem:s7+$0xFFFFFF00]  }
0x282: {  	v7 =	vld [tilespmem:s6+$0xFFFFFF80]  }
0x283: {  	v8 =	vld [tilespmem:s7+$0xFFFFFF80]  }
0x284: {  	v9 =	vld [tilespmem:s6+$0x0]  }
0x285: {  	v10 =	vld [tilespmem:s7+$0x0]  }
0x286: {  	v11 =	vld [tilespmem:s7+$0x80]  }
0x287: {  	v60 =	vld [tilespmem:s6+$0xFFFFFF90]  }
0x288: {  	v13 =	vld [tilespmem:s6+$0x10]  }
0x289: {  	v61 =	vld [tilespmem:s6+$0xFFFFFFA0]  }
0x28a: {  	v62 =	vld [tilespmem:s6+$0xA0];
	v0 =	vsub.f32 v0, v1  }
0x28b: {  	v1 =	vld [tilespmem:s7+$0xFFFFFE80]  }
0x28c: {  	[tilespmem:s6+$0x180] =	vst v0;
	v0 =	vld [tilespmem:s6+$0x190]  }
0x28d: {  	v5 =	vld [tilespmem:s7+$0x190]  }
0x28e: {  	v63 =	vld [tilespmem:s6+$0xFFFFFE30];
	v4 =	vsub.f32 v4, v6  }
0x28f: {  	v6 =	vld [tilespmem:s7+$0x100]  }
0x290: {  	[tilespmem:s6+$0xFFFFFF00] =	vst v4;
	v4 =	vsub.f32 v9, v10;
	v10 =	vld [tilespmem:s6+$0xFFFFFE90];
	v1 =	vsub.f32 v3, v1  }
0x291: {  	v3 =	vld [tilespmem:s6+$0x100]  }
0x292: {  	[tilespmem:s6+$0xFFFFFE80] =	vst v1;
	v0 =	vsub.f32 v0, v5;
	v5 =	vld [tilespmem:s6+$0x80]  }
0x293: {  	v1 =	vsub.f32 v7, v8;
	v8 =	vld [tilespmem:s7+$0xFFFFFE90]  }
0x294: {  	[tilespmem:s6+$0x190] =	vst v0;
	v0 =	vld [tilespmem:s6+$0x1A0]  }
0x295: {  	[tilespmem:s6+$0x0] =	vst v4;
	v12 =	vld [tilespmem:s7+$0x1A0]  }
0x296: {  	v9 =	vld [tilespmem:s7+$0x10]  }
0x297: {  	v7 =	vld [tilespmem:s6+$0xFFFFFE00]  }
0x298: {  	[tilespmem:s6+$0xFFFFFF80] =	vst v1;
	v1 =	vld [tilespmem:s7+$0xFFFFFF10]  }
0x299: {  	v4 =	vld [tilespmem:s7+$0xFFFFFF90];
	v8 =	vsub.f32 v10, v8  }
0x29a: {  	v5 =	vsub.f32 v5, v11;
	v11 =	vld [tilespmem:s6+$0xFFFFFF10];
	v0 =	vsub.f32 v0, v12  }
0x29b: {  	v10 =	vld [tilespmem:s6+$0x110];
	[tilespmem:s6+$0xFFFFFE90] =	vst v8  }
0x29c: {  	v8 =	vld [tilespmem:s7+$0xFFFFFEA0];
	[tilespmem:s6+$0x1A0] =	vst v0;
	v0 =	vsub.f32 v7, v2  }
0x29d: {  	[tilespmem:s6+$0x80] =	vst v5;
	v7 =	vld [tilespmem:s6+$0x1B0];
	v2 =	vsub.f32 v3, v6  }
0x29e: {  	v5 =	vld [tilespmem:s7+$0x1B0];
	[tilespmem:s6+$0xFFFFFE00] =	vst v0  }
0x29f: {  	v1 =	vsub.f32 v11, v1;
	[tilespmem:s6+$0x100] =	vst v2;
	v2 =	vld [tilespmem:s6+$0xFFFFFE10]  }
0x2a0: {  	v3 =	vld [tilespmem:s7+$0xFFFFFE10]  }
0x2a1: {  	[tilespmem:s6+$0xFFFFFF10] =	vst v1;
	v1 =	vsub.f32 v13, v9;
	v6 =	vld [tilespmem:s7+$0x110]  }
0x2a2: {  	v4 =	vsub.f32 v60, v4;
	v0 =	vld [tilespmem:s7+$0x90]  }
0x2a3: {  	v9 =	vld [tilespmem:s7+$0xFFFFFF20];
	[tilespmem:s6+$0x10] =	vst v1  }
0x2a4: {  	[tilespmem:s6+$0xFFFFFF90] =	vst v4;
	v4 =	vld [tilespmem:s7+$0x20]  }
0x2a5: {  	v2 =	vsub.f32 v2, v3;
	v3 =	vld [tilespmem:s6+$0x90]  }
0x2a6: {  	v1 =	vsub.f32 v10, v6;
	v10 =	vld [tilespmem:s6+$0xFFFFFF20]  }
0x2a7: {  	[tilespmem:s6+$0xFFFFFE10] =	vst v2;
	v2 =	vld [tilespmem:s6+$0xFFFFFE20]  }
0x2a8: {  	v11 =	vld [tilespmem:s7+$0xFFFFFE20]  }
0x2a9: {  	v5 =	vsub.f32 v7, v5;
	[tilespmem:s6+$0x110] =	vst v1;
	v1 =	vld [tilespmem:s6+$0xFFFFFEA0]  }
0x2aa: {  	v7 =	vld [tilespmem:s6+$0x30]  }
0x2ab: {  	[tilespmem:s6+$0x1B0] =	vst v5;
	v5 =	vld [tilespmem:s6+$0xB0]  }
0x2ac: {  	v6 =	vld [tilespmem:s7+$0x120]  }
0x2ad: {  	v0 =	vsub.f32 v3, v0;
	v3 =	vld [tilespmem:s7+$0xFFFFFFA0];
	v2 =	vsub.f32 v2, v11  }
0x2ae: {  	v1 =	vsub.f32 v1, v8;
	v8 =	vsub.f32 v10, v9;
	v9 =	vld [tilespmem:s6+$0xFFFFFF30]  }
0x2af: {  	[tilespmem:s6+$0xFFFFFE20] =	vst v2;
	v2 =	vld [tilespmem:s6+$0x120]  }
0x2b0: {  	[tilespmem:s6+$0x90] =	vst v0;
	v11 =	vld [tilespmem:s6+$0x20]  }
0x2b1: {  	v0 =	vld [tilespmem:s7+$0xA0];
	[tilespmem:s6+$0xFFFFFEA0] =	vst v1  }
0x2b2: {  	[tilespmem:s6+$0xFFFFFF20] =	vst v8;
	v8 =	vld [tilespmem:s6+$0xFFFFFFB0]  }
0x2b3: {  	v1 =	vsub.f32 v61, v3;
	v14 =	vld [tilespmem:s7+$0xFFFFFEB0]  }
0x2b4: {  	v10 =	vld [tilespmem:s7+$0xFFFFFE30];
	v6 =	vsub.f32 v2, v6  }
0x2b5: {  	[tilespmem:s6+$0xFFFFFFA0] =	vst v1;
	v3 =	vsub.f32 v11, v4;
	v4 =	vld [tilespmem:s7+$0xFFFFFF30]  }
0x2b6: {  	v0 =	vsub.f32 v62, v0;
	[tilespmem:s6+$0x120] =	vst v6;
	v6 =	vld [tilespmem:s6+$0xFFFFFEB0]  }
0x2b7: {  	v1 =	vld [tilespmem:s7+$0xFFFFFFB0];
	[tilespmem:s6+$0x20] =	vst v3  }
0x2b8: {  	[tilespmem:s6+$0xA0] =	vst v0;
	v2 =	vld [tilespmem:s7+$0x30]  }
0x2b9: {  	v3 =	vld [tilespmem:s7+$0xB0];
	v10 =	vsub.f32 v63, v10  }
0x2ba: {  	v0 =	vld [tilespmem:s7+$0x130]  }
0x2bb: {  	s8 =	simm.s32 $0x0;
	s9 =	simm.s32 $0xA00;
	[tilespmem:s6+$0xFFFFFE30] =	vst v10;
	v10 =	vsub.f32 v6, v14;
	v6 =	vld [tilespmem:s6+$0x130]  }
.LBB2_10:
0x2bc: {  	v11 =	vld [tilespmem:s9+$0x180];
	v4 =	vsub.f32 v9, v4;
	s7 =	sadd.s32 $0x400, s7  }
0x2bd: {  	s8 =	sadd.s32 $0x8, s8;
	v9 =	vld [tilespmem:s7+$0x180];
	[tilespmem:s6+$0xFFFFFEB0] =	vst v10;
	v1 =	vsub.f32 v8, v1  }
0x2be: {  	p0 =	slt.u32 s8, $0x78;
	v8 =	vld [tilespmem:s7+$0xFFFFFE00];
	[tilespmem:s6+$0xFFFFFF30] =	vst v4;
	v2 =	vsub.f32 v7, v2  }
0x2bf: {  	v4 =	vld [tilespmem:s9+$0xFFFFFE80];
	[tilespmem:s6+$0xFFFFFFB0] =	vst v1;
	v1 =	vsub.f32 v5, v3  }
0x2c0: {  	v3 =	vld [tilespmem:s7+$0xFFFFFE80];
	[tilespmem:s6+$0x30] =	vst v2;
	v0 =	vsub.f32 v6, v0  }
0x2c1: {  	v2 =	vld [tilespmem:s9+$0xFFFFFF00];
	[tilespmem:s6+$0xB0] =	vst v1  }
0x2c2: {  	v1 =	vld [tilespmem:s7+$0xFFFFFF00];
	v5 =	vsub.f32 v11, v9;
	[tilespmem:s6+$0x130] =	vst v0;
	s6 =	smov.u32 s9  }
0x2c3: {  	v0 =	vld [tilespmem:s9+$0xFFFFFF80]  }
0x2c4: {  	[tilespmem:s9+$0x180] =	vst v5;
	v5 =	vld [tilespmem:s9+$0x190]  }
0x2c5: {  	v3 =	vsub.f32 v4, v3;
	v4 =	vld [tilespmem:s7+$0x190]  }
0x2c6: {  	v6 =	vld [tilespmem:s7+$0xFFFFFF80]  }
0x2c7: {  	[tilespmem:s9+$0xFFFFFE80] =	vst v3;
	v1 =	vsub.f32 v2, v1;
	v2 =	vld [tilespmem:s9+$0x0]  }
0x2c8: {  	v3 =	vld [tilespmem:s7+$0x0]  }
0x2c9: {  	[tilespmem:s9+$0xFFFFFF00] =	vst v1;
	v1 =	vld [tilespmem:s9+$0x80]  }
0x2ca: {  	v7 =	vld [tilespmem:s7+$0x80];
	v4 =	vsub.f32 v5, v4  }
0x2cb: {  	v0 =	vsub.f32 v0, v6;
	v5 =	vld [tilespmem:s9+$0x100]  }
0x2cc: {  	[tilespmem:s9+$0x190] =	vst v4;
	v4 =	vld [tilespmem:s9+$0x1A0]  }
0x2cd: {  	[tilespmem:s9+$0xFFFFFF80] =	vst v0;
	v0 =	vsub.f32 v2, v3;
	v2 =	vld [tilespmem:s7+$0x1A0]  }
0x2ce: {  	v3 =	vld [tilespmem:s7+$0x100]  }
0x2cf: {  	v6 =	vld [tilespmem:s9+$0xFFFFFE00];
	[tilespmem:s9+$0x0] =	vst v0;
	v0 =	vsub.f32 v1, v7  }
0x2d0: {  	v1 =	vld [tilespmem:s7+$0xFFFFFE90]  }
0x2d1: {  	v7 =	vld [tilespmem:s7+$0xFFFFFF10];
	[tilespmem:s9+$0x80] =	vst v0  }
0x2d2: {  	v0 =	vld [tilespmem:s7+$0xFFFFFF90];
	v2 =	vsub.f32 v4, v2  }
0x2d3: {  	v4 =	vld [tilespmem:s7+$0x10];
	v3 =	vsub.f32 v5, v3  }
0x2d4: {  	v5 =	vsub.f32 v6, v8;
	[tilespmem:s9+$0x1A0] =	vst v2;
	v2 =	vld [tilespmem:s9+$0x1B0]  }
0x2d5: {  	[tilespmem:s9+$0x100] =	vst v3;
	v3 =	vld [tilespmem:s7+$0x1B0]  }
0x2d6: {  	[tilespmem:s9+$0xFFFFFE00] =	vst v5;
	v5 =	vld [tilespmem:s7+$0x90]  }
0x2d7: {  	v6 =	vld [tilespmem:s7+$0xFFFFFE10]  }
0x2d8: {  	v8 =	vld [tilespmem:s7+$0x110]  }
0x2d9: {  	v9 =	vld [tilespmem:s9+$0xFFFFFE10]  }
0x2da: {  	v10 =	vld [tilespmem:s9+$0xFFFFFE90];
	v2 =	vsub.f32 v2, v3  }
0x2db: {  	v3 =	vld [tilespmem:s9+$0xFFFFFF10]  }
0x2dc: {  	v11 =	vld [tilespmem:s9+$0xFFFFFF90];
	[tilespmem:s9+$0x1B0] =	vst v2  }
0x2dd: {  	v2 =	vld [tilespmem:s9+$0x10]  }
0x2de: {  	v6 =	vsub.f32 v9, v6;
	v9 =	vld [tilespmem:s9+$0x90]  }
0x2df: {  	v1 =	vsub.f32 v10, v1;
	v10 =	vld [tilespmem:s9+$0x110]  }
0x2e0: {  	[tilespmem:s9+$0xFFFFFE10] =	vst v6;
	v6 =	vld [tilespmem:s9+$0xFFFFFE20];
	v3 =	vsub.f32 v3, v7  }
0x2e1: {  	v7 =	vld [tilespmem:s7+$0xFFFFFE20];
	[tilespmem:s9+$0xFFFFFE90] =	vst v1;
	v0 =	vsub.f32 v11, v0  }
0x2e2: {  	v1 =	vld [tilespmem:s7+$0xFFFFFEA0];
	[tilespmem:s9+$0xFFFFFF10] =	vst v3;
	v2 =	vsub.f32 v2, v4  }
0x2e3: {  	v3 =	vld [tilespmem:s7+$0xFFFFFF20];
	[tilespmem:s9+$0xFFFFFF90] =	vst v0;
	v0 =	vsub.f32 v9, v5  }
0x2e4: {  	v4 =	vld [tilespmem:s7+$0xFFFFFFA0];
	[tilespmem:s9+$0x10] =	vst v2;
	v2 =	vsub.f32 v10, v8  }
0x2e5: {  	v5 =	vld [tilespmem:s7+$0x20];
	[tilespmem:s9+$0x90] =	vst v0  }
0x2e6: {  	v0 =	vsub.f32 v6, v7;
	v6 =	vld [tilespmem:s7+$0xA0];
	[tilespmem:s9+$0x110] =	vst v2  }
0x2e7: {  	v2 =	vld [tilespmem:s7+$0x120]  }
0x2e8: {  	[tilespmem:s9+$0xFFFFFE20] =	vst v0;
	v0 =	vld [tilespmem:s9+$0xFFFFFEA0]  }
0x2e9: {  	v7 =	vld [tilespmem:s9+$0xFFFFFF20]  }
0x2ea: {  	v8 =	vld [tilespmem:s9+$0xFFFFFFA0]  }
0x2eb: {  	v9 =	vld [tilespmem:s9+$0x20]  }
0x2ec: {  	v10 =	vld [tilespmem:s9+$0xA0]  }
0x2ed: {  	v0 =	vsub.f32 v0, v1;
	v11 =	vld [tilespmem:s9+$0x120]  }
0x2ee: {  	v12 =	vld [tilespmem:s7+$0xFFFFFE30];
	v1 =	vsub.f32 v7, v3  }
0x2ef: {  	v3 =	vld [tilespmem:s9+$0xFFFFFE30];
	[tilespmem:s9+$0xFFFFFEA0] =	vst v0;
	v0 =	vsub.f32 v8, v4  }
0x2f0: {  	v13 =	vld [tilespmem:s7+$0xFFFFFEB0];
	[tilespmem:s9+$0xFFFFFF20] =	vst v1;
	v5 =	vsub.f32 v9, v5  }
0x2f1: {  	v4 =	vld [tilespmem:s7+$0xFFFFFF30];
	[tilespmem:s9+$0xFFFFFFA0] =	vst v0;
	v0 =	vsub.f32 v10, v6  }
0x2f2: {  	v1 =	vld [tilespmem:s7+$0xFFFFFFB0];
	[tilespmem:s9+$0x20] =	vst v5;
	v5 =	vsub.f32 v11, v2  }
0x2f3: {  	v2 =	vld [tilespmem:s7+$0x30];
	[tilespmem:s9+$0xA0] =	vst v0  }
0x2f4: {  	v6 =	vsub.f32 v3, v12;
	v3 =	vld [tilespmem:s7+$0xB0];
	[tilespmem:s9+$0x120] =	vst v5  }
0x2f5: {  	v0 =	vld [tilespmem:s7+$0x130]  }
0x2f6: {  	[tilespmem:s9+$0xFFFFFE30] =	vst v6;
	v6 =	vld [tilespmem:s9+$0xFFFFFEB0]  }
.Ltmp4:
0x2f7: {  	v9 =	vld [tilespmem:s9+$0xFFFFFF30];
	(pc) =	sbr.rel @p0 .LBB2_10-.Ltmp4, $4  }
0x2f8: {  	v8 =	vld [tilespmem:s9+$0xFFFFFFB0]  }
0x2f9: {  	v7 =	vld [tilespmem:s9+$0x30]  }
0x2fa: {  	v5 =	vld [tilespmem:s9+$0xB0]  }
0x2fb: {  	s9 =	sadd.s32 $0x400, s9;
	v10 =	vsub.f32 v6, v13;
	v6 =	vld [tilespmem:s6+$0x130]  }
0x2fc: {  	v4 =	vsub.f32 v9, v4  }
0x2fd: {  	[tilespmem:s6+$0xFFFFFEB0] =	vst v10;
	v1 =	vsub.f32 v8, v1  }
0x2fe: {  	[tilespmem:s6+$0xFFFFFF30] =	vst v4;
	v2 =	vsub.f32 v7, v2  }
0x2ff: {  	[tilespmem:s6+$0xFFFFFFB0] =	vst v1;
	v1 =	vsub.f32 v5, v3  }
0x300: {  	[tilespmem:s6+$0x30] =	vst v2;
	v0 =	vsub.f32 v6, v0  }
0x301: {  	[tilespmem:s6+$0xB0] =	vst v1  }
0x302: {  	[tilespmem:s6+$0x130] =	vst v0  }
0x303: {  	[hbm4b:s15+s3] =	stream.linear.scatter [tilespmem:s23], [sflag:$0x5], $0x4000, $0x38;
	[tilespmem:$0x10400] =	vst v63  }
0x304: {  	_ =	swait.ge [sflag:s31], $0x4000  }
0x305: {  	[sflag:s31] =	ssyncset.done $0x0  }
0x306: {  	[sflag:s31] =	ssyncadd.s32 $0xFFFFC000  }
0x307: {  	[tilespmem:s23], [sflag:$0x1] =	stream.linear.gather [hbm4b:s16+s3], $0x4000, $0x38;
	[tilespmem:$0x10400] =	vst v63  }
0x308: {  	s9 =	simm.s32 $0x300  }
0x309: {  	[tilespmem:s25], [sflag:$0x3] =	stream.indirect.gather [hbm4b:s1+s24], $0x80, s9, s24, $0xb8;
	[tilespmem:$0x10400] =	vst v63  }
0x30a: {  	_ =	swait.ge [sflag:s2], $0x4000  }
0x30b: {  	[sflag:s2] =	ssyncset.done $0x0  }
0x30c: {  	[sflag:s2] =	ssyncadd.s32 $0xFFFFC000  }
0x30d: {  	_ =	swait.ge [sflag:s0], $0x4000  }
0x30e: {  	[sflag:s0] =	ssyncset.done $0x0  }
0x30f: {  	s6 =	simm.s32 $0x4600;
	[sflag:s0] =	ssyncadd.s32 $0xFFFFC000  }
0x310: {  	s7 =	simm.s32 $0xC600;
	v0 =	vld [tilespmem:s6+$0x180]  }
0x311: {  	v1 =	vld [tilespmem:s7+$0x180]  }
0x312: {  	v2 =	vld [tilespmem:s7+$0xFFFFFE00]  }
0x313: {  	v3 =	vld [tilespmem:s6+$0xFFFFFE80]  }
0x314: {  	v4 =	vld [tilespmem:s6+$0xFFFFFF00]  }
0x315: {  	v6 =	vld [tilespmem:s7+$0xFFFFFF00]  }
0x316: {  	v7 =	vld [tilespmem:s6+$0xFFFFFF80]  }
0x317: {  	v8 =	vld [tilespmem:s7+$0xFFFFFF80]  }
0x318: {  	v9 =	vld [tilespmem:s6+$0x0]  }
0x319: {  	v10 =	vld [tilespmem:s7+$0x0]  }
0x31a: {  	v11 =	vld [tilespmem:s7+$0x80]  }
0x31b: {  	v60 =	vld [tilespmem:s6+$0xFFFFFF90]  }
0x31c: {  	v13 =	vld [tilespmem:s6+$0x10]  }
0x31d: {  	v61 =	vld [tilespmem:s6+$0xFFFFFFA0]  }
0x31e: {  	v62 =	vld [tilespmem:s6+$0xA0];
	v0 =	vsub.f32 v0, v1  }
0x31f: {  	v1 =	vld [tilespmem:s7+$0xFFFFFE80]  }
0x320: {  	[tilespmem:s6+$0x180] =	vst v0;
	v0 =	vld [tilespmem:s6+$0x190]  }
0x321: {  	v5 =	vld [tilespmem:s7+$0x190]  }
0x322: {  	v63 =	vld [tilespmem:s6+$0xFFFFFE30];
	v4 =	vsub.f32 v4, v6  }
0x323: {  	v6 =	vld [tilespmem:s7+$0x100]  }
0x324: {  	[tilespmem:s6+$0xFFFFFF00] =	vst v4;
	v4 =	vsub.f32 v9, v10;
	v10 =	vld [tilespmem:s6+$0xFFFFFE90];
	v1 =	vsub.f32 v3, v1  }
0x325: {  	v3 =	vld [tilespmem:s6+$0x100]  }
0x326: {  	[tilespmem:s6+$0xFFFFFE80] =	vst v1;
	v0 =	vsub.f32 v0, v5;
	v5 =	vld [tilespmem:s6+$0x80]  }
0x327: {  	v1 =	vsub.f32 v7, v8;
	v8 =	vld [tilespmem:s7+$0xFFFFFE90]  }
0x328: {  	[tilespmem:s6+$0x190] =	vst v0;
	v0 =	vld [tilespmem:s6+$0x1A0]  }
0x329: {  	[tilespmem:s6+$0x0] =	vst v4;
	v12 =	vld [tilespmem:s7+$0x1A0]  }
0x32a: {  	v9 =	vld [tilespmem:s7+$0x10]  }
0x32b: {  	v7 =	vld [tilespmem:s6+$0xFFFFFE00]  }
0x32c: {  	[tilespmem:s6+$0xFFFFFF80] =	vst v1;
	v1 =	vld [tilespmem:s7+$0xFFFFFF10]  }
0x32d: {  	v4 =	vld [tilespmem:s7+$0xFFFFFF90];
	v8 =	vsub.f32 v10, v8  }
0x32e: {  	v5 =	vsub.f32 v5, v11;
	v11 =	vld [tilespmem:s6+$0xFFFFFF10];
	v0 =	vsub.f32 v0, v12  }
0x32f: {  	v10 =	vld [tilespmem:s6+$0x110];
	[tilespmem:s6+$0xFFFFFE90] =	vst v8  }
0x330: {  	v8 =	vld [tilespmem:s7+$0xFFFFFEA0];
	[tilespmem:s6+$0x1A0] =	vst v0;
	v0 =	vsub.f32 v7, v2  }
0x331: {  	[tilespmem:s6+$0x80] =	vst v5;
	v7 =	vld [tilespmem:s6+$0x1B0];
	v2 =	vsub.f32 v3, v6  }
0x332: {  	v5 =	vld [tilespmem:s7+$0x1B0];
	[tilespmem:s6+$0xFFFFFE00] =	vst v0  }
0x333: {  	v1 =	vsub.f32 v11, v1;
	[tilespmem:s6+$0x100] =	vst v2;
	v2 =	vld [tilespmem:s6+$0xFFFFFE10]  }
0x334: {  	v3 =	vld [tilespmem:s7+$0xFFFFFE10]  }
0x335: {  	[tilespmem:s6+$0xFFFFFF10] =	vst v1;
	v1 =	vsub.f32 v13, v9;
	v6 =	vld [tilespmem:s7+$0x110]  }
0x336: {  	v4 =	vsub.f32 v60, v4;
	v0 =	vld [tilespmem:s7+$0x90]  }
0x337: {  	v9 =	vld [tilespmem:s7+$0xFFFFFF20];
	[tilespmem:s6+$0x10] =	vst v1  }
0x338: {  	[tilespmem:s6+$0xFFFFFF90] =	vst v4;
	v4 =	vld [tilespmem:s7+$0x20]  }
0x339: {  	v2 =	vsub.f32 v2, v3;
	v3 =	vld [tilespmem:s6+$0x90]  }
0x33a: {  	v1 =	vsub.f32 v10, v6;
	v10 =	vld [tilespmem:s6+$0xFFFFFF20]  }
0x33b: {  	[tilespmem:s6+$0xFFFFFE10] =	vst v2;
	v2 =	vld [tilespmem:s6+$0xFFFFFE20]  }
0x33c: {  	v11 =	vld [tilespmem:s7+$0xFFFFFE20]  }
0x33d: {  	v5 =	vsub.f32 v7, v5;
	[tilespmem:s6+$0x110] =	vst v1;
	v1 =	vld [tilespmem:s6+$0xFFFFFEA0]  }
0x33e: {  	v7 =	vld [tilespmem:s6+$0x30]  }
0x33f: {  	[tilespmem:s6+$0x1B0] =	vst v5;
	v5 =	vld [tilespmem:s6+$0xB0]  }
0x340: {  	v6 =	vld [tilespmem:s7+$0x120]  }
0x341: {  	v0 =	vsub.f32 v3, v0;
	v3 =	vld [tilespmem:s7+$0xFFFFFFA0];
	v2 =	vsub.f32 v2, v11  }
0x342: {  	v1 =	vsub.f32 v1, v8;
	v8 =	vsub.f32 v10, v9;
	v9 =	vld [tilespmem:s6+$0xFFFFFF30]  }
0x343: {  	[tilespmem:s6+$0xFFFFFE20] =	vst v2;
	v2 =	vld [tilespmem:s6+$0x120]  }
0x344: {  	[tilespmem:s6+$0x90] =	vst v0;
	v11 =	vld [tilespmem:s6+$0x20]  }
0x345: {  	v0 =	vld [tilespmem:s7+$0xA0];
	[tilespmem:s6+$0xFFFFFEA0] =	vst v1  }
0x346: {  	[tilespmem:s6+$0xFFFFFF20] =	vst v8;
	v8 =	vld [tilespmem:s6+$0xFFFFFFB0]  }
0x347: {  	v1 =	vsub.f32 v61, v3;
	v14 =	vld [tilespmem:s7+$0xFFFFFEB0]  }
0x348: {  	v10 =	vld [tilespmem:s7+$0xFFFFFE30];
	v6 =	vsub.f32 v2, v6  }
0x349: {  	[tilespmem:s6+$0xFFFFFFA0] =	vst v1;
	v3 =	vsub.f32 v11, v4;
	v4 =	vld [tilespmem:s7+$0xFFFFFF30]  }
0x34a: {  	v0 =	vsub.f32 v62, v0;
	[tilespmem:s6+$0x120] =	vst v6;
	v6 =	vld [tilespmem:s6+$0xFFFFFEB0]  }
0x34b: {  	v1 =	vld [tilespmem:s7+$0xFFFFFFB0];
	[tilespmem:s6+$0x20] =	vst v3  }
0x34c: {  	[tilespmem:s6+$0xA0] =	vst v0;
	v2 =	vld [tilespmem:s7+$0x30]  }
0x34d: {  	v3 =	vld [tilespmem:s7+$0xB0];
	v10 =	vsub.f32 v63, v10  }
0x34e: {  	v0 =	vld [tilespmem:s7+$0x130]  }
0x34f: {  	s8 =	simm.s32 $0x0;
	s9 =	simm.s32 $0x4A00;
	[tilespmem:s6+$0xFFFFFE30] =	vst v10;
	v10 =	vsub.f32 v6, v14;
	v6 =	vld [tilespmem:s6+$0x130]  }
.LBB2_12:
0x350: {  	v11 =	vld [tilespmem:s9+$0x180];
	v4 =	vsub.f32 v9, v4;
	s7 =	sadd.s32 $0x400, s7  }
0x351: {  	s8 =	sadd.s32 $0x8, s8;
	v9 =	vld [tilespmem:s7+$0x180];
	[tilespmem:s6+$0xFFFFFEB0] =	vst v10;
	v1 =	vsub.f32 v8, v1  }
0x352: {  	p0 =	slt.u32 s8, $0x78;
	v8 =	vld [tilespmem:s7+$0xFFFFFE00];
	[tilespmem:s6+$0xFFFFFF30] =	vst v4;
	v2 =	vsub.f32 v7, v2  }
0x353: {  	v4 =	vld [tilespmem:s9+$0xFFFFFE80];
	[tilespmem:s6+$0xFFFFFFB0] =	vst v1;
	v1 =	vsub.f32 v5, v3  }
0x354: {  	v3 =	vld [tilespmem:s7+$0xFFFFFE80];
	[tilespmem:s6+$0x30] =	vst v2;
	v0 =	vsub.f32 v6, v0  }
0x355: {  	v2 =	vld [tilespmem:s9+$0xFFFFFF00];
	[tilespmem:s6+$0xB0] =	vst v1  }
0x356: {  	v1 =	vld [tilespmem:s7+$0xFFFFFF00];
	v5 =	vsub.f32 v11, v9;
	[tilespmem:s6+$0x130] =	vst v0;
	s6 =	smov.u32 s9  }
0x357: {  	v0 =	vld [tilespmem:s9+$0xFFFFFF80]  }
0x358: {  	[tilespmem:s9+$0x180] =	vst v5;
	v5 =	vld [tilespmem:s9+$0x190]  }
0x359: {  	v3 =	vsub.f32 v4, v3;
	v4 =	vld [tilespmem:s7+$0x190]  }
0x35a: {  	v6 =	vld [tilespmem:s7+$0xFFFFFF80]  }
0x35b: {  	[tilespmem:s9+$0xFFFFFE80] =	vst v3;
	v1 =	vsub.f32 v2, v1;
	v2 =	vld [tilespmem:s9+$0x0]  }
0x35c: {  	v3 =	vld [tilespmem:s7+$0x0]  }
0x35d: {  	[tilespmem:s9+$0xFFFFFF00] =	vst v1;
	v1 =	vld [tilespmem:s9+$0x80]  }
0x35e: {  	v7 =	vld [tilespmem:s7+$0x80];
	v4 =	vsub.f32 v5, v4  }
0x35f: {  	v0 =	vsub.f32 v0, v6;
	v5 =	vld [tilespmem:s9+$0x100]  }
0x360: {  	[tilespmem:s9+$0x190] =	vst v4;
	v4 =	vld [tilespmem:s9+$0x1A0]  }
0x361: {  	[tilespmem:s9+$0xFFFFFF80] =	vst v0;
	v0 =	vsub.f32 v2, v3;
	v2 =	vld [tilespmem:s7+$0x1A0]  }
0x362: {  	v3 =	vld [tilespmem:s7+$0x100]  }
0x363: {  	v6 =	vld [tilespmem:s9+$0xFFFFFE00];
	[tilespmem:s9+$0x0] =	vst v0;
	v0 =	vsub.f32 v1, v7  }
0x364: {  	v1 =	vld [tilespmem:s7+$0xFFFFFE90]  }
0x365: {  	v7 =	vld [tilespmem:s7+$0xFFFFFF10];
	[tilespmem:s9+$0x80] =	vst v0  }
0x366: {  	v0 =	vld [tilespmem:s7+$0xFFFFFF90];
	v2 =	vsub.f32 v4, v2  }
0x367: {  	v4 =	vld [tilespmem:s7+$0x10];
	v3 =	vsub.f32 v5, v3  }
0x368: {  	v5 =	vsub.f32 v6, v8;
	[tilespmem:s9+$0x1A0] =	vst v2;
	v2 =	vld [tilespmem:s9+$0x1B0]  }
0x369: {  	[tilespmem:s9+$0x100] =	vst v3;
	v3 =	vld [tilespmem:s7+$0x1B0]  }
0x36a: {  	[tilespmem:s9+$0xFFFFFE00] =	vst v5;
	v5 =	vld [tilespmem:s7+$0x90]  }
0x36b: {  	v6 =	vld [tilespmem:s7+$0xFFFFFE10]  }
0x36c: {  	v8 =	vld [tilespmem:s7+$0x110]  }
0x36d: {  	v9 =	vld [tilespmem:s9+$0xFFFFFE10]  }
0x36e: {  	v10 =	vld [tilespmem:s9+$0xFFFFFE90];
	v2 =	vsub.f32 v2, v3  }
0x36f: {  	v3 =	vld [tilespmem:s9+$0xFFFFFF10]  }
0x370: {  	v11 =	vld [tilespmem:s9+$0xFFFFFF90];
	[tilespmem:s9+$0x1B0] =	vst v2  }
0x371: {  	v2 =	vld [tilespmem:s9+$0x10]  }
0x372: {  	v6 =	vsub.f32 v9, v6;
	v9 =	vld [tilespmem:s9+$0x90]  }
0x373: {  	v1 =	vsub.f32 v10, v1;
	v10 =	vld [tilespmem:s9+$0x110]  }
0x374: {  	[tilespmem:s9+$0xFFFFFE10] =	vst v6;
	v6 =	vld [tilespmem:s9+$0xFFFFFE20];
	v3 =	vsub.f32 v3, v7  }
0x375: {  	v7 =	vld [tilespmem:s7+$0xFFFFFE20];
	[tilespmem:s9+$0xFFFFFE90] =	vst v1;
	v0 =	vsub.f32 v11, v0  }
0x376: {  	v1 =	vld [tilespmem:s7+$0xFFFFFEA0];
	[tilespmem:s9+$0xFFFFFF10] =	vst v3;
	v2 =	vsub.f32 v2, v4  }
0x377: {  	v3 =	vld [tilespmem:s7+$0xFFFFFF20];
	[tilespmem:s9+$0xFFFFFF90] =	vst v0;
	v0 =	vsub.f32 v9, v5  }
0x378: {  	v4 =	vld [tilespmem:s7+$0xFFFFFFA0];
	[tilespmem:s9+$0x10] =	vst v2;
	v2 =	vsub.f32 v10, v8  }
0x379: {  	v5 =	vld [tilespmem:s7+$0x20];
	[tilespmem:s9+$0x90] =	vst v0  }
0x37a: {  	v0 =	vsub.f32 v6, v7;
	v6 =	vld [tilespmem:s7+$0xA0];
	[tilespmem:s9+$0x110] =	vst v2  }
0x37b: {  	v2 =	vld [tilespmem:s7+$0x120]  }
0x37c: {  	[tilespmem:s9+$0xFFFFFE20] =	vst v0;
	v0 =	vld [tilespmem:s9+$0xFFFFFEA0]  }
0x37d: {  	v7 =	vld [tilespmem:s9+$0xFFFFFF20]  }
0x37e: {  	v8 =	vld [tilespmem:s9+$0xFFFFFFA0]  }
0x37f: {  	v9 =	vld [tilespmem:s9+$0x20]  }
0x380: {  	v10 =	vld [tilespmem:s9+$0xA0]  }
0x381: {  	v0 =	vsub.f32 v0, v1;
	v11 =	vld [tilespmem:s9+$0x120]  }
0x382: {  	v12 =	vld [tilespmem:s7+$0xFFFFFE30];
	v1 =	vsub.f32 v7, v3  }
0x383: {  	v3 =	vld [tilespmem:s9+$0xFFFFFE30];
	[tilespmem:s9+$0xFFFFFEA0] =	vst v0;
	v0 =	vsub.f32 v8, v4  }
0x384: {  	v13 =	vld [tilespmem:s7+$0xFFFFFEB0];
	[tilespmem:s9+$0xFFFFFF20] =	vst v1;
	v5 =	vsub.f32 v9, v5  }
0x385: {  	v4 =	vld [tilespmem:s7+$0xFFFFFF30];
	[tilespmem:s9+$0xFFFFFFA0] =	vst v0;
	v0 =	vsub.f32 v10, v6  }
0x386: {  	v1 =	vld [tilespmem:s7+$0xFFFFFFB0];
	[tilespmem:s9+$0x20] =	vst v5;
	v5 =	vsub.f32 v11, v2  }
0x387: {  	v2 =	vld [tilespmem:s7+$0x30];
	[tilespmem:s9+$0xA0] =	vst v0  }
0x388: {  	v6 =	vsub.f32 v3, v12;
	v3 =	vld [tilespmem:s7+$0xB0];
	[tilespmem:s9+$0x120] =	vst v5  }
0x389: {  	v0 =	vld [tilespmem:s7+$0x130]  }
0x38a: {  	[tilespmem:s9+$0xFFFFFE30] =	vst v6;
	v6 =	vld [tilespmem:s9+$0xFFFFFEB0]  }
.Ltmp5:
0x38b: {  	v9 =	vld [tilespmem:s9+$0xFFFFFF30];
	(pc) =	sbr.rel @p0 .LBB2_12-.Ltmp5, $4  }
0x38c: {  	v8 =	vld [tilespmem:s9+$0xFFFFFFB0]  }
0x38d: {  	v7 =	vld [tilespmem:s9+$0x30]  }
0x38e: {  	v5 =	vld [tilespmem:s9+$0xB0]  }
0x38f: {  	s9 =	sadd.s32 $0x400, s9;
	v10 =	vsub.f32 v6, v13;
	v6 =	vld [tilespmem:s6+$0x130]  }
0x390: {  	v4 =	vsub.f32 v9, v4  }
0x391: {  	[tilespmem:s6+$0xFFFFFEB0] =	vst v10;
	v1 =	vsub.f32 v8, v1  }
0x392: {  	[tilespmem:s6+$0xFFFFFF30] =	vst v4;
	v2 =	vsub.f32 v7, v2  }
0x393: {  	[tilespmem:s6+$0xFFFFFFB0] =	vst v1;
	v1 =	vsub.f32 v5, v3  }
0x394: {  	[tilespmem:s6+$0x30] =	vst v2;
	v0 =	vsub.f32 v6, v0  }
0x395: {  	[tilespmem:s6+$0xB0] =	vst v1  }
0x396: {  	[tilespmem:s6+$0x130] =	vst v0  }
0x397: {  	[hbm4b:s17+s3] =	stream.linear.scatter [tilespmem:s26], [sflag:$0x6], $0x4000, $0x38;
	[tilespmem:$0x10400] =	vst v63  }
0x398: {  	_ =	swait.ge [sflag:s4], $0x4000  }
0x399: {  	[sflag:s4] =	ssyncset.done $0x0  }
0x39a: {  	[sflag:s4] =	ssyncadd.s32 $0xFFFFC000  }
0x39b: {  	[tilespmem:s26], [sflag:$0x2] =	stream.linear.gather [hbm4b:s18+s3], $0x4000, $0x38;
	[tilespmem:$0x10400] =	vst v63  }
0x39c: {  	s9 =	simm.s32 $0x380  }
0x39d: {  	[tilespmem:s28], [sflag:$0x4] =	stream.indirect.gather [hbm4b:s1+s24], $0x80, s9, s24, $0xb8;
	[tilespmem:$0x10400] =	vst v63  }
0x39e: {  	_ =	swait.ge [sflag:s29], $0x4000  }
0x39f: {  	[sflag:s29] =	ssyncset.done $0x0  }
0x3a0: {  	[sflag:s29] =	ssyncadd.s32 $0xFFFFC000  }
0x3a1: {  	_ =	swait.ge [sflag:s30], $0x4000  }
0x3a2: {  	[sflag:s30] =	ssyncset.done $0x0  }
0x3a3: {  	s6 =	simm.s32 $0x600;
	[sflag:s30] =	ssyncadd.s32 $0xFFFFC000  }
0x3a4: {  	s7 =	simm.s32 $0x8600;
	v0 =	vld [tilespmem:s6+$0x180]  }
0x3a5: {  	v1 =	vld [tilespmem:s7+$0x180]  }
0x3a6: {  	v2 =	vld [tilespmem:s7+$0xFFFFFE00]  }
0x3a7: {  	v3 =	vld [tilespmem:s6+$0xFFFFFE80]  }
0x3a8: {  	v4 =	vld [tilespmem:s6+$0xFFFFFF00]  }
0x3a9: {  	v6 =	vld [tilespmem:s7+$0xFFFFFF00]  }
0x3aa: {  	v7 =	vld [tilespmem:s6+$0xFFFFFF80]  }
0x3ab: {  	v8 =	vld [tilespmem:s7+$0xFFFFFF80]  }
0x3ac: {  	v9 =	vld [tilespmem:s6+$0x0]  }
0x3ad: {  	v10 =	vld [tilespmem:s7+$0x0]  }
0x3ae: {  	v11 =	vld [tilespmem:s7+$0x80]  }
0x3af: {  	v60 =	vld [tilespmem:s6+$0xFFFFFF90]  }
0x3b0: {  	v13 =	vld [tilespmem:s6+$0x10]  }
0x3b1: {  	v61 =	vld [tilespmem:s6+$0xFFFFFFA0]  }
0x3b2: {  	v62 =	vld [tilespmem:s6+$0xA0];
	v0 =	vsub.f32 v0, v1  }
0x3b3: {  	v1 =	vld [tilespmem:s7+$0xFFFFFE80]  }
0x3b4: {  	[tilespmem:s6+$0x180] =	vst v0;
	v0 =	vld [tilespmem:s6+$0x190]  }
0x3b5: {  	v5 =	vld [tilespmem:s7+$0x190]  }
0x3b6: {  	v63 =	vld [tilespmem:s6+$0xFFFFFE30];
	v4 =	vsub.f32 v4, v6  }
0x3b7: {  	v6 =	vld [tilespmem:s7+$0x100]  }
0x3b8: {  	[tilespmem:s6+$0xFFFFFF00] =	vst v4;
	v4 =	vsub.f32 v9, v10;
	v10 =	vld [tilespmem:s6+$0xFFFFFE90];
	v1 =	vsub.f32 v3, v1  }
0x3b9: {  	v3 =	vld [tilespmem:s6+$0x100]  }
0x3ba: {  	[tilespmem:s6+$0xFFFFFE80] =	vst v1;
	v0 =	vsub.f32 v0, v5;
	v5 =	vld [tilespmem:s6+$0x80]  }
0x3bb: {  	v1 =	vsub.f32 v7, v8;
	v8 =	vld [tilespmem:s7+$0xFFFFFE90]  }
0x3bc: {  	[tilespmem:s6+$0x190] =	vst v0;
	v0 =	vld [tilespmem:s6+$0x1A0]  }
0x3bd: {  	[tilespmem:s6+$0x0] =	vst v4;
	v12 =	vld [tilespmem:s7+$0x1A0]  }
0x3be: {  	v9 =	vld [tilespmem:s7+$0x10]  }
0x3bf: {  	v7 =	vld [tilespmem:s6+$0xFFFFFE00]  }
0x3c0: {  	[tilespmem:s6+$0xFFFFFF80] =	vst v1;
	v1 =	vld [tilespmem:s7+$0xFFFFFF10]  }
0x3c1: {  	v4 =	vld [tilespmem:s7+$0xFFFFFF90];
	v8 =	vsub.f32 v10, v8  }
0x3c2: {  	v5 =	vsub.f32 v5, v11;
	v11 =	vld [tilespmem:s6+$0xFFFFFF10];
	v0 =	vsub.f32 v0, v12  }
0x3c3: {  	v10 =	vld [tilespmem:s6+$0x110];
	[tilespmem:s6+$0xFFFFFE90] =	vst v8  }
0x3c4: {  	v8 =	vld [tilespmem:s7+$0xFFFFFEA0];
	[tilespmem:s6+$0x1A0] =	vst v0;
	v0 =	vsub.f32 v7, v2  }
0x3c5: {  	[tilespmem:s6+$0x80] =	vst v5;
	v7 =	vld [tilespmem:s6+$0x1B0];
	v2 =	vsub.f32 v3, v6  }
0x3c6: {  	v5 =	vld [tilespmem:s7+$0x1B0];
	[tilespmem:s6+$0xFFFFFE00] =	vst v0  }
0x3c7: {  	v1 =	vsub.f32 v11, v1;
	[tilespmem:s6+$0x100] =	vst v2;
	v2 =	vld [tilespmem:s6+$0xFFFFFE10]  }
0x3c8: {  	v3 =	vld [tilespmem:s7+$0xFFFFFE10]  }
0x3c9: {  	[tilespmem:s6+$0xFFFFFF10] =	vst v1;
	v1 =	vsub.f32 v13, v9;
	v6 =	vld [tilespmem:s7+$0x110]  }
0x3ca: {  	v4 =	vsub.f32 v60, v4;
	v0 =	vld [tilespmem:s7+$0x90]  }
0x3cb: {  	v9 =	vld [tilespmem:s7+$0xFFFFFF20];
	[tilespmem:s6+$0x10] =	vst v1  }
0x3cc: {  	[tilespmem:s6+$0xFFFFFF90] =	vst v4;
	v4 =	vld [tilespmem:s7+$0x20]  }
0x3cd: {  	v2 =	vsub.f32 v2, v3;
	v3 =	vld [tilespmem:s6+$0x90]  }
0x3ce: {  	v1 =	vsub.f32 v10, v6;
	v10 =	vld [tilespmem:s6+$0xFFFFFF20]  }
0x3cf: {  	[tilespmem:s6+$0xFFFFFE10] =	vst v2;
	v2 =	vld [tilespmem:s6+$0xFFFFFE20]  }
0x3d0: {  	v11 =	vld [tilespmem:s7+$0xFFFFFE20]  }
0x3d1: {  	v5 =	vsub.f32 v7, v5;
	[tilespmem:s6+$0x110] =	vst v1;
	v1 =	vld [tilespmem:s6+$0xFFFFFEA0]  }
0x3d2: {  	v7 =	vld [tilespmem:s6+$0x30]  }
0x3d3: {  	[tilespmem:s6+$0x1B0] =	vst v5;
	v5 =	vld [tilespmem:s6+$0xB0]  }
0x3d4: {  	v6 =	vld [tilespmem:s7+$0x120]  }
0x3d5: {  	v0 =	vsub.f32 v3, v0;
	v3 =	vld [tilespmem:s7+$0xFFFFFFA0];
	v2 =	vsub.f32 v2, v11  }
0x3d6: {  	v1 =	vsub.f32 v1, v8;
	v8 =	vsub.f32 v10, v9;
	v9 =	vld [tilespmem:s6+$0xFFFFFF30]  }
0x3d7: {  	[tilespmem:s6+$0xFFFFFE20] =	vst v2;
	v2 =	vld [tilespmem:s6+$0x120]  }
0x3d8: {  	[tilespmem:s6+$0x90] =	vst v0;
	v11 =	vld [tilespmem:s6+$0x20]  }
0x3d9: {  	v0 =	vld [tilespmem:s7+$0xA0];
	[tilespmem:s6+$0xFFFFFEA0] =	vst v1  }
0x3da: {  	[tilespmem:s6+$0xFFFFFF20] =	vst v8;
	v8 =	vld [tilespmem:s6+$0xFFFFFFB0]  }
0x3db: {  	v1 =	vsub.f32 v61, v3;
	v14 =	vld [tilespmem:s7+$0xFFFFFEB0]  }
0x3dc: {  	v10 =	vld [tilespmem:s7+$0xFFFFFE30];
	v6 =	vsub.f32 v2, v6  }
0x3dd: {  	[tilespmem:s6+$0xFFFFFFA0] =	vst v1;
	v3 =	vsub.f32 v11, v4;
	v4 =	vld [tilespmem:s7+$0xFFFFFF30]  }
0x3de: {  	v0 =	vsub.f32 v62, v0;
	[tilespmem:s6+$0x120] =	vst v6;
	v6 =	vld [tilespmem:s6+$0xFFFFFEB0]  }
0x3df: {  	v1 =	vld [tilespmem:s7+$0xFFFFFFB0];
	[tilespmem:s6+$0x20] =	vst v3  }
0x3e0: {  	[tilespmem:s6+$0xA0] =	vst v0;
	v2 =	vld [tilespmem:s7+$0x30]  }
0x3e1: {  	v3 =	vld [tilespmem:s7+$0xB0];
	v10 =	vsub.f32 v63, v10  }
0x3e2: {  	v0 =	vld [tilespmem:s7+$0x130]  }
0x3e3: {  	s8 =	simm.s32 $0x0;
	s9 =	simm.s32 $0xA00;
	[tilespmem:s6+$0xFFFFFE30] =	vst v10;
	v10 =	vsub.f32 v6, v14;
	v6 =	vld [tilespmem:s6+$0x130]  }
.LBB2_14:
0x3e4: {  	v11 =	vld [tilespmem:s9+$0x180];
	v4 =	vsub.f32 v9, v4;
	s7 =	sadd.s32 $0x400, s7  }
0x3e5: {  	s8 =	sadd.s32 $0x8, s8;
	v9 =	vld [tilespmem:s7+$0x180];
	[tilespmem:s6+$0xFFFFFEB0] =	vst v10;
	v1 =	vsub.f32 v8, v1  }
0x3e6: {  	p0 =	slt.u32 s8, $0x78;
	v8 =	vld [tilespmem:s7+$0xFFFFFE00];
	[tilespmem:s6+$0xFFFFFF30] =	vst v4;
	v2 =	vsub.f32 v7, v2  }
0x3e7: {  	v4 =	vld [tilespmem:s9+$0xFFFFFE80];
	[tilespmem:s6+$0xFFFFFFB0] =	vst v1;
	v1 =	vsub.f32 v5, v3  }
0x3e8: {  	v3 =	vld [tilespmem:s7+$0xFFFFFE80];
	[tilespmem:s6+$0x30] =	vst v2;
	v0 =	vsub.f32 v6, v0  }
0x3e9: {  	v2 =	vld [tilespmem:s9+$0xFFFFFF00];
	[tilespmem:s6+$0xB0] =	vst v1  }
0x3ea: {  	v1 =	vld [tilespmem:s7+$0xFFFFFF00];
	v5 =	vsub.f32 v11, v9;
	[tilespmem:s6+$0x130] =	vst v0;
	s6 =	smov.u32 s9  }
0x3eb: {  	v0 =	vld [tilespmem:s9+$0xFFFFFF80]  }
0x3ec: {  	[tilespmem:s9+$0x180] =	vst v5;
	v5 =	vld [tilespmem:s9+$0x190]  }
0x3ed: {  	v3 =	vsub.f32 v4, v3;
	v4 =	vld [tilespmem:s7+$0x190]  }
0x3ee: {  	v6 =	vld [tilespmem:s7+$0xFFFFFF80]  }
0x3ef: {  	[tilespmem:s9+$0xFFFFFE80] =	vst v3;
	v1 =	vsub.f32 v2, v1;
	v2 =	vld [tilespmem:s9+$0x0]  }
0x3f0: {  	v3 =	vld [tilespmem:s7+$0x0]  }
0x3f1: {  	[tilespmem:s9+$0xFFFFFF00] =	vst v1;
	v1 =	vld [tilespmem:s9+$0x80]  }
0x3f2: {  	v7 =	vld [tilespmem:s7+$0x80];
	v4 =	vsub.f32 v5, v4  }
0x3f3: {  	v0 =	vsub.f32 v0, v6;
	v5 =	vld [tilespmem:s9+$0x100]  }
0x3f4: {  	[tilespmem:s9+$0x190] =	vst v4;
	v4 =	vld [tilespmem:s9+$0x1A0]  }
0x3f5: {  	[tilespmem:s9+$0xFFFFFF80] =	vst v0;
	v0 =	vsub.f32 v2, v3;
	v2 =	vld [tilespmem:s7+$0x1A0]  }
0x3f6: {  	v3 =	vld [tilespmem:s7+$0x100]  }
0x3f7: {  	v6 =	vld [tilespmem:s9+$0xFFFFFE00];
	[tilespmem:s9+$0x0] =	vst v0;
	v0 =	vsub.f32 v1, v7  }
0x3f8: {  	v1 =	vld [tilespmem:s7+$0xFFFFFE90]  }
0x3f9: {  	v7 =	vld [tilespmem:s7+$0xFFFFFF10];
	[tilespmem:s9+$0x80] =	vst v0  }
0x3fa: {  	v0 =	vld [tilespmem:s7+$0xFFFFFF90];
	v2 =	vsub.f32 v4, v2  }
0x3fb: {  	v4 =	vld [tilespmem:s7+$0x10];
	v3 =	vsub.f32 v5, v3  }
0x3fc: {  	v5 =	vsub.f32 v6, v8;
	[tilespmem:s9+$0x1A0] =	vst v2;
	v2 =	vld [tilespmem:s9+$0x1B0]  }
0x3fd: {  	[tilespmem:s9+$0x100] =	vst v3;
	v3 =	vld [tilespmem:s7+$0x1B0]  }
0x3fe: {  	[tilespmem:s9+$0xFFFFFE00] =	vst v5;
	v5 =	vld [tilespmem:s7+$0x90]  }
0x3ff: {  	v6 =	vld [tilespmem:s7+$0xFFFFFE10]  }
0x400: {  	v8 =	vld [tilespmem:s7+$0x110]  }
0x401: {  	v9 =	vld [tilespmem:s9+$0xFFFFFE10]  }
0x402: {  	v10 =	vld [tilespmem:s9+$0xFFFFFE90];
	v2 =	vsub.f32 v2, v3  }
0x403: {  	v3 =	vld [tilespmem:s9+$0xFFFFFF10]  }
0x404: {  	v11 =	vld [tilespmem:s9+$0xFFFFFF90];
	[tilespmem:s9+$0x1B0] =	vst v2  }
0x405: {  	v2 =	vld [tilespmem:s9+$0x10]  }
0x406: {  	v6 =	vsub.f32 v9, v6;
	v9 =	vld [tilespmem:s9+$0x90]  }
0x407: {  	v1 =	vsub.f32 v10, v1;
	v10 =	vld [tilespmem:s9+$0x110]  }
0x408: {  	[tilespmem:s9+$0xFFFFFE10] =	vst v6;
	v6 =	vld [tilespmem:s9+$0xFFFFFE20];
	v3 =	vsub.f32 v3, v7  }
0x409: {  	v7 =	vld [tilespmem:s7+$0xFFFFFE20];
	[tilespmem:s9+$0xFFFFFE90] =	vst v1;
	v0 =	vsub.f32 v11, v0  }
0x40a: {  	v1 =	vld [tilespmem:s7+$0xFFFFFEA0];
	[tilespmem:s9+$0xFFFFFF10] =	vst v3;
	v2 =	vsub.f32 v2, v4  }
0x40b: {  	v3 =	vld [tilespmem:s7+$0xFFFFFF20];
	[tilespmem:s9+$0xFFFFFF90] =	vst v0;
	v0 =	vsub.f32 v9, v5  }
0x40c: {  	v4 =	vld [tilespmem:s7+$0xFFFFFFA0];
	[tilespmem:s9+$0x10] =	vst v2;
	v2 =	vsub.f32 v10, v8  }
0x40d: {  	v5 =	vld [tilespmem:s7+$0x20];
	[tilespmem:s9+$0x90] =	vst v0  }
0x40e: {  	v0 =	vsub.f32 v6, v7;
	v6 =	vld [tilespmem:s7+$0xA0];
	[tilespmem:s9+$0x110] =	vst v2  }
0x40f: {  	v2 =	vld [tilespmem:s7+$0x120]  }
0x410: {  	[tilespmem:s9+$0xFFFFFE20] =	vst v0;
	v0 =	vld [tilespmem:s9+$0xFFFFFEA0]  }
0x411: {  	v7 =	vld [tilespmem:s9+$0xFFFFFF20]  }
0x412: {  	v8 =	vld [tilespmem:s9+$0xFFFFFFA0]  }
0x413: {  	v9 =	vld [tilespmem:s9+$0x20]  }
0x414: {  	v10 =	vld [tilespmem:s9+$0xA0]  }
0x415: {  	v0 =	vsub.f32 v0, v1;
	v11 =	vld [tilespmem:s9+$0x120]  }
0x416: {  	v12 =	vld [tilespmem:s7+$0xFFFFFE30];
	v1 =	vsub.f32 v7, v3  }
0x417: {  	v3 =	vld [tilespmem:s9+$0xFFFFFE30];
	[tilespmem:s9+$0xFFFFFEA0] =	vst v0;
	v0 =	vsub.f32 v8, v4  }
0x418: {  	v13 =	vld [tilespmem:s7+$0xFFFFFEB0];
	[tilespmem:s9+$0xFFFFFF20] =	vst v1;
	v5 =	vsub.f32 v9, v5  }
0x419: {  	v4 =	vld [tilespmem:s7+$0xFFFFFF30];
	[tilespmem:s9+$0xFFFFFFA0] =	vst v0;
	v0 =	vsub.f32 v10, v6  }
0x41a: {  	v1 =	vld [tilespmem:s7+$0xFFFFFFB0];
	[tilespmem:s9+$0x20] =	vst v5;
	v5 =	vsub.f32 v11, v2  }
0x41b: {  	v2 =	vld [tilespmem:s7+$0x30];
	[tilespmem:s9+$0xA0] =	vst v0  }
0x41c: {  	v6 =	vsub.f32 v3, v12;
	v3 =	vld [tilespmem:s7+$0xB0];
	[tilespmem:s9+$0x120] =	vst v5  }
0x41d: {  	v0 =	vld [tilespmem:s7+$0x130]  }
0x41e: {  	[tilespmem:s9+$0xFFFFFE30] =	vst v6;
	v6 =	vld [tilespmem:s9+$0xFFFFFEB0]  }
.Ltmp6:
0x41f: {  	v9 =	vld [tilespmem:s9+$0xFFFFFF30];
	(pc) =	sbr.rel @p0 .LBB2_14-.Ltmp6, $4  }
0x420: {  	v8 =	vld [tilespmem:s9+$0xFFFFFFB0]  }
0x421: {  	v7 =	vld [tilespmem:s9+$0x30]  }
0x422: {  	v5 =	vld [tilespmem:s9+$0xB0]  }
0x423: {  	s9 =	sadd.s32 $0x400, s9;
	v10 =	vsub.f32 v6, v13;
	v6 =	vld [tilespmem:s6+$0x130]  }
0x424: {  	v4 =	vsub.f32 v9, v4  }
0x425: {  	[tilespmem:s6+$0xFFFFFEB0] =	vst v10;
	v1 =	vsub.f32 v8, v1  }
0x426: {  	[tilespmem:s6+$0xFFFFFF30] =	vst v4;
	v2 =	vsub.f32 v7, v2  }
0x427: {  	[tilespmem:s6+$0xFFFFFFB0] =	vst v1;
	v1 =	vsub.f32 v5, v3  }
0x428: {  	[tilespmem:s6+$0x30] =	vst v2;
	v0 =	vsub.f32 v6, v0  }
0x429: {  	[tilespmem:s6+$0xB0] =	vst v1  }
0x42a: {  	[tilespmem:s6+$0x130] =	vst v0  }
0x42b: {  	[hbm4b:s19+s3] =	stream.linear.scatter [tilespmem:s23], [sflag:$0x5], $0x4000, $0x38;
	[tilespmem:$0x10400] =	vst v63  }
0x42c: {  	_ =	swait.ge [sflag:s2], $0x4000  }
0x42d: {  	[sflag:s2] =	ssyncset.done $0x0  }
0x42e: {  	[sflag:s2] =	ssyncadd.s32 $0xFFFFC000  }
0x42f: {  	_ =	swait.ge [sflag:s0], $0x4000  }
0x430: {  	[sflag:s0] =	ssyncset.done $0x0  }
0x431: {  	s6 =	simm.s32 $0x4600;
	[sflag:s0] =	ssyncadd.s32 $0xFFFFC000  }
0x432: {  	s7 =	simm.s32 $0xC600;
	v0 =	vld [tilespmem:s6+$0x180]  }
0x433: {  	v1 =	vld [tilespmem:s7+$0x180]  }
0x434: {  	v2 =	vld [tilespmem:s7+$0xFFFFFE00]  }
0x435: {  	v3 =	vld [tilespmem:s6+$0xFFFFFE80]  }
0x436: {  	v4 =	vld [tilespmem:s6+$0xFFFFFF00]  }
0x437: {  	v6 =	vld [tilespmem:s7+$0xFFFFFF00]  }
0x438: {  	v7 =	vld [tilespmem:s6+$0xFFFFFF80]  }
0x439: {  	v8 =	vld [tilespmem:s7+$0xFFFFFF80]  }
0x43a: {  	v9 =	vld [tilespmem:s6+$0x0]  }
0x43b: {  	v10 =	vld [tilespmem:s7+$0x0]  }
0x43c: {  	v11 =	vld [tilespmem:s7+$0x80]  }
0x43d: {  	v60 =	vld [tilespmem:s6+$0xFFFFFF90]  }
0x43e: {  	v13 =	vld [tilespmem:s6+$0x10]  }
0x43f: {  	v61 =	vld [tilespmem:s6+$0xFFFFFFA0]  }
0x440: {  	v62 =	vld [tilespmem:s6+$0xA0];
	v0 =	vsub.f32 v0, v1  }
0x441: {  	v1 =	vld [tilespmem:s7+$0xFFFFFE80]  }
0x442: {  	[tilespmem:s6+$0x180] =	vst v0;
	v0 =	vld [tilespmem:s6+$0x190]  }
0x443: {  	v5 =	vld [tilespmem:s7+$0x190]  }
0x444: {  	v63 =	vld [tilespmem:s6+$0xFFFFFE30];
	v4 =	vsub.f32 v4, v6  }
0x445: {  	v6 =	vld [tilespmem:s7+$0x100]  }
0x446: {  	[tilespmem:s6+$0xFFFFFF00] =	vst v4;
	v4 =	vsub.f32 v9, v10;
	v10 =	vld [tilespmem:s6+$0xFFFFFE90];
	v1 =	vsub.f32 v3, v1  }
0x447: {  	v3 =	vld [tilespmem:s6+$0x100]  }
0x448: {  	[tilespmem:s6+$0xFFFFFE80] =	vst v1;
	v0 =	vsub.f32 v0, v5;
	v5 =	vld [tilespmem:s6+$0x80]  }
0x449: {  	v1 =	vsub.f32 v7, v8;
	v8 =	vld [tilespmem:s7+$0xFFFFFE90]  }
0x44a: {  	[tilespmem:s6+$0x190] =	vst v0;
	v0 =	vld [tilespmem:s6+$0x1A0]  }
0x44b: {  	[tilespmem:s6+$0x0] =	vst v4;
	v12 =	vld [tilespmem:s7+$0x1A0]  }
0x44c: {  	v9 =	vld [tilespmem:s7+$0x10]  }
0x44d: {  	v7 =	vld [tilespmem:s6+$0xFFFFFE00]  }
0x44e: {  	[tilespmem:s6+$0xFFFFFF80] =	vst v1;
	v1 =	vld [tilespmem:s7+$0xFFFFFF10]  }
0x44f: {  	v4 =	vld [tilespmem:s7+$0xFFFFFF90];
	v8 =	vsub.f32 v10, v8  }
0x450: {  	v5 =	vsub.f32 v5, v11;
	v11 =	vld [tilespmem:s6+$0xFFFFFF10];
	v0 =	vsub.f32 v0, v12  }
0x451: {  	v10 =	vld [tilespmem:s6+$0x110];
	[tilespmem:s6+$0xFFFFFE90] =	vst v8  }
0x452: {  	v8 =	vld [tilespmem:s7+$0xFFFFFEA0];
	[tilespmem:s6+$0x1A0] =	vst v0;
	v0 =	vsub.f32 v7, v2  }
0x453: {  	[tilespmem:s6+$0x80] =	vst v5;
	v7 =	vld [tilespmem:s6+$0x1B0];
	v2 =	vsub.f32 v3, v6  }
0x454: {  	v5 =	vld [tilespmem:s7+$0x1B0];
	[tilespmem:s6+$0xFFFFFE00] =	vst v0  }
0x455: {  	v1 =	vsub.f32 v11, v1;
	[tilespmem:s6+$0x100] =	vst v2;
	v2 =	vld [tilespmem:s6+$0xFFFFFE10]  }
0x456: {  	v3 =	vld [tilespmem:s7+$0xFFFFFE10]  }
0x457: {  	[tilespmem:s6+$0xFFFFFF10] =	vst v1;
	v1 =	vsub.f32 v13, v9;
	v6 =	vld [tilespmem:s7+$0x110]  }
0x458: {  	v4 =	vsub.f32 v60, v4;
	v0 =	vld [tilespmem:s7+$0x90]  }
0x459: {  	v9 =	vld [tilespmem:s7+$0xFFFFFF20];
	[tilespmem:s6+$0x10] =	vst v1  }
0x45a: {  	[tilespmem:s6+$0xFFFFFF90] =	vst v4;
	v4 =	vld [tilespmem:s7+$0x20]  }
0x45b: {  	v2 =	vsub.f32 v2, v3;
	v3 =	vld [tilespmem:s6+$0x90]  }
0x45c: {  	v1 =	vsub.f32 v10, v6;
	v10 =	vld [tilespmem:s6+$0xFFFFFF20]  }
0x45d: {  	[tilespmem:s6+$0xFFFFFE10] =	vst v2;
	v2 =	vld [tilespmem:s6+$0xFFFFFE20]  }
0x45e: {  	v11 =	vld [tilespmem:s7+$0xFFFFFE20]  }
0x45f: {  	v5 =	vsub.f32 v7, v5;
	[tilespmem:s6+$0x110] =	vst v1;
	v1 =	vld [tilespmem:s6+$0xFFFFFEA0]  }
0x460: {  	v7 =	vld [tilespmem:s6+$0x30]  }
0x461: {  	[tilespmem:s6+$0x1B0] =	vst v5;
	v5 =	vld [tilespmem:s6+$0xB0]  }
0x462: {  	v6 =	vld [tilespmem:s7+$0x120]  }
0x463: {  	v0 =	vsub.f32 v3, v0;
	v3 =	vld [tilespmem:s7+$0xFFFFFFA0];
	v2 =	vsub.f32 v2, v11  }
0x464: {  	v1 =	vsub.f32 v1, v8;
	v8 =	vsub.f32 v10, v9;
	v9 =	vld [tilespmem:s6+$0xFFFFFF30]  }
0x465: {  	[tilespmem:s6+$0xFFFFFE20] =	vst v2;
	v2 =	vld [tilespmem:s6+$0x120]  }
0x466: {  	[tilespmem:s6+$0x90] =	vst v0;
	v11 =	vld [tilespmem:s6+$0x20]  }
0x467: {  	v0 =	vld [tilespmem:s7+$0xA0];
	[tilespmem:s6+$0xFFFFFEA0] =	vst v1  }
0x468: {  	[tilespmem:s6+$0xFFFFFF20] =	vst v8;
	v8 =	vld [tilespmem:s6+$0xFFFFFFB0]  }
0x469: {  	v1 =	vsub.f32 v61, v3;
	v14 =	vld [tilespmem:s7+$0xFFFFFEB0]  }
0x46a: {  	v10 =	vld [tilespmem:s7+$0xFFFFFE30];
	v6 =	vsub.f32 v2, v6  }
0x46b: {  	[tilespmem:s6+$0xFFFFFFA0] =	vst v1;
	v3 =	vsub.f32 v11, v4;
	v4 =	vld [tilespmem:s7+$0xFFFFFF30]  }
0x46c: {  	v0 =	vsub.f32 v62, v0;
	[tilespmem:s6+$0x120] =	vst v6;
	v6 =	vld [tilespmem:s6+$0xFFFFFEB0]  }
0x46d: {  	v1 =	vld [tilespmem:s7+$0xFFFFFFB0];
	[tilespmem:s6+$0x20] =	vst v3  }
0x46e: {  	[tilespmem:s6+$0xA0] =	vst v0;
	v2 =	vld [tilespmem:s7+$0x30]  }
0x46f: {  	v3 =	vld [tilespmem:s7+$0xB0];
	v10 =	vsub.f32 v63, v10  }
0x470: {  	v0 =	vld [tilespmem:s7+$0x130]  }
0x471: {  	s8 =	simm.s32 $0x0;
	s9 =	simm.s32 $0x4A00;
	[tilespmem:s6+$0xFFFFFE30] =	vst v10;
	v10 =	vsub.f32 v6, v14;
	v6 =	vld [tilespmem:s6+$0x130]  }
.LBB2_16:
0x472: {  	v11 =	vld [tilespmem:s9+$0x180];
	v4 =	vsub.f32 v9, v4;
	s7 =	sadd.s32 $0x400, s7  }
0x473: {  	s8 =	sadd.s32 $0x8, s8;
	v9 =	vld [tilespmem:s7+$0x180];
	[tilespmem:s6+$0xFFFFFEB0] =	vst v10;
	v1 =	vsub.f32 v8, v1  }
0x474: {  	p0 =	slt.u32 s8, $0x78;
	v8 =	vld [tilespmem:s7+$0xFFFFFE00];
	[tilespmem:s6+$0xFFFFFF30] =	vst v4;
	v2 =	vsub.f32 v7, v2  }
0x475: {  	v4 =	vld [tilespmem:s9+$0xFFFFFE80];
	[tilespmem:s6+$0xFFFFFFB0] =	vst v1;
	v1 =	vsub.f32 v5, v3  }
0x476: {  	v3 =	vld [tilespmem:s7+$0xFFFFFE80];
	[tilespmem:s6+$0x30] =	vst v2;
	v0 =	vsub.f32 v6, v0  }
0x477: {  	v2 =	vld [tilespmem:s9+$0xFFFFFF00];
	[tilespmem:s6+$0xB0] =	vst v1  }
0x478: {  	v1 =	vld [tilespmem:s7+$0xFFFFFF00];
	v5 =	vsub.f32 v11, v9;
	[tilespmem:s6+$0x130] =	vst v0;
	s6 =	smov.u32 s9  }
0x479: {  	v0 =	vld [tilespmem:s9+$0xFFFFFF80]  }
0x47a: {  	[tilespmem:s9+$0x180] =	vst v5;
	v5 =	vld [tilespmem:s9+$0x190]  }
0x47b: {  	v3 =	vsub.f32 v4, v3;
	v4 =	vld [tilespmem:s7+$0x190]  }
0x47c: {  	v6 =	vld [tilespmem:s7+$0xFFFFFF80]  }
0x47d: {  	[tilespmem:s9+$0xFFFFFE80] =	vst v3;
	v1 =	vsub.f32 v2, v1;
	v2 =	vld [tilespmem:s9+$0x0]  }
0x47e: {  	v3 =	vld [tilespmem:s7+$0x0]  }
0x47f: {  	[tilespmem:s9+$0xFFFFFF00] =	vst v1;
	v1 =	vld [tilespmem:s9+$0x80]  }
0x480: {  	v7 =	vld [tilespmem:s7+$0x80];
	v4 =	vsub.f32 v5, v4  }
0x481: {  	v0 =	vsub.f32 v0, v6;
	v5 =	vld [tilespmem:s9+$0x100]  }
0x482: {  	[tilespmem:s9+$0x190] =	vst v4;
	v4 =	vld [tilespmem:s9+$0x1A0]  }
0x483: {  	[tilespmem:s9+$0xFFFFFF80] =	vst v0;
	v0 =	vsub.f32 v2, v3;
	v2 =	vld [tilespmem:s7+$0x1A0]  }
0x484: {  	v3 =	vld [tilespmem:s7+$0x100]  }
0x485: {  	v6 =	vld [tilespmem:s9+$0xFFFFFE00];
	[tilespmem:s9+$0x0] =	vst v0;
	v0 =	vsub.f32 v1, v7  }
0x486: {  	v1 =	vld [tilespmem:s7+$0xFFFFFE90]  }
0x487: {  	v7 =	vld [tilespmem:s7+$0xFFFFFF10];
	[tilespmem:s9+$0x80] =	vst v0  }
0x488: {  	v0 =	vld [tilespmem:s7+$0xFFFFFF90];
	v2 =	vsub.f32 v4, v2  }
0x489: {  	v4 =	vld [tilespmem:s7+$0x10];
	v3 =	vsub.f32 v5, v3  }
0x48a: {  	v5 =	vsub.f32 v6, v8;
	[tilespmem:s9+$0x1A0] =	vst v2;
	v2 =	vld [tilespmem:s9+$0x1B0]  }
0x48b: {  	[tilespmem:s9+$0x100] =	vst v3;
	v3 =	vld [tilespmem:s7+$0x1B0]  }
0x48c: {  	[tilespmem:s9+$0xFFFFFE00] =	vst v5;
	v5 =	vld [tilespmem:s7+$0x90]  }
0x48d: {  	v6 =	vld [tilespmem:s7+$0xFFFFFE10]  }
0x48e: {  	v8 =	vld [tilespmem:s7+$0x110]  }
0x48f: {  	v9 =	vld [tilespmem:s9+$0xFFFFFE10]  }
0x490: {  	v10 =	vld [tilespmem:s9+$0xFFFFFE90];
	v2 =	vsub.f32 v2, v3  }
0x491: {  	v3 =	vld [tilespmem:s9+$0xFFFFFF10]  }
0x492: {  	v11 =	vld [tilespmem:s9+$0xFFFFFF90];
	[tilespmem:s9+$0x1B0] =	vst v2  }
0x493: {  	v2 =	vld [tilespmem:s9+$0x10]  }
0x494: {  	v6 =	vsub.f32 v9, v6;
	v9 =	vld [tilespmem:s9+$0x90]  }
0x495: {  	v1 =	vsub.f32 v10, v1;
	v10 =	vld [tilespmem:s9+$0x110]  }
0x496: {  	[tilespmem:s9+$0xFFFFFE10] =	vst v6;
	v6 =	vld [tilespmem:s9+$0xFFFFFE20];
	v3 =	vsub.f32 v3, v7  }
0x497: {  	v7 =	vld [tilespmem:s7+$0xFFFFFE20];
	[tilespmem:s9+$0xFFFFFE90] =	vst v1;
	v0 =	vsub.f32 v11, v0  }
0x498: {  	v1 =	vld [tilespmem:s7+$0xFFFFFEA0];
	[tilespmem:s9+$0xFFFFFF10] =	vst v3;
	v2 =	vsub.f32 v2, v4  }
0x499: {  	v3 =	vld [tilespmem:s7+$0xFFFFFF20];
	[tilespmem:s9+$0xFFFFFF90] =	vst v0;
	v0 =	vsub.f32 v9, v5  }
0x49a: {  	v4 =	vld [tilespmem:s7+$0xFFFFFFA0];
	[tilespmem:s9+$0x10] =	vst v2;
	v2 =	vsub.f32 v10, v8  }
0x49b: {  	v5 =	vld [tilespmem:s7+$0x20];
	[tilespmem:s9+$0x90] =	vst v0  }
0x49c: {  	v0 =	vsub.f32 v6, v7;
	v6 =	vld [tilespmem:s7+$0xA0];
	[tilespmem:s9+$0x110] =	vst v2  }
0x49d: {  	v2 =	vld [tilespmem:s7+$0x120]  }
0x49e: {  	[tilespmem:s9+$0xFFFFFE20] =	vst v0;
	v0 =	vld [tilespmem:s9+$0xFFFFFEA0]  }
0x49f: {  	v7 =	vld [tilespmem:s9+$0xFFFFFF20]  }
0x4a0: {  	v8 =	vld [tilespmem:s9+$0xFFFFFFA0]  }
0x4a1: {  	v9 =	vld [tilespmem:s9+$0x20]  }
0x4a2: {  	v10 =	vld [tilespmem:s9+$0xA0]  }
0x4a3: {  	v0 =	vsub.f32 v0, v1;
	v11 =	vld [tilespmem:s9+$0x120]  }
0x4a4: {  	v12 =	vld [tilespmem:s7+$0xFFFFFE30];
	v1 =	vsub.f32 v7, v3  }
0x4a5: {  	v3 =	vld [tilespmem:s9+$0xFFFFFE30];
	[tilespmem:s9+$0xFFFFFEA0] =	vst v0;
	v0 =	vsub.f32 v8, v4  }
0x4a6: {  	v13 =	vld [tilespmem:s7+$0xFFFFFEB0];
	[tilespmem:s9+$0xFFFFFF20] =	vst v1;
	v5 =	vsub.f32 v9, v5  }
0x4a7: {  	v4 =	vld [tilespmem:s7+$0xFFFFFF30];
	[tilespmem:s9+$0xFFFFFFA0] =	vst v0;
	v0 =	vsub.f32 v10, v6  }
0x4a8: {  	v1 =	vld [tilespmem:s7+$0xFFFFFFB0];
	[tilespmem:s9+$0x20] =	vst v5;
	v5 =	vsub.f32 v11, v2  }
0x4a9: {  	v2 =	vld [tilespmem:s7+$0x30];
	[tilespmem:s9+$0xA0] =	vst v0  }
0x4aa: {  	v6 =	vsub.f32 v3, v12;
	v3 =	vld [tilespmem:s7+$0xB0];
	[tilespmem:s9+$0x120] =	vst v5  }
0x4ab: {  	v0 =	vld [tilespmem:s7+$0x130]  }
0x4ac: {  	[tilespmem:s9+$0xFFFFFE30] =	vst v6;
	v6 =	vld [tilespmem:s9+$0xFFFFFEB0]  }
.Ltmp7:
0x4ad: {  	v9 =	vld [tilespmem:s9+$0xFFFFFF30];
	(pc) =	sbr.rel @p0 .LBB2_16-.Ltmp7, $4  }
0x4ae: {  	v8 =	vld [tilespmem:s9+$0xFFFFFFB0]  }
0x4af: {  	v7 =	vld [tilespmem:s9+$0x30]  }
0x4b0: {  	v5 =	vld [tilespmem:s9+$0xB0]  }
0x4b1: {  	s9 =	sadd.s32 $0x400, s9;
	v10 =	vsub.f32 v6, v13;
	v6 =	vld [tilespmem:s6+$0x130]  }
0x4b2: {  	v4 =	vsub.f32 v9, v4  }
0x4b3: {  	[tilespmem:s6+$0xFFFFFEB0] =	vst v10;
	v1 =	vsub.f32 v8, v1  }
0x4b4: {  	[tilespmem:s6+$0xFFFFFF30] =	vst v4;
	v2 =	vsub.f32 v7, v2  }
0x4b5: {  	[tilespmem:s6+$0xFFFFFFB0] =	vst v1;
	v63 =	vsub.f32 v5, v3  }
0x4b6: {  	[tilespmem:s6+$0x30] =	vst v2;
	v0 =	vsub.f32 v6, v0  }
0x4b7: {  	[tilespmem:s6+$0xB0] =	vst v63  }
0x4b8: {  	s5 =	sadd.s32 $0x1, s5;
	[tilespmem:s6+$0x130] =	vst v0  }
0x4b9: {  	[hbm4b:s20+s3] =	stream.linear.scatter [tilespmem:s26], [sflag:$0x6], $0x4000, $0x38;
	[tilespmem:$0x10400] =	vst v63  }
0x4ba: {  	p0 =	sne.s32 s5, s21;
	_ =	swait.ge [sflag:s31], $0x4000  }
.Ltmp8:
0x4bb: {  	[sflag:s31] =	ssyncset.done $0x0;
	(pc) =	sbr.rel @p0 .LBB2_1-.Ltmp8, $4  }
0x4bc: {  	[sflag:s31] =	ssyncadd.s32 $0xFFFFC000  }
0x4bd: {  	_ =	swait.ge [sflag:s4], $0x4000  }
0x4be: {  	[sflag:s4] =	ssyncset.done $0x0  }
0x4bf: {  	[sflag:s4] =	ssyncadd.s32 $0xFFFFC000  }
0x4c0: {  	_ =	sfence.sel $0x180000  }
0x4c1: {  	[bflag:$0x0] =	sbarrier.arrive $0xFFFF  }
0x4c2: {  	_ =	strace $0x90000047  }
0x4c3: {  	s0 =	stileid.u32;
	[bflag:$0x2] =	sbarrier.arrive $0xFFFF  }
0x4c4: {  	p0 =	sne.s32 s0, $0x0;
	s0 =	rddreg [dreg:$0x3]  }
0x4c5: {  	s0 =	sadd.s32 @!p0 $0x100000, s0  }
0x4c6: {  	[sflag:s0] =	ssyncadd.tile.s32 @!p0 $0x1;
	_ =	shalt  }
.Lfunc_end2:
_tile_overlayer_lowered:
.L_overlay_start_2:
0x4c7: {  	(tag) =	ssettag $0x2  }
0x4c8: {  	s0 =	rddreg [dreg:$0x0];
	s2 =	stileid.u32  }
0x4c9: {  	s1 =	rddreg [dreg:$0x1];
	p0 =	sne.s32 s2, $0x0  }
0x4ca: {  	s3 =	rddreg [dreg:$0x2];
	[bflag:$0x3] =	sbarrier.arrive $0xFFFF;
	s2 =	simm.s32 @!p0 $0x1C07  }
0x4cb: {  	[timem:s3], [sflag:s2] =	dma.local @!p0 [hbm:s0], s1  }
0x4cc: {  	s0 =	simm.s32 @!p0 $0x7  }
0x4cd: {  	_ =	swait.ge @!p0 [sflag:s0], s1  }
0x4ce: {  	s1 =	ssub.s32 @!p0 $0x0, s1;
	[sflag:s0] =	ssyncset.done @!p0 $0x0  }
0x4cf: {  	[sflag:s0] =	ssyncadd.s32 @!p0 s1  }
0x4d0: {  	[bflag:$0x3] =	sbarrier.arrive $0xFFFF  }
0x4d1: {  	_ =	shalt  }

</sc_bundles>
